<compile_context>
chip_gen: v7x
topology: tpu7x:2x2x1
jax: 0.10.2.dev20260603
libtpu: 0.0.44.dev20260713+nightly
codegen_flags: <defaults>
</compile_context>

<pallas_src>
import jax
import jax.numpy as jnp
from jax import lax
from jax.experimental import pallas as pl
from jax.experimental.pallas import tpu as pltpu
from jax.experimental.pallas import tpu_sc as plsc

NC, NS = 2, 16
NW = NC * NS
LANES = 16

_B, _K, _D, _L = 1024, 200, 128, 100000
EPW = _B // NW
IPW = EPW * _K
IDX_CHUNKS = (128, 72)
FULL_GROUPS = _K // LANES
LAST_K0 = _K - LANES
BROWS = (_L + _D - 1) // _D


def _body(u_hbm, v_hbm, sl_hbm, w_hbm, lab_hbm, bias_hbm, out_hbm,
          idx_v, u_v, v_v, bsl_v, o_v, sem, sem2, osem0, osem1):
    wid = lax.axis_index("s") * NC + lax.axis_index("c")
    base = wid * EPW

    pltpu.sync_copy(sl_hbm.at[pl.ds(wid * IPW, IPW)], idx_v)
    pltpu.sync_copy(u_hbm.at[pl.ds(base, EPW)], u_v)
    pltpu.sync_copy(v_hbm.at[pl.ds(base, EPW)], v_v)

    def phase1(bias_v):
        pltpu.sync_copy(bias_hbm, bias_v)

        def step(i, _):
            ivec = idx_v[pl.ds(i * LANES, LANES)]
            row = lax.shift_right_logical(ivec, 7)
            col = lax.bitwise_and(ivec, 127)
            bsl_v[pl.ds(i * LANES, LANES)] = plsc.load_gather(bias_v, [row, col])
            return 0

        lax.fori_loop(0, IPW // LANES, step, 0)

    pl.run_scoped(phase1, pltpu.VMEM((BROWS, _D), jnp.float32))

    lane = lax.broadcasted_iota(jnp.int32, (LANES,), 0)

    def fire(e, w_v, l_v, s):
        off = 0
        for n in IDX_CHUNKS:
            irow = idx_v.at[pl.ds(e * _K + off, n)]
            dst = pl.ds(off, n)
            pltpu.async_copy(w_hbm.at[irow], w_v.at[dst], s)
            pltpu.async_copy(lab_hbm.at[irow], l_v.at[dst], s)
            off += n

    def drain(e, w_v, l_v, s):
        off = 0
        for n in IDX_CHUNKS:
            irow = idx_v.at[pl.ds(e * _K + off, n)]
            dst = pl.ds(off, n)
            pltpu.make_async_copy(w_hbm.at[irow], w_v.at[dst], s).wait()
            pltpu.make_async_copy(lab_hbm.at[irow], l_v.at[dst], s).wait()
            off += n

    def compute(e, w_v, l_v, p):
        def one_group(k0):
            def dchunk(dc, accs):
                d0 = dc * LANES
                dsl = pl.ds(d0, LANES)
                uc = u_v[e, dsl]
                vc = v_v[e, dsl]
                return tuple(
                    accs[j] + uc * w_v[k0 + j, dsl] + vc * l_v[k0 + j, dsl]
                    for j in range(LANES))

            accs = lax.fori_loop(0, _D // LANES, dchunk,
                                 (jnp.zeros((LANES,), jnp.float32),) * LANES)
            r = bsl_v[pl.ds(e * _K + k0, LANES)]
            for j in range(LANES):
                r = jnp.where(lane == j, r + jnp.sum(accs[j]), r)
            o_v[p, pl.ds(k0, LANES)] = r

        def group(g, _):
            one_group(g * LANES)
            return 0

        lax.fori_loop(0, FULL_GROUPS, group, 0)
        one_group(LAST_K0)

    def phase2(w0, l0, w1, l1):
        fire(0, w0, l0, sem)

        def pair(eo, _):
            e0 = 2 * eo
            fire(e0 + 1, w1, l1, sem2)
            drain(e0, w0, l0, sem)

            @pl.when(eo > 0)
            def _():
                pltpu.make_async_copy(o_v.at[pl.ds(0, 1)],
                                      out_hbm.at[pl.ds(base, 1)], osem0).wait()

            compute(e0, w0, l0, 0)
            pltpu.async_copy(o_v.at[pl.ds(0, 1)],
                             out_hbm.at[pl.ds(base + e0, 1)], osem0)

            @pl.when(e0 + 2 < EPW)
            def _():
                fire(e0 + 2, w0, l0, sem)

            drain(e0 + 1, w1, l1, sem2)

            @pl.when(eo > 0)
            def _():
                pltpu.make_async_copy(o_v.at[pl.ds(1, 1)],
                                      out_hbm.at[pl.ds(base, 1)], osem1).wait()

            compute(e0 + 1, w1, l1, 1)
            pltpu.async_copy(o_v.at[pl.ds(1, 1)],
                             out_hbm.at[pl.ds(base + e0 + 1, 1)], osem1)
            return 0

        lax.fori_loop(0, EPW // 2, pair, 0)
        pltpu.make_async_copy(o_v.at[pl.ds(0, 1)],
                              out_hbm.at[pl.ds(base, 1)], osem0).wait()
        pltpu.make_async_copy(o_v.at[pl.ds(1, 1)],
                              out_hbm.at[pl.ds(base, 1)], osem1).wait()

    pl.run_scoped(phase2,
                  pltpu.VMEM((_K, _D), jnp.float32),
                  pltpu.VMEM((_K, _D), jnp.float32),
                  pltpu.VMEM((_K, _D), jnp.float32),
                  pltpu.VMEM((_K, _D), jnp.float32))


def kernel(input, labels, shortlist, weight, alpha, beta, bias):
    B, D = input.shape
    K = shortlist.shape[1]
    assert (B, K, D) == (_B, _K, _D) and weight.shape[0] == _L

    u = (input * jax.nn.sigmoid(alpha)).astype(jnp.float32)
    v = (input * jax.nn.sigmoid(beta)).astype(jnp.float32)
    sl = shortlist.astype(jnp.int32).reshape(B * K)
    bias2d = jnp.pad(bias.astype(jnp.float32).reshape(-1),
                     (0, BROWS * _D - _L)).reshape(BROWS, _D)

    mesh = plsc.VectorSubcoreMesh(core_axis_name="c", subcore_axis_name="s")
    fn = pl.kernel(
        _body,
        out_type=jax.ShapeDtypeStruct((B, K), jnp.float32),
        mesh=mesh,
        compiler_params=pltpu.CompilerParams(needs_layout_passes=False),
        scratch_types=[
            pltpu.VMEM((IPW,), jnp.int32),
            pltpu.VMEM((EPW, _D), jnp.float32),
            pltpu.VMEM((EPW, _D), jnp.float32),
            pltpu.VMEM((IPW,), jnp.float32),
            pltpu.VMEM((2, _K), jnp.float32),
            pltpu.SemaphoreType.DMA,
            pltpu.SemaphoreType.DMA,
            pltpu.SemaphoreType.DMA,
            pltpu.SemaphoreType.DMA,
        ],
    )
    return fn(u, v, sl, weight, labels, bias2d)

# --- scband reference (transcript-rebuilt; emitter-appended) ---
"""Pipeline reference for scband-combine-uv-22952305230107 (READ-ONLY COPY).

The authoritative reference and input builder live on the scoring server;
editing this copy changes nothing except your own understanding.
"""

import jax, jax.numpy as jnp
import numpy as np
import math

L = 100000   # output_size (num labels)
D = 128      # input_size (embedding dim)
B = 1024     # batch
K = 200      # shortlist length


def setup_inputs(seed: int = 0) -> dict:
    key = jax.random.key(seed)
    k1, k2, k3, k4 = jax.random.split(key, 4)
    inp = jax.random.normal(k1, (B, D), dtype=jnp.float32)
    labels = jax.random.normal(k2, (L, D), dtype=jnp.float32)
    shortlist = jax.random.randint(k3, (B, K), 0, L, dtype=jnp.int64)
    # learned parameters per reset_parameters()
    stdv = 1.0 / math.sqrt(D)
    weight = jax.random.uniform(k4, (L, D), dtype=jnp.float32, minval=-stdv, maxval=stdv)
    alpha = jnp.zeros((1, D), dtype=jnp.float32)
    beta = jnp.zeros((1, D), dtype=jnp.float32)
    bias = jnp.zeros((L, 1), dtype=jnp.float32)  # sparse=True => bias is [L, 1]
    return {"input": inp, "labels": labels, "shortlist": shortlist,
            "weight": weight, "alpha": alpha, "beta": beta, "bias": bias}


def reference(input, labels, shortlist, weight, alpha, beta, bias):
    # _get_rebuild with shortlist_first=None: combine refinement weight and label embedding
    lbl_clf = jax.nn.sigmoid(alpha) * weight + jax.nn.sigmoid(beta) * labels  # [L, D]
    # shortlist path: embedding lookup (gather) of classifiers and biases
    lbl_sl = jnp.take(lbl_clf, shortlist, axis=0)   # [B, K, D]
    bias_sl = jnp.take(bias, shortlist, axis=0)     # [B, K, 1]
    # batched matvec: [B,1,D] @ [B,D,K] -> [B,1,K]
    out = jnp.matmul(input[:, None, :], jnp.transpose(lbl_sl, (0, 2, 1)))
    out = jnp.squeeze(out, axis=1) + jnp.squeeze(bias_sl, axis=-1)  # [B, K]
    return out

if __name__ == "__main__":
    import jax
    _d = setup_inputs()
    print(jax.jit(kernel)(*tuple(_d.values())))

</pallas_src>

<mosaic_0001>
#map = affine_map<(d0, d1) -> (0, 0)>
#map1 = affine_map<(d0, d1) -> (0)>
module attributes {stable_mosaic.version = 14 : i64} {
  func.func @_body(%arg0: i32, %arg1: i32, %arg2: memref<1024x128xf32, #tpu.memory_space<hbm>>, %arg3: memref<1024x128xf32, #tpu.memory_space<hbm>>, %arg4: memref<204800xi32, #tpu.memory_space<hbm>>, %arg5: memref<100000x128xf32, #tpu.memory_space<hbm>>, %arg6: memref<100000x128xf32, #tpu.memory_space<hbm>>, %arg7: memref<782x128xf32, #tpu.memory_space<hbm>>, %arg8: memref<1024x200xf32, #tpu.memory_space<hbm>>, %arg9: memref<6400xi32, #tpu.memory_space<vmem>>, %arg10: memref<32x128xf32, #tpu.memory_space<vmem>>, %arg11: memref<32x128xf32, #tpu.memory_space<vmem>>, %arg12: memref<6400xf32, #tpu.memory_space<vmem>>, %arg13: memref<2x200xf32, #tpu.memory_space<vmem>>, %arg14: memref<!tpu.dma_semaphore, #tpu.memory_space<semaphore_mem>>, %arg15: memref<!tpu.dma_semaphore, #tpu.memory_space<semaphore_mem>>, %arg16: memref<!tpu.dma_semaphore, #tpu.memory_space<semaphore_mem>>, %arg17: memref<!tpu.dma_semaphore, #tpu.memory_space<semaphore_mem>>) attributes {dimension_semantics = [#tpu.dimension_semantics<core_parallel>, #tpu.dimension_semantics<subcore_parallel>], iteration_bounds = array<i64: 2, 16>, scalar_prefetch = 0 : i64, scratch_operands = 9 : i64, tpu.core_type = #tpu.core_type<sc_vector_subcore>, window_params = [{transform_indices = #map}, {transform_indices = #map}, {transform_indices = #map1}, {transform_indices = #map}, {transform_indices = #map}, {transform_indices = #map}, {transform_indices = #map}]} {
    %mul3A = arith.constant 2 : i32
    %mul3A_0 = arith.muli %arg1, %mul3A : i32
    %add3A = arith.addi %mul3A_0, %arg0 : i32
    %mul3A_1 = arith.constant 32 : i32
    %mul3A_2 = arith.muli %add3A, %mul3A_1 : i32
    %mul3A_3 = arith.constant 6400 : i32
    %mul3A_4 = arith.muli %add3A, %mul3A_3 : i32
    "tpu.region"() ({
      %run_scoped3A = tpu.sem_alloc : memref<!tpu.dma_semaphore, #tpu.memory_space<semaphore_mem>>
      %dma_start3A = tpu.memref_slice %arg4[%mul3A_4] : memref<204800xi32, #tpu.memory_space<hbm>> -> memref<6400xi32, #tpu.memory_space<hbm>>
      %dma_start3A_5 = tpu.memref_slice %arg4[%mul3A_4] : memref<204800xi32, #tpu.memory_space<hbm>> -> memref<6400xi32, #tpu.memory_space<hbm>>
      tpu.enqueue_dma source(%dma_start3A_5 : memref<6400xi32, #tpu.memory_space<hbm>>) target(%arg9 : memref<6400xi32, #tpu.memory_space<vmem>>) target_semaphore(%run_scoped3A : memref<!tpu.dma_semaphore, #tpu.memory_space<semaphore_mem>>)
      %dma_wait3A = tpu.memref_slice %arg4[%mul3A_4] : memref<204800xi32, #tpu.memory_space<hbm>> -> memref<6400xi32, #tpu.memory_space<hbm>>
      %dma_wait3A_6 = tpu.memref_slice %arg4[%mul3A_4] : memref<204800xi32, #tpu.memory_space<hbm>> -> memref<6400xi32, #tpu.memory_space<hbm>>
      tpu.wait_dma2 semaphore(%run_scoped3A : memref<!tpu.dma_semaphore, #tpu.memory_space<semaphore_mem>>) src(%dma_wait3A_6 : memref<6400xi32, #tpu.memory_space<hbm>>) dst(%arg9 : memref<6400xi32, #tpu.memory_space<vmem>>)
      tpu.yield
    }) : () -> ()
    "tpu.region"() ({
      %run_scoped3A = tpu.sem_alloc : memref<!tpu.dma_semaphore, #tpu.memory_space<semaphore_mem>>
      %dma_start3A = arith.constant 0 : i32
      %dma_start3A_5 = tpu.memref_slice %arg2[%mul3A_2, %dma_start3A] : memref<1024x128xf32, #tpu.memory_space<hbm>> -> memref<32x128xf32, #tpu.memory_space<hbm>>
      %dma_start3A_6 = arith.constant 0 : i32
      %dma_start3A_7 = tpu.memref_slice %arg2[%mul3A_2, %dma_start3A_6] : memref<1024x128xf32, #tpu.memory_space<hbm>> -> memref<32x128xf32, #tpu.memory_space<hbm>>
      tpu.enqueue_dma source(%dma_start3A_7 : memref<32x128xf32, #tpu.memory_space<hbm>>) target(%arg10 : memref<32x128xf32, #tpu.memory_space<vmem>>) target_semaphore(%run_scoped3A : memref<!tpu.dma_semaphore, #tpu.memory_space<semaphore_mem>>)
      %dma_wait3A = arith.constant 0 : i32
      %dma_wait3A_8 = tpu.memref_slice %arg2[%mul3A_2, %dma_wait3A] : memref<1024x128xf32, #tpu.memory_space<hbm>> -> memref<32x128xf32, #tpu.memory_space<hbm>>
      %dma_wait3A_9 = arith.constant 0 : i32
      %dma_wait3A_10 = tpu.memref_slice %arg2[%mul3A_2, %dma_wait3A_9] : memref<1024x128xf32, #tpu.memory_space<hbm>> -> memref<32x128xf32, #tpu.memory_space<hbm>>
      tpu.wait_dma2 semaphore(%run_scoped3A : memref<!tpu.dma_semaphore, #tpu.memory_space<semaphore_mem>>) src(%dma_wait3A_10 : memref<32x128xf32, #tpu.memory_space<hbm>>) dst(%arg10 : memref<32x128xf32, #tpu.memory_space<vmem>>)
      tpu.yield
    }) : () -> ()
    "tpu.region"() ({
      %run_scoped3A = tpu.sem_alloc : memref<!tpu.dma_semaphore, #tpu.memory_space<semaphore_mem>>
      %dma_start3A = arith.constant 0 : i32
      %dma_start3A_5 = tpu.memref_slice %arg3[%mul3A_2, %dma_start3A] : memref<1024x128xf32, #tpu.memory_space<hbm>> -> memref<32x128xf32, #tpu.memory_space<hbm>>
      %dma_start3A_6 = arith.constant 0 : i32
      %dma_start3A_7 = tpu.memref_slice %arg3[%mul3A_2, %dma_start3A_6] : memref<1024x128xf32, #tpu.memory_space<hbm>> -> memref<32x128xf32, #tpu.memory_space<hbm>>
      tpu.enqueue_dma source(%dma_start3A_7 : memref<32x128xf32, #tpu.memory_space<hbm>>) target(%arg11 : memref<32x128xf32, #tpu.memory_space<vmem>>) target_semaphore(%run_scoped3A : memref<!tpu.dma_semaphore, #tpu.memory_space<semaphore_mem>>)
      %dma_wait3A = arith.constant 0 : i32
      %dma_wait3A_8 = tpu.memref_slice %arg3[%mul3A_2, %dma_wait3A] : memref<1024x128xf32, #tpu.memory_space<hbm>> -> memref<32x128xf32, #tpu.memory_space<hbm>>
      %dma_wait3A_9 = arith.constant 0 : i32
      %dma_wait3A_10 = tpu.memref_slice %arg3[%mul3A_2, %dma_wait3A_9] : memref<1024x128xf32, #tpu.memory_space<hbm>> -> memref<32x128xf32, #tpu.memory_space<hbm>>
      tpu.wait_dma2 semaphore(%run_scoped3A : memref<!tpu.dma_semaphore, #tpu.memory_space<semaphore_mem>>) src(%dma_wait3A_10 : memref<32x128xf32, #tpu.memory_space<hbm>>) dst(%arg11 : memref<32x128xf32, #tpu.memory_space<vmem>>)
      tpu.yield
    }) : () -> ()
    "tpu.region"() ({
      %run_scoped3A = memref.alloca() : memref<782x128xf32, #tpu.memory_space<vmem>>
      "tpu.region"() ({
        %run_scoped3A_11 = tpu.sem_alloc : memref<!tpu.dma_semaphore, #tpu.memory_space<semaphore_mem>>
        tpu.enqueue_dma source(%arg7 : memref<782x128xf32, #tpu.memory_space<hbm>>) target(%run_scoped3A : memref<782x128xf32, #tpu.memory_space<vmem>>) target_semaphore(%run_scoped3A_11 : memref<!tpu.dma_semaphore, #tpu.memory_space<semaphore_mem>>)
        tpu.wait_dma2 semaphore(%run_scoped3A_11 : memref<!tpu.dma_semaphore, #tpu.memory_space<semaphore_mem>>) src(%arg7 : memref<782x128xf32, #tpu.memory_space<hbm>>) dst(%run_scoped3A : memref<782x128xf32, #tpu.memory_space<vmem>>)
        tpu.yield
      }) : () -> ()
      %scan3A = arith.constant 0 : i32
      %scan3A_5 = arith.constant 0 : i32
      %scan3A_6 = arith.constant 400 : i32
      %scan3A_7 = arith.addi %scan3A_5, %scan3A_6 : i32
      %scan3A_8 = arith.constant 1 : i32
      %scan3A_9 = scf.for %scan3A_11 = %scan3A_5 to %scan3A_7 step %scan3A_8 iter_args(%scan3A_12 = %scan3A) -> (i32)  : i32 {
        %mul3A_13 = arith.constant 16 : i32
        %mul3A_14 = arith.muli %scan3A_11, %mul3A_13 : i32
        %get3A = arith.index_cast %mul3A_14 : i32 to index
        %get3A_15 = tpu.vector_load %arg9[%get3A] {strides = array<i32>} : memref<6400xi32, #tpu.memory_space<vmem>>, vector<16xi32>,
        %shift_right_logical3A = arith.constant 7 : i32
        %shift_right_logical3A_16 = vector.broadcast %shift_right_logical3A : i32 to vector<16xi32>
        %shift_right_logical3A_17 = arith.shrui %get3A_15, %shift_right_logical3A_16 : vector<16xi32>
        %and3A = arith.constant 127 : i32
        %and3A_18 = vector.broadcast %and3A : i32 to vector<16xi32>
        %and3A_19 = arith.andi %get3A_15, %and3A_18 : vector<16xi32>
        %gather3A = tpu.vector_load_idx %run_scoped3A[%shift_right_logical3A_17, %and3A_19] : memref<782x128xf32, #tpu.memory_space<vmem>>[vector<16xi32>, vector<16xi32>], vector<16xf32>,
        %mul3A_20 = arith.constant 16 : i32
        %mul3A_21 = arith.muli %scan3A_11, %mul3A_20 : i32
        %swap3A = arith.index_cast %mul3A_21 : i32 to index
        %swap3A_22 = tpu.vector_load %arg12[%swap3A] {strides = array<i32>} : memref<6400xf32, #tpu.memory_space<vmem>>, vector<16xf32>,
        tpu.vector_store %arg12[%swap3A], %gather3A {strides = array<i32>} : memref<6400xf32, #tpu.memory_space<vmem>>, vector<16xf32>,
        %scan3A_23 = arith.constant 0 : i32
        scf.yield %scan3A_23 : i32
      }
      %scan3A_10 = arith.constant 400 : i32
      tpu.yield
    }) : () -> ()
    %iota3A = tpu.iota {dimensions = array<i32: 0>} : vector<16xi32>
    "tpu.region"() ({
      %run_scoped3A = memref.alloca() : memref<200x128xf32, #tpu.memory_space<vmem>>
      %run_scoped3A_5 = memref.alloca() : memref<200x128xf32, #tpu.memory_space<vmem>>
      %run_scoped3A_6 = memref.alloca() : memref<200x128xf32, #tpu.memory_space<vmem>>
      %run_scoped3A_7 = memref.alloca() : memref<200x128xf32, #tpu.memory_space<vmem>>
      %dma_start3A = arith.constant 0 : i32
      %dma_start3A_8 = arith.constant 0 : i32
      %dma_start3A_9 = tpu.memref_slice %run_scoped3A[%dma_start3A, %dma_start3A_8] : memref<200x128xf32, #tpu.memory_space<vmem>> -> memref<128x128xf32, #tpu.memory_space<vmem>>
      %dma_start3A_10 = arith.constant 0 : i32
      %dma_start3A_11 = tpu.memref_slice %arg9[%dma_start3A_10] : memref<6400xi32, #tpu.memory_space<vmem>> -> memref<128xi32, #tpu.memory_space<vmem>>
      %dma_start3A_12 = arith.constant 0 : i32
      %dma_start3A_13 = arith.constant 0 : i32
      %dma_start3A_14 = tpu.memref_slice %arg5[%dma_start3A_12, %dma_start3A_13] : memref<100000x128xf32, #tpu.memory_space<hbm>> -> memref<100000x128xf32, #tpu.memory_space<hbm>>
      tpu.enqueue_indirect_dma source(%dma_start3A_14 : memref<100000x128xf32, #tpu.memory_space<hbm>>) target(%dma_start3A_9 : memref<128x128xf32, #tpu.memory_space<vmem>>) offsets(%dma_start3A_11 : memref<128xi32, #tpu.memory_space<vmem>>) semaphore(%arg14 : memref<!tpu.dma_semaphore, #tpu.memory_space<semaphore_mem>>)
      %dma_start3A_15 = arith.constant 0 : i32
      %dma_start3A_16 = arith.constant 0 : i32
      %dma_start3A_17 = tpu.memref_slice %run_scoped3A_5[%dma_start3A_15, %dma_start3A_16] : memref<200x128xf32, #tpu.memory_space<vmem>> -> memref<128x128xf32, #tpu.memory_space<vmem>>
      %dma_start3A_18 = arith.constant 0 : i32
      %dma_start3A_19 = tpu.memref_slice %arg9[%dma_start3A_18] : memref<6400xi32, #tpu.memory_space<vmem>> -> memref<128xi32, #tpu.memory_space<vmem>>
      %dma_start3A_20 = arith.constant 0 : i32
      %dma_start3A_21 = arith.constant 0 : i32
      %dma_start3A_22 = tpu.memref_slice %arg6[%dma_start3A_20, %dma_start3A_21] : memref<100000x128xf32, #tpu.memory_space<hbm>> -> memref<100000x128xf32, #tpu.memory_space<hbm>>
      tpu.enqueue_indirect_dma source(%dma_start3A_22 : memref<100000x128xf32, #tpu.memory_space<hbm>>) target(%dma_start3A_17 : memref<128x128xf32, #tpu.memory_space<vmem>>) offsets(%dma_start3A_19 : memref<128xi32, #tpu.memory_space<vmem>>) semaphore(%arg14 : memref<!tpu.dma_semaphore, #tpu.memory_space<semaphore_mem>>)
      %dma_start3A_23 = arith.constant 128 : i32
      %dma_start3A_24 = arith.constant 0 : i32
      %dma_start3A_25 = tpu.memref_slice %run_scoped3A[%dma_start3A_23, %dma_start3A_24] : memref<200x128xf32, #tpu.memory_space<vmem>> -> memref<72x128xf32, #tpu.memory_space<vmem>>
      %dma_start3A_26 = arith.constant 128 : i32
      %dma_start3A_27 = tpu.memref_slice %arg9[%dma_start3A_26] : memref<6400xi32, #tpu.memory_space<vmem>> -> memref<72xi32, #tpu.memory_space<vmem>>
      %dma_start3A_28 = arith.constant 0 : i32
      %dma_start3A_29 = arith.constant 0 : i32
      %dma_start3A_30 = tpu.memref_slice %arg5[%dma_start3A_28, %dma_start3A_29] : memref<100000x128xf32, #tpu.memory_space<hbm>> -> memref<100000x128xf32, #tpu.memory_space<hbm>>
      tpu.enqueue_indirect_dma source(%dma_start3A_30 : memref<100000x128xf32, #tpu.memory_space<hbm>>) target(%dma_start3A_25 : memref<72x128xf32, #tpu.memory_space<vmem>>) offsets(%dma_start3A_27 : memref<72xi32, #tpu.memory_space<vmem>>) semaphore(%arg14 : memref<!tpu.dma_semaphore, #tpu.memory_space<semaphore_mem>>)
      %dma_start3A_31 = arith.constant 128 : i32
      %dma_start3A_32 = arith.constant 0 : i32
      %dma_start3A_33 = tpu.memref_slice %run_scoped3A_5[%dma_start3A_31, %dma_start3A_32] : memref<200x128xf32, #tpu.memory_space<vmem>> -> memref<72x128xf32, #tpu.memory_space<vmem>>
      %dma_start3A_34 = arith.constant 128 : i32
      %dma_start3A_35 = tpu.memref_slice %arg9[%dma_start3A_34] : memref<6400xi32, #tpu.memory_space<vmem>> -> memref<72xi32, #tpu.memory_space<vmem>>
      %dma_start3A_36 = arith.constant 0 : i32
      %dma_start3A_37 = arith.constant 0 : i32
      %dma_start3A_38 = tpu.memref_slice %arg6[%dma_start3A_36, %dma_start3A_37] : memref<100000x128xf32, #tpu.memory_space<hbm>> -> memref<100000x128xf32, #tpu.memory_space<hbm>>
      tpu.enqueue_indirect_dma source(%dma_start3A_38 : memref<100000x128xf32, #tpu.memory_space<hbm>>) target(%dma_start3A_33 : memref<72x128xf32, #tpu.memory_space<vmem>>) offsets(%dma_start3A_35 : memref<72xi32, #tpu.memory_space<vmem>>) semaphore(%arg14 : memref<!tpu.dma_semaphore, #tpu.memory_space<semaphore_mem>>)
      %scan3A = arith.constant 0 : i32
      %scan3A_39 = arith.constant 0 : i32
      %scan3A_40 = arith.constant 16 : i32
      %scan3A_41 = arith.addi %scan3A_39, %scan3A_40 : i32
      %scan3A_42 = arith.constant 1 : i32
      %scan3A_43 = scf.for %scan3A_64 = %scan3A_39 to %scan3A_41 step %scan3A_42 iter_args(%scan3A_65 = %scan3A) -> (i32)  : i32 {
        %mul3A_66 = arith.constant 2 : i32
        %mul3A_67 = arith.muli %mul3A_66, %scan3A_64 : i32
        %add3A_68 = arith.constant 1 : i32
        %add3A_69 = arith.addi %mul3A_67, %add3A_68 : i32
        %mul3A_70 = arith.constant 200 : i32
        %mul3A_71 = arith.muli %add3A_69, %mul3A_70 : i32
        %add3A_72 = arith.constant 0 : i32
        %add3A_73 = arith.addi %mul3A_71, %add3A_72 : i32
        %dma_start3A_74 = arith.constant 0 : i32
        %dma_start3A_75 = arith.constant 0 : i32
        %dma_start3A_76 = tpu.memref_slice %run_scoped3A_6[%dma_start3A_74, %dma_start3A_75] : memref<200x128xf32, #tpu.memory_space<vmem>> -> memref<128x128xf32, #tpu.memory_space<vmem>>
        %dma_start3A_77 = tpu.memref_slice %arg9[%add3A_73] : memref<6400xi32, #tpu.memory_space<vmem>> -> memref<128xi32, #tpu.memory_space<vmem>>
        %dma_start3A_78 = arith.constant 0 : i32
        %dma_start3A_79 = arith.constant 0 : i32
        %dma_start3A_80 = tpu.memref_slice %arg5[%dma_start3A_78, %dma_start3A_79] : memref<100000x128xf32, #tpu.memory_space<hbm>> -> memref<100000x128xf32, #tpu.memory_space<hbm>>
        tpu.enqueue_indirect_dma source(%dma_start3A_80 : memref<100000x128xf32, #tpu.memory_space<hbm>>) target(%dma_start3A_76 : memref<128x128xf32, #tpu.memory_space<vmem>>) offsets(%dma_start3A_77 : memref<128xi32, #tpu.memory_space<vmem>>) semaphore(%arg15 : memref<!tpu.dma_semaphore, #tpu.memory_space<semaphore_mem>>)
        %dma_start3A_81 = arith.constant 0 : i32
        %dma_start3A_82 = arith.constant 0 : i32
        %dma_start3A_83 = tpu.memref_slice %run_scoped3A_7[%dma_start3A_81, %dma_start3A_82] : memref<200x128xf32, #tpu.memory_space<vmem>> -> memref<128x128xf32, #tpu.memory_space<vmem>>
        %dma_start3A_84 = tpu.memref_slice %arg9[%add3A_73] : memref<6400xi32, #tpu.memory_space<vmem>> -> memref<128xi32, #tpu.memory_space<vmem>>
        %dma_start3A_85 = arith.constant 0 : i32
        %dma_start3A_86 = arith.constant 0 : i32
        %dma_start3A_87 = tpu.memref_slice %arg6[%dma_start3A_85, %dma_start3A_86] : memref<100000x128xf32, #tpu.memory_space<hbm>> -> memref<100000x128xf32, #tpu.memory_space<hbm>>
        tpu.enqueue_indirect_dma source(%dma_start3A_87 : memref<100000x128xf32, #tpu.memory_space<hbm>>) target(%dma_start3A_83 : memref<128x128xf32, #tpu.memory_space<vmem>>) offsets(%dma_start3A_84 : memref<128xi32, #tpu.memory_space<vmem>>) semaphore(%arg15 : memref<!tpu.dma_semaphore, #tpu.memory_space<semaphore_mem>>)
        %mul3A_88 = arith.constant 200 : i32
        %mul3A_89 = arith.muli %add3A_69, %mul3A_88 : i32
        %add3A_90 = arith.constant 128 : i32
        %add3A_91 = arith.addi %mul3A_89, %add3A_90 : i32
        %dma_start3A_92 = arith.constant 128 : i32
        %dma_start3A_93 = arith.constant 0 : i32
        %dma_start3A_94 = tpu.memref_slice %run_scoped3A_6[%dma_start3A_92, %dma_start3A_93] : memref<200x128xf32, #tpu.memory_space<vmem>> -> memref<72x128xf32, #tpu.memory_space<vmem>>
        %dma_start3A_95 = tpu.memref_slice %arg9[%add3A_91] : memref<6400xi32, #tpu.memory_space<vmem>> -> memref<72xi32, #tpu.memory_space<vmem>>
        %dma_start3A_96 = arith.constant 0 : i32
        %dma_start3A_97 = arith.constant 0 : i32
        %dma_start3A_98 = tpu.memref_slice %arg5[%dma_start3A_96, %dma_start3A_97] : memref<100000x128xf32, #tpu.memory_space<hbm>> -> memref<100000x128xf32, #tpu.memory_space<hbm>>
        tpu.enqueue_indirect_dma source(%dma_start3A_98 : memref<100000x128xf32, #tpu.memory_space<hbm>>) target(%dma_start3A_94 : memref<72x128xf32, #tpu.memory_space<vmem>>) offsets(%dma_start3A_95 : memref<72xi32, #tpu.memory_space<vmem>>) semaphore(%arg15 : memref<!tpu.dma_semaphore, #tpu.memory_space<semaphore_mem>>)
        %dma_start3A_99 = arith.constant 128 : i32
        %dma_start3A_100 = arith.constant 0 : i32
        %dma_start3A_101 = tpu.memref_slice %run_scoped3A_7[%dma_start3A_99, %dma_start3A_100] : memref<200x128xf32, #tpu.memory_space<vmem>> -> memref<72x128xf32, #tpu.memory_space<vmem>>
        %dma_start3A_102 = tpu.memref_slice %arg9[%add3A_91] : memref<6400xi32, #tpu.memory_space<vmem>> -> memref<72xi32, #tpu.memory_space<vmem>>
        %dma_start3A_103 = arith.constant 0 : i32
        %dma_start3A_104 = arith.constant 0 : i32
        %dma_start3A_105 = tpu.memref_slice %arg6[%dma_start3A_103, %dma_start3A_104] : memref<100000x128xf32, #tpu.memory_space<hbm>> -> memref<100000x128xf32, #tpu.memory_space<hbm>>
        tpu.enqueue_indirect_dma source(%dma_start3A_105 : memref<100000x128xf32, #tpu.memory_space<hbm>>) target(%dma_start3A_101 : memref<72x128xf32, #tpu.memory_space<vmem>>) offsets(%dma_start3A_102 : memref<72xi32, #tpu.memory_space<vmem>>) semaphore(%arg15 : memref<!tpu.dma_semaphore, #tpu.memory_space<semaphore_mem>>)
        %mul3A_106 = arith.constant 200 : i32
        %mul3A_107 = arith.muli %mul3A_67, %mul3A_106 : i32
        %add3A_108 = arith.constant 0 : i32
        %add3A_109 = arith.addi %mul3A_107, %add3A_108 : i32
        %dma_wait3A_110 = arith.constant 0 : i32
        %dma_wait3A_111 = arith.constant 0 : i32
        %dma_wait3A_112 = tpu.memref_slice %run_scoped3A[%dma_wait3A_110, %dma_wait3A_111] : memref<200x128xf32, #tpu.memory_space<vmem>> -> memref<128x128xf32, #tpu.memory_space<vmem>>
        %dma_wait3A_113 = tpu.memref_slice %arg9[%add3A_109] : memref<6400xi32, #tpu.memory_space<vmem>> -> memref<128xi32, #tpu.memory_space<vmem>>
        %dma_wait3A_114 = arith.constant 0 : i32
        %dma_wait3A_115 = arith.constant 0 : i32
        %dma_wait3A_116 = tpu.memref_slice %arg5[%dma_wait3A_114, %dma_wait3A_115] : memref<100000x128xf32, #tpu.memory_space<hbm>> -> memref<100000x128xf32, #tpu.memory_space<hbm>>
        tpu.wait_indirect_dma semaphore(%arg14 : memref<!tpu.dma_semaphore, #tpu.memory_space<semaphore_mem>>) src(%dma_wait3A_116 : memref<100000x128xf32, #tpu.memory_space<hbm>>) dst(%dma_wait3A_112 : memref<128x128xf32, #tpu.memory_space<vmem>>)
        %dma_wait3A_117 = arith.constant 0 : i32
        %dma_wait3A_118 = arith.constant 0 : i32
        %dma_wait3A_119 = tpu.memref_slice %run_scoped3A_5[%dma_wait3A_117, %dma_wait3A_118] : memref<200x128xf32, #tpu.memory_space<vmem>> -> memref<128x128xf32, #tpu.memory_space<vmem>>
        %dma_wait3A_120 = tpu.memref_slice %arg9[%add3A_109] : memref<6400xi32, #tpu.memory_space<vmem>> -> memref<128xi32, #tpu.memory_space<vmem>>
        %dma_wait3A_121 = arith.constant 0 : i32
        %dma_wait3A_122 = arith.constant 0 : i32
        %dma_wait3A_123 = tpu.memref_slice %arg6[%dma_wait3A_121, %dma_wait3A_122] : memref<100000x128xf32, #tpu.memory_space<hbm>> -> memref<100000x128xf32, #tpu.memory_space<hbm>>
        tpu.wait_indirect_dma semaphore(%arg14 : memref<!tpu.dma_semaphore, #tpu.memory_space<semaphore_mem>>) src(%dma_wait3A_123 : memref<100000x128xf32, #tpu.memory_space<hbm>>) dst(%dma_wait3A_119 : memref<128x128xf32, #tpu.memory_space<vmem>>)
        %mul3A_124 = arith.constant 200 : i32
        %mul3A_125 = arith.muli %mul3A_67, %mul3A_124 : i32
        %add3A_126 = arith.constant 128 : i32
        %add3A_127 = arith.addi %mul3A_125, %add3A_126 : i32
        %dma_wait3A_128 = arith.constant 128 : i32
        %dma_wait3A_129 = arith.constant 0 : i32
        %dma_wait3A_130 = tpu.memref_slice %run_scoped3A[%dma_wait3A_128, %dma_wait3A_129] : memref<200x128xf32, #tpu.memory_space<vmem>> -> memref<72x128xf32, #tpu.memory_space<vmem>>
        %dma_wait3A_131 = tpu.memref_slice %arg9[%add3A_127] : memref<6400xi32, #tpu.memory_space<vmem>> -> memref<72xi32, #tpu.memory_space<vmem>>
        %dma_wait3A_132 = arith.constant 0 : i32
        %dma_wait3A_133 = arith.constant 0 : i32
        %dma_wait3A_134 = tpu.memref_slice %arg5[%dma_wait3A_132, %dma_wait3A_133] : memref<100000x128xf32, #tpu.memory_space<hbm>> -> memref<100000x128xf32, #tpu.memory_space<hbm>>
        tpu.wait_indirect_dma semaphore(%arg14 : memref<!tpu.dma_semaphore, #tpu.memory_space<semaphore_mem>>) src(%dma_wait3A_134 : memref<100000x128xf32, #tpu.memory_space<hbm>>) dst(%dma_wait3A_130 : memref<72x128xf32, #tpu.memory_space<vmem>>)
        %dma_wait3A_135 = arith.constant 128 : i32
        %dma_wait3A_136 = arith.constant 0 : i32
        %dma_wait3A_137 = tpu.memref_slice %run_scoped3A_5[%dma_wait3A_135, %dma_wait3A_136] : memref<200x128xf32, #tpu.memory_space<vmem>> -> memref<72x128xf32, #tpu.memory_space<vmem>>
        %dma_wait3A_138 = tpu.memref_slice %arg9[%add3A_127] : memref<6400xi32, #tpu.memory_space<vmem>> -> memref<72xi32, #tpu.memory_space<vmem>>
        %dma_wait3A_139 = arith.constant 0 : i32
        %dma_wait3A_140 = arith.constant 0 : i32
        %dma_wait3A_141 = tpu.memref_slice %arg6[%dma_wait3A_139, %dma_wait3A_140] : memref<100000x128xf32, #tpu.memory_space<hbm>> -> memref<100000x128xf32, #tpu.memory_space<hbm>>
        tpu.wait_indirect_dma semaphore(%arg14 : memref<!tpu.dma_semaphore, #tpu.memory_space<semaphore_mem>>) src(%dma_wait3A_141 : memref<100000x128xf32, #tpu.memory_space<hbm>>) dst(%dma_wait3A_137 : memref<72x128xf32, #tpu.memory_space<vmem>>)
        %gt3A = arith.constant 0 : i32
        %gt3A_142 = arith.cmpi sgt, %scan3A_64, %gt3A : i32
        %convert_element_type3A = arith.extui %gt3A_142 : i1 to i32
        %cond3A = arith.constant 0 : i32
        %cond3A_143 = arith.cmpi ne, %convert_element_type3A, %cond3A : i32
        scf.if %cond3A_143 {
          %dma_wait3A_584 = arith.constant 0 : i32
          %dma_wait3A_585 = arith.constant 0 : i32
          %dma_wait3A_586 = tpu.memref_slice %arg13[%dma_wait3A_584, %dma_wait3A_585] : memref<2x200xf32, #tpu.memory_space<vmem>> -> memref<1x200xf32, #tpu.memory_space<vmem>>
          %dma_wait3A_587 = arith.constant 0 : i32
          %dma_wait3A_588 = tpu.memref_slice %arg8[%mul3A_2, %dma_wait3A_587] : memref<1024x200xf32, #tpu.memory_space<hbm>> -> memref<1x200xf32, #tpu.memory_space<hbm>>
          %dma_wait3A_589 = arith.constant 0 : i32
          %dma_wait3A_590 = tpu.memref_slice %arg8[%mul3A_2, %dma_wait3A_589] : memref<1024x200xf32, #tpu.memory_space<hbm>> -> memref<1x200xf32, #tpu.memory_space<hbm>>
          %dma_wait3A_591 = arith.constant 0 : i32
          %dma_wait3A_592 = arith.constant 0 : i32
          %dma_wait3A_593 = tpu.memref_slice %arg13[%dma_wait3A_591, %dma_wait3A_592] : memref<2x200xf32, #tpu.memory_space<vmem>> -> memref<1x200xf32, #tpu.memory_space<vmem>>
          tpu.wait_dma2 semaphore(%arg16 : memref<!tpu.dma_semaphore, #tpu.memory_space<semaphore_mem>>) src(%dma_wait3A_593 : memref<1x200xf32, #tpu.memory_space<vmem>>) dst(%dma_wait3A_590 : memref<1x200xf32, #tpu.memory_space<hbm>>)
        } else {
        }
        %scan3A_144 = arith.constant 0 : i32
        %scan3A_145 = arith.constant 0 : i32
        %scan3A_146 = arith.constant 12 : i32
        %scan3A_147 = arith.addi %scan3A_145, %scan3A_146 : i32
        %scan3A_148 = arith.constant 1 : i32
        %scan3A_149 = scf.for %scan3A_584 = %scan3A_145 to %scan3A_147 step %scan3A_148 iter_args(%scan3A_585 = %scan3A_144) -> (i32)  : i32 {
          %mul3A_586 = arith.constant 16 : i32
          %mul3A_587 = arith.muli %scan3A_584, %mul3A_586 : i32
          %broadcast_in_dim3A_588 = arith.constant 0.000000e+00 : f32
          %broadcast_in_dim3A_589 = vector.broadcast %broadcast_in_dim3A_588 : f32 to vector<16xf32>
          %scan3A_590 = arith.constant 0 : i32
          %scan3A_591 = arith.constant 8 : i32
          %scan3A_592 = arith.addi %scan3A_590, %scan3A_591 : i32
          %scan3A_593 = arith.constant 1 : i32
          %scan3A_594:16 = scf.for %scan3A_766 = %scan3A_590 to %scan3A_592 step %scan3A_593 iter_args(%scan3A_767 = %broadcast_in_dim3A_589, %scan3A_768 = %broadcast_in_dim3A_589, %scan3A_769 = %broadcast_in_dim3A_589, %scan3A_770 = %broadcast_in_dim3A_589, %scan3A_771 = %broadcast_in_dim3A_589, %scan3A_772 = %broadcast_in_dim3A_589, %scan3A_773 = %broadcast_in_dim3A_589, %scan3A_774 = %broadcast_in_dim3A_589, %scan3A_775 = %broadcast_in_dim3A_589, %scan3A_776 = %broadcast_in_dim3A_589, %scan3A_777 = %broadcast_in_dim3A_589, %scan3A_778 = %broadcast_in_dim3A_589, %scan3A_779 = %broadcast_in_dim3A_589, %scan3A_780 = %broadcast_in_dim3A_589, %scan3A_781 = %broadcast_in_dim3A_589, %scan3A_782 = %broadcast_in_dim3A_589) -> (vector<16xf32>, vector<16xf32>, vector<16xf32>, vector<16xf32>, vector<16xf32>, vector<16xf32>, vector<16xf32>, vector<16xf32>, vector<16xf32>, vector<16xf32>, vector<16xf32>, vector<16xf32>, vector<16xf32>, vector<16xf32>, vector<16xf32>, vector<16xf32>)  : i32 {
            %mul3A_783 = arith.constant 16 : i32
            %mul3A_784 = arith.muli %scan3A_766, %mul3A_783 : i32
            %get3A_785 = arith.index_cast %mul3A_67 : i32 to index
            %get3A_786 = arith.index_cast %mul3A_784 : i32 to index
            %get3A_787 = tpu.vector_load %arg10[%get3A_785, %get3A_786] {strides = array<i32>} : memref<32x128xf32, #tpu.memory_space<vmem>>, vector<16xf32>,
            %get3A_788 = arith.index_cast %mul3A_67 : i32 to index
            %get3A_789 = arith.index_cast %mul3A_784 : i32 to index
            %get3A_790 = tpu.vector_load %arg11[%get3A_788, %get3A_789] {strides = array<i32>} : memref<32x128xf32, #tpu.memory_space<vmem>>, vector<16xf32>,
            %add3A_791 = arith.constant 0 : i32
            %add3A_792 = arith.addi %mul3A_587, %add3A_791 : i32
            %get3A_793 = arith.index_cast %add3A_792 : i32 to index
            %get3A_794 = arith.index_cast %mul3A_784 : i32 to index
            %get3A_795 = tpu.vector_load %run_scoped3A[%get3A_793, %get3A_794] {strides = array<i32>} : memref<200x128xf32, #tpu.memory_space<vmem>>, vector<16xf32>,
            %mul3A_796 = arith.mulf %get3A_787, %get3A_795 : vector<16xf32>
            %add3A_797 = arith.addf %scan3A_767, %mul3A_796 : vector<16xf32>
            %add3A_798 = arith.constant 0 : i32
            %add3A_799 = arith.addi %mul3A_587, %add3A_798 : i32
            %get3A_800 = arith.index_cast %add3A_799 : i32 to index
            %get3A_801 = arith.index_cast %mul3A_784 : i32 to index
            %get3A_802 = tpu.vector_load %run_scoped3A_5[%get3A_800, %get3A_801] {strides = array<i32>} : memref<200x128xf32, #tpu.memory_space<vmem>>, vector<16xf32>,
            %mul3A_803 = arith.mulf %get3A_790, %get3A_802 : vector<16xf32>
            %add3A_804 = arith.addf %add3A_797, %mul3A_803 : vector<16xf32>
            %add3A_805 = arith.constant 1 : i32
            %add3A_806 = arith.addi %mul3A_587, %add3A_805 : i32
            %get3A_807 = arith.index_cast %add3A_806 : i32 to index
            %get3A_808 = arith.index_cast %mul3A_784 : i32 to index
            %get3A_809 = tpu.vector_load %run_scoped3A[%get3A_807, %get3A_808] {strides = array<i32>} : memref<200x128xf32, #tpu.memory_space<vmem>>, vector<16xf32>,
            %mul3A_810 = arith.mulf %get3A_787, %get3A_809 : vector<16xf32>
            %add3A_811 = arith.addf %scan3A_768, %mul3A_810 : vector<16xf32>
            %add3A_812 = arith.constant 1 : i32
            %add3A_813 = arith.addi %mul3A_587, %add3A_812 : i32
            %get3A_814 = arith.index_cast %add3A_813 : i32 to index
            %get3A_815 = arith.index_cast %mul3A_784 : i32 to index
            %get3A_816 = tpu.vector_load %run_scoped3A_5[%get3A_814, %get3A_815] {strides = array<i32>} : memref<200x128xf32, #tpu.memory_space<vmem>>, vector<16xf32>,
            %mul3A_817 = arith.mulf %get3A_790, %get3A_816 : vector<16xf32>
            %add3A_818 = arith.addf %add3A_811, %mul3A_817 : vector<16xf32>
            %add3A_819 = arith.constant 2 : i32
            %add3A_820 = arith.addi %mul3A_587, %add3A_819 : i32
            %get3A_821 = arith.index_cast %add3A_820 : i32 to index
            %get3A_822 = arith.index_cast %mul3A_784 : i32 to index
            %get3A_823 = tpu.vector_load %run_scoped3A[%get3A_821, %get3A_822] {strides = array<i32>} : memref<200x128xf32, #tpu.memory_space<vmem>>, vector<16xf32>,
            %mul3A_824 = arith.mulf %get3A_787, %get3A_823 : vector<16xf32>
            %add3A_825 = arith.addf %scan3A_769, %mul3A_824 : vector<16xf32>
            %add3A_826 = arith.constant 2 : i32
            %add3A_827 = arith.addi %mul3A_587, %add3A_826 : i32
            %get3A_828 = arith.index_cast %add3A_827 : i32 to index
            %get3A_829 = arith.index_cast %mul3A_784 : i32 to index
            %get3A_830 = tpu.vector_load %run_scoped3A_5[%get3A_828, %get3A_829] {strides = array<i32>} : memref<200x128xf32, #tpu.memory_space<vmem>>, vector<16xf32>,
            %mul3A_831 = arith.mulf %get3A_790, %get3A_830 : vector<16xf32>
            %add3A_832 = arith.addf %add3A_825, %mul3A_831 : vector<16xf32>
            %add3A_833 = arith.constant 3 : i32
            %add3A_834 = arith.addi %mul3A_587, %add3A_833 : i32
            %get3A_835 = arith.index_cast %add3A_834 : i32 to index
            %get3A_836 = arith.index_cast %mul3A_784 : i32 to index
            %get3A_837 = tpu.vector_load %run_scoped3A[%get3A_835, %get3A_836] {strides = array<i32>} : memref<200x128xf32, #tpu.memory_space<vmem>>, vector<16xf32>,
            %mul3A_838 = arith.mulf %get3A_787, %get3A_837 : vector<16xf32>
            %add3A_839 = arith.addf %scan3A_770, %mul3A_838 : vector<16xf32>
            %add3A_840 = arith.constant 3 : i32
            %add3A_841 = arith.addi %mul3A_587, %add3A_840 : i32
            %get3A_842 = arith.index_cast %add3A_841 : i32 to index
            %get3A_843 = arith.index_cast %mul3A_784 : i32 to index
            %get3A_844 = tpu.vector_load %run_scoped3A_5[%get3A_842, %get3A_843] {strides = array<i32>} : memref<200x128xf32, #tpu.memory_space<vmem>>, vector<16xf32>,
            %mul3A_845 = arith.mulf %get3A_790, %get3A_844 : vector<16xf32>
            %add3A_846 = arith.addf %add3A_839, %mul3A_845 : vector<16xf32>
            %add3A_847 = arith.constant 4 : i32
            %add3A_848 = arith.addi %mul3A_587, %add3A_847 : i32
            %get3A_849 = arith.index_cast %add3A_848 : i32 to index
            %get3A_850 = arith.index_cast %mul3A_784 : i32 to index
            %get3A_851 = tpu.vector_load %run_scoped3A[%get3A_849, %get3A_850] {strides = array<i32>} : memref<200x128xf32, #tpu.memory_space<vmem>>, vector<16xf32>,
            %mul3A_852 = arith.mulf %get3A_787, %get3A_851 : vector<16xf32>
            %add3A_853 = arith.addf %scan3A_771, %mul3A_852 : vector<16xf32>
            %add3A_854 = arith.constant 4 : i32
            %add3A_855 = arith.addi %mul3A_587, %add3A_854 : i32
            %get3A_856 = arith.index_cast %add3A_855 : i32 to index
            %get3A_857 = arith.index_cast %mul3A_784 : i32 to index
            %get3A_858 = tpu.vector_load %run_scoped3A_5[%get3A_856, %get3A_857] {strides = array<i32>} : memref<200x128xf32, #tpu.memory_space<vmem>>, vector<16xf32>,
            %mul3A_859 = arith.mulf %get3A_790, %get3A_858 : vector<16xf32>
            %add3A_860 = arith.addf %add3A_853, %mul3A_859 : vector<16xf32>
            %add3A_861 = arith.constant 5 : i32
            %add3A_862 = arith.addi %mul3A_587, %add3A_861 : i32
            %get3A_863 = arith.index_cast %add3A_862 : i32 to index
            %get3A_864 = arith.index_cast %mul3A_784 : i32 to index
            %get3A_865 = tpu.vector_load %run_scoped3A[%get3A_863, %get3A_864] {strides = array<i32>} : memref<200x128xf32, #tpu.memory_space<vmem>>, vector<16xf32>,
            %mul3A_866 = arith.mulf %get3A_787, %get3A_865 : vector<16xf32>
            %add3A_867 = arith.addf %scan3A_772, %mul3A_866 : vector<16xf32>
            %add3A_868 = arith.constant 5 : i32
            %add3A_869 = arith.addi %mul3A_587, %add3A_868 : i32
            %get3A_870 = arith.index_cast %add3A_869 : i32 to index
            %get3A_871 = arith.index_cast %mul3A_784 : i32 to index
            %get3A_872 = tpu.vector_load %run_scoped3A_5[%get3A_870, %get3A_871] {strides = array<i32>} : memref<200x128xf32, #tpu.memory_space<vmem>>, vector<16xf32>,
            %mul3A_873 = arith.mulf %get3A_790, %get3A_872 : vector<16xf32>
            %add3A_874 = arith.addf %add3A_867, %mul3A_873 : vector<16xf32>
            %add3A_875 = arith.constant 6 : i32
            %add3A_876 = arith.addi %mul3A_587, %add3A_875 : i32
            %get3A_877 = arith.index_cast %add3A_876 : i32 to index
            %get3A_878 = arith.index_cast %mul3A_784 : i32 to index
            %get3A_879 = tpu.vector_load %run_scoped3A[%get3A_877, %get3A_878] {strides = array<i32>} : memref<200x128xf32, #tpu.memory_space<vmem>>, vector<16xf32>,
            %mul3A_880 = arith.mulf %get3A_787, %get3A_879 : vector<16xf32>
            %add3A_881 = arith.addf %scan3A_773, %mul3A_880 : vector<16xf32>
            %add3A_882 = arith.constant 6 : i32
            %add3A_883 = arith.addi %mul3A_587, %add3A_882 : i32
            %get3A_884 = arith.index_cast %add3A_883 : i32 to index
            %get3A_885 = arith.index_cast %mul3A_784 : i32 to index
            %get3A_886 = tpu.vector_load %run_scoped3A_5[%get3A_884, %get3A_885] {strides = array<i32>} : memref<200x128xf32, #tpu.memory_space<vmem>>, vector<16xf32>,
            %mul3A_887 = arith.mulf %get3A_790, %get3A_886 : vector<16xf32>
            %add3A_888 = arith.addf %add3A_881, %mul3A_887 : vector<16xf32>
            %add3A_889 = arith.constant 7 : i32
            %add3A_890 = arith.addi %mul3A_587, %add3A_889 : i32
            %get3A_891 = arith.index_cast %add3A_890 : i32 to index
            %get3A_892 = arith.index_cast %mul3A_784 : i32 to index
            %get3A_893 = tpu.vector_load %run_scoped3A[%get3A_891, %get3A_892] {strides = array<i32>} : memref<200x128xf32, #tpu.memory_space<vmem>>, vector<16xf32>,
            %mul3A_894 = arith.mulf %get3A_787, %get3A_893 : vector<16xf32>
            %add3A_895 = arith.addf %scan3A_774, %mul3A_894 : vector<16xf32>
            %add3A_896 = arith.constant 7 : i32
            %add3A_897 = arith.addi %mul3A_587, %add3A_896 : i32
            %get3A_898 = arith.index_cast %add3A_897 : i32 to index
            %get3A_899 = arith.index_cast %mul3A_784 : i32 to index
            %get3A_900 = tpu.vector_load %run_scoped3A_5[%get3A_898, %get3A_899] {strides = array<i32>} : memref<200x128xf32, #tpu.memory_space<vmem>>, vector<16xf32>,
            %mul3A_901 = arith.mulf %get3A_790, %get3A_900 : vector<16xf32>
            %add3A_902 = arith.addf %add3A_895, %mul3A_901 : vector<16xf32>
            %add3A_903 = arith.constant 8 : i32
            %add3A_904 = arith.addi %mul3A_587, %add3A_903 : i32
            %get3A_905 = arith.index_cast %add3A_904 : i32 to index
            %get3A_906 = arith.index_cast %mul3A_784 : i32 to index
            %get3A_907 = tpu.vector_load %run_scoped3A[%get3A_905, %get3A_906] {strides = array<i32>} : memref<200x128xf32, #tpu.memory_space<vmem>>, vector<16xf32>,
            %mul3A_908 = arith.mulf %get3A_787, %get3A_907 : vector<16xf32>
            %add3A_909 = arith.addf %scan3A_775, %mul3A_908 : vector<16xf32>
            %add3A_910 = arith.constant 8 : i32
            %add3A_911 = arith.addi %mul3A_587, %add3A_910 : i32
            %get3A_912 = arith.index_cast %add3A_911 : i32 to index
            %get3A_913 = arith.index_cast %mul3A_784 : i32 to index
            %get3A_914 = tpu.vector_load %run_scoped3A_5[%get3A_912, %get3A_913] {strides = array<i32>} : memref<200x128xf32, #tpu.memory_space<vmem>>, vector<16xf32>,
            %mul3A_915 = arith.mulf %get3A_790, %get3A_914 : vector<16xf32>
            %add3A_916 = arith.addf %add3A_909, %mul3A_915 : vector<16xf32>
            %add3A_917 = arith.constant 9 : i32
            %add3A_918 = arith.addi %mul3A_587, %add3A_917 : i32
            %get3A_919 = arith.index_cast %add3A_918 : i32 to index
            %get3A_920 = arith.index_cast %mul3A_784 : i32 to index
            %get3A_921 = tpu.vector_load %run_scoped3A[%get3A_919, %get3A_920] {strides = array<i32>} : memref<200x128xf32, #tpu.memory_space<vmem>>, vector<16xf32>,
            %mul3A_922 = arith.mulf %get3A_787, %get3A_921 : vector<16xf32>
            %add3A_923 = arith.addf %scan3A_776, %mul3A_922 : vector<16xf32>
            %add3A_924 = arith.constant 9 : i32
            %add3A_925 = arith.addi %mul3A_587, %add3A_924 : i32
            %get3A_926 = arith.index_cast %add3A_925 : i32 to index
            %get3A_927 = arith.index_cast %mul3A_784 : i32 to index
            %get3A_928 = tpu.vector_load %run_scoped3A_5[%get3A_926, %get3A_927] {strides = array<i32>} : memref<200x128xf32, #tpu.memory_space<vmem>>, vector<16xf32>,
            %mul3A_929 = arith.mulf %get3A_790, %get3A_928 : vector<16xf32>
            %add3A_930 = arith.addf %add3A_923, %mul3A_929 : vector<16xf32>
            %add3A_931 = arith.constant 10 : i32
            %add3A_932 = arith.addi %mul3A_587, %add3A_931 : i32
            %get3A_933 = arith.index_cast %add3A_932 : i32 to index
            %get3A_934 = arith.index_cast %mul3A_784 : i32 to index
            %get3A_935 = tpu.vector_load %run_scoped3A[%get3A_933, %get3A_934] {strides = array<i32>} : memref<200x128xf32, #tpu.memory_space<vmem>>, vector<16xf32>,
            %mul3A_936 = arith.mulf %get3A_787, %get3A_935 : vector<16xf32>
            %add3A_937 = arith.addf %scan3A_777, %mul3A_936 : vector<16xf32>
            %add3A_938 = arith.constant 10 : i32
            %add3A_939 = arith.addi %mul3A_587, %add3A_938 : i32
            %get3A_940 = arith.index_cast %add3A_939 : i32 to index
            %get3A_941 = arith.index_cast %mul3A_784 : i32 to index
            %get3A_942 = tpu.vector_load %run_scoped3A_5[%get3A_940, %get3A_941] {strides = array<i32>} : memref<200x128xf32, #tpu.memory_space<vmem>>, vector<16xf32>,
            %mul3A_943 = arith.mulf %get3A_790, %get3A_942 : vector<16xf32>
            %add3A_944 = arith.addf %add3A_937, %mul3A_943 : vector<16xf32>
            %add3A_945 = arith.constant 11 : i32
            %add3A_946 = arith.addi %mul3A_587, %add3A_945 : i32
            %get3A_947 = arith.index_cast %add3A_946 : i32 to index
            %get3A_948 = arith.index_cast %mul3A_784 : i32 to index
            %get3A_949 = tpu.vector_load %run_scoped3A[%get3A_947, %get3A_948] {strides = array<i32>} : memref<200x128xf32, #tpu.memory_space<vmem>>, vector<16xf32>,
            %mul3A_950 = arith.mulf %get3A_787, %get3A_949 : vector<16xf32>
            %add3A_951 = arith.addf %scan3A_778, %mul3A_950 : vector<16xf32>
            %add3A_952 = arith.constant 11 : i32
            %add3A_953 = arith.addi %mul3A_587, %add3A_952 : i32
            %get3A_954 = arith.index_cast %add3A_953 : i32 to index
            %get3A_955 = arith.index_cast %mul3A_784 : i32 to index
            %get3A_956 = tpu.vector_load %run_scoped3A_5[%get3A_954, %get3A_955] {strides = array<i32>} : memref<200x128xf32, #tpu.memory_space<vmem>>, vector<16xf32>,
            %mul3A_957 = arith.mulf %get3A_790, %get3A_956 : vector<16xf32>
            %add3A_958 = arith.addf %add3A_951, %mul3A_957 : vector<16xf32>
            %add3A_959 = arith.constant 12 : i32
            %add3A_960 = arith.addi %mul3A_587, %add3A_959 : i32
            %get3A_961 = arith.index_cast %add3A_960 : i32 to index
            %get3A_962 = arith.index_cast %mul3A_784 : i32 to index
            %get3A_963 = tpu.vector_load %run_scoped3A[%get3A_961, %get3A_962] {strides = array<i32>} : memref<200x128xf32, #tpu.memory_space<vmem>>, vector<16xf32>,
            %mul3A_964 = arith.mulf %get3A_787, %get3A_963 : vector<16xf32>
            %add3A_965 = arith.addf %scan3A_779, %mul3A_964 : vector<16xf32>
            %add3A_966 = arith.constant 12 : i32
            %add3A_967 = arith.addi %mul3A_587, %add3A_966 : i32
            %get3A_968 = arith.index_cast %add3A_967 : i32 to index
            %get3A_969 = arith.index_cast %mul3A_784 : i32 to index
            %get3A_970 = tpu.vector_load %run_scoped3A_5[%get3A_968, %get3A_969] {strides = array<i32>} : memref<200x128xf32, #tpu.memory_space<vmem>>, vector<16xf32>,
            %mul3A_971 = arith.mulf %get3A_790, %get3A_970 : vector<16xf32>
            %add3A_972 = arith.addf %add3A_965, %mul3A_971 : vector<16xf32>
            %add3A_973 = arith.constant 13 : i32
            %add3A_974 = arith.addi %mul3A_587, %add3A_973 : i32
            %get3A_975 = arith.index_cast %add3A_974 : i32 to index
            %get3A_976 = arith.index_cast %mul3A_784 : i32 to index
            %get3A_977 = tpu.vector_load %run_scoped3A[%get3A_975, %get3A_976] {strides = array<i32>} : memref<200x128xf32, #tpu.memory_space<vmem>>, vector<16xf32>,
            %mul3A_978 = arith.mulf %get3A_787, %get3A_977 : vector<16xf32>
            %add3A_979 = arith.addf %scan3A_780, %mul3A_978 : vector<16xf32>
            %add3A_980 = arith.constant 13 : i32
            %add3A_981 = arith.addi %mul3A_587, %add3A_980 : i32
            %get3A_982 = arith.index_cast %add3A_981 : i32 to index
            %get3A_983 = arith.index_cast %mul3A_784 : i32 to index
            %get3A_984 = tpu.vector_load %run_scoped3A_5[%get3A_982, %get3A_983] {strides = array<i32>} : memref<200x128xf32, #tpu.memory_space<vmem>>, vector<16xf32>,
            %mul3A_985 = arith.mulf %get3A_790, %get3A_984 : vector<16xf32>
            %add3A_986 = arith.addf %add3A_979, %mul3A_985 : vector<16xf32>
            %add3A_987 = arith.constant 14 : i32
            %add3A_988 = arith.addi %mul3A_587, %add3A_987 : i32
            %get3A_989 = arith.index_cast %add3A_988 : i32 to index
            %get3A_990 = arith.index_cast %mul3A_784 : i32 to index
            %get3A_991 = tpu.vector_load %run_scoped3A[%get3A_989, %get3A_990] {strides = array<i32>} : memref<200x128xf32, #tpu.memory_space<vmem>>, vector<16xf32>,
            %mul3A_992 = arith.mulf %get3A_787, %get3A_991 : vector<16xf32>
            %add3A_993 = arith.addf %scan3A_781, %mul3A_992 : vector<16xf32>
            %add3A_994 = arith.constant 14 : i32
            %add3A_995 = arith.addi %mul3A_587, %add3A_994 : i32
            %get3A_996 = arith.index_cast %add3A_995 : i32 to index
            %get3A_997 = arith.index_cast %mul3A_784 : i32 to index
            %get3A_998 = tpu.vector_load %run_scoped3A_5[%get3A_996, %get3A_997] {strides = array<i32>} : memref<200x128xf32, #tpu.memory_space<vmem>>, vector<16xf32>,
            %mul3A_999 = arith.mulf %get3A_790, %get3A_998 : vector<16xf32>
            %add3A_1000 = arith.addf %add3A_993, %mul3A_999 : vector<16xf32>
            %add3A_1001 = arith.constant 15 : i32
            %add3A_1002 = arith.addi %mul3A_587, %add3A_1001 : i32
            %get3A_1003 = arith.index_cast %add3A_1002 : i32 to index
            %get3A_1004 = arith.index_cast %mul3A_784 : i32 to index
            %get3A_1005 = tpu.vector_load %run_scoped3A[%get3A_1003, %get3A_1004] {strides = array<i32>} : memref<200x128xf32, #tpu.memory_space<vmem>>, vector<16xf32>,
            %mul3A_1006 = arith.mulf %get3A_787, %get3A_1005 : vector<16xf32>
            %add3A_1007 = arith.addf %scan3A_782, %mul3A_1006 : vector<16xf32>
            %add3A_1008 = arith.constant 15 : i32
            %add3A_1009 = arith.addi %mul3A_587, %add3A_1008 : i32
            %get3A_1010 = arith.index_cast %add3A_1009 : i32 to index
            %get3A_1011 = arith.index_cast %mul3A_784 : i32 to index
            %get3A_1012 = tpu.vector_load %run_scoped3A_5[%get3A_1010, %get3A_1011] {strides = array<i32>} : memref<200x128xf32, #tpu.memory_space<vmem>>, vector<16xf32>,
            %mul3A_1013 = arith.mulf %get3A_790, %get3A_1012 : vector<16xf32>
            %add3A_1014 = arith.addf %add3A_1007, %mul3A_1013 : vector<16xf32>
            scf.yield %add3A_804, %add3A_818, %add3A_832, %add3A_846, %add3A_860, %add3A_874, %add3A_888, %add3A_902, %add3A_916, %add3A_930, %add3A_944, %add3A_958, %add3A_972, %add3A_986, %add3A_1000, %add3A_1014 : vector<16xf32>, vector<16xf32>, vector<16xf32>, vector<16xf32>, vector<16xf32>, vector<16xf32>, vector<16xf32>, vector<16xf32>, vector<16xf32>, vector<16xf32>, vector<16xf32>, vector<16xf32>, vector<16xf32>, vector<16xf32>, vector<16xf32>, vector<16xf32>
          }
          %scan3A_595 = arith.constant 8 : i32
          %mul3A_596 = arith.constant 200 : i32
          %mul3A_597 = arith.muli %mul3A_67, %mul3A_596 : i32
          %add3A_598 = arith.addi %mul3A_597, %mul3A_587 : i32
          %get3A_599 = arith.index_cast %add3A_598 : i32 to index
          %get3A_600 = tpu.vector_load %arg12[%get3A_599] {strides = array<i32>} : memref<6400xf32, #tpu.memory_space<vmem>>, vector<16xf32>,
          %eq3A_601 = arith.constant 0 : i32
          %eq3A_602 = vector.broadcast %eq3A_601 : i32 to vector<16xi32>
          %eq3A_603 = arith.cmpi eq, %iota3A, %eq3A_602 : vector<16xi32>
          %reduce_sum3A_604 = arith.constant true
          %reduce_sum3A_605 = vector.broadcast %reduce_sum3A_604 : i1 to vector<16xi1>
          %reduce_sum3A_606 = tpu.scan <sum>, %scan3A_594#0 masked %reduce_sum3A_605 : vector<16xf32>, vector<16xi1> -> vector<16xf32>
          %reduce_sum3A_607 = vector.extract %reduce_sum3A_606[15] : f32 from vector<16xf32>
          %add3A_608 = vector.broadcast %reduce_sum3A_607 : f32 to vector<16xf32>
          %add3A_609 = arith.addf %get3A_600, %add3A_608 : vector<16xf32>
          %select_n3A_610 = arith.select %eq3A_603, %add3A_609, %get3A_600 : vector<16xi1>, vector<16xf32>
          %eq3A_611 = arith.constant 1 : i32
          %eq3A_612 = vector.broadcast %eq3A_611 : i32 to vector<16xi32>
          %eq3A_613 = arith.cmpi eq, %iota3A, %eq3A_612 : vector<16xi32>
          %reduce_sum3A_614 = arith.constant true
          %reduce_sum3A_615 = vector.broadcast %reduce_sum3A_614 : i1 to vector<16xi1>
          %reduce_sum3A_616 = tpu.scan <sum>, %scan3A_594#1 masked %reduce_sum3A_615 : vector<16xf32>, vector<16xi1> -> vector<16xf32>
          %reduce_sum3A_617 = vector.extract %reduce_sum3A_616[15] : f32 from vector<16xf32>
          %add3A_618 = vector.broadcast %reduce_sum3A_617 : f32 to vector<16xf32>
          %add3A_619 = arith.addf %select_n3A_610, %add3A_618 : vector<16xf32>
          %select_n3A_620 = arith.select %eq3A_613, %add3A_619, %select_n3A_610 : vector<16xi1>, vector<16xf32>
          %eq3A_621 = arith.constant 2 : i32
          %eq3A_622 = vector.broadcast %eq3A_621 : i32 to vector<16xi32>
          %eq3A_623 = arith.cmpi eq, %iota3A, %eq3A_622 : vector<16xi32>
          %reduce_sum3A_624 = arith.constant true
          %reduce_sum3A_625 = vector.broadcast %reduce_sum3A_624 : i1 to vector<16xi1>
          %reduce_sum3A_626 = tpu.scan <sum>, %scan3A_594#2 masked %reduce_sum3A_625 : vector<16xf32>, vector<16xi1> -> vector<16xf32>
          %reduce_sum3A_627 = vector.extract %reduce_sum3A_626[15] : f32 from vector<16xf32>
          %add3A_628 = vector.broadcast %reduce_sum3A_627 : f32 to vector<16xf32>
          %add3A_629 = arith.addf %select_n3A_620, %add3A_628 : vector<16xf32>
          %select_n3A_630 = arith.select %eq3A_623, %add3A_629, %select_n3A_620 : vector<16xi1>, vector<16xf32>
          %eq3A_631 = arith.constant 3 : i32
          %eq3A_632 = vector.broadcast %eq3A_631 : i32 to vector<16xi32>
          %eq3A_633 = arith.cmpi eq, %iota3A, %eq3A_632 : vector<16xi32>
          %reduce_sum3A_634 = arith.constant true
          %reduce_sum3A_635 = vector.broadcast %reduce_sum3A_634 : i1 to vector<16xi1>
          %reduce_sum3A_636 = tpu.scan <sum>, %scan3A_594#3 masked %reduce_sum3A_635 : vector<16xf32>, vector<16xi1> -> vector<16xf32>
          %reduce_sum3A_637 = vector.extract %reduce_sum3A_636[15] : f32 from vector<16xf32>
          %add3A_638 = vector.broadcast %reduce_sum3A_637 : f32 to vector<16xf32>
          %add3A_639 = arith.addf %select_n3A_630, %add3A_638 : vector<16xf32>
          %select_n3A_640 = arith.select %eq3A_633, %add3A_639, %select_n3A_630 : vector<16xi1>, vector<16xf32>
          %eq3A_641 = arith.constant 4 : i32
          %eq3A_642 = vector.broadcast %eq3A_641 : i32 to vector<16xi32>
          %eq3A_643 = arith.cmpi eq, %iota3A, %eq3A_642 : vector<16xi32>
          %reduce_sum3A_644 = arith.constant true
          %reduce_sum3A_645 = vector.broadcast %reduce_sum3A_644 : i1 to vector<16xi1>
          %reduce_sum3A_646 = tpu.scan <sum>, %scan3A_594#4 masked %reduce_sum3A_645 : vector<16xf32>, vector<16xi1> -> vector<16xf32>
          %reduce_sum3A_647 = vector.extract %reduce_sum3A_646[15] : f32 from vector<16xf32>
          %add3A_648 = vector.broadcast %reduce_sum3A_647 : f32 to vector<16xf32>
          %add3A_649 = arith.addf %select_n3A_640, %add3A_648 : vector<16xf32>
          %select_n3A_650 = arith.select %eq3A_643, %add3A_649, %select_n3A_640 : vector<16xi1>, vector<16xf32>
          %eq3A_651 = arith.constant 5 : i32
          %eq3A_652 = vector.broadcast %eq3A_651 : i32 to vector<16xi32>
          %eq3A_653 = arith.cmpi eq, %iota3A, %eq3A_652 : vector<16xi32>
          %reduce_sum3A_654 = arith.constant true
          %reduce_sum3A_655 = vector.broadcast %reduce_sum3A_654 : i1 to vector<16xi1>
          %reduce_sum3A_656 = tpu.scan <sum>, %scan3A_594#5 masked %reduce_sum3A_655 : vector<16xf32>, vector<16xi1> -> vector<16xf32>
          %reduce_sum3A_657 = vector.extract %reduce_sum3A_656[15] : f32 from vector<16xf32>
          %add3A_658 = vector.broadcast %reduce_sum3A_657 : f32 to vector<16xf32>
          %add3A_659 = arith.addf %select_n3A_650, %add3A_658 : vector<16xf32>
          %select_n3A_660 = arith.select %eq3A_653, %add3A_659, %select_n3A_650 : vector<16xi1>, vector<16xf32>
          %eq3A_661 = arith.constant 6 : i32
          %eq3A_662 = vector.broadcast %eq3A_661 : i32 to vector<16xi32>
          %eq3A_663 = arith.cmpi eq, %iota3A, %eq3A_662 : vector<16xi32>
          %reduce_sum3A_664 = arith.constant true
          %reduce_sum3A_665 = vector.broadcast %reduce_sum3A_664 : i1 to vector<16xi1>
          %reduce_sum3A_666 = tpu.scan <sum>, %scan3A_594#6 masked %reduce_sum3A_665 : vector<16xf32>, vector<16xi1> -> vector<16xf32>
          %reduce_sum3A_667 = vector.extract %reduce_sum3A_666[15] : f32 from vector<16xf32>
          %add3A_668 = vector.broadcast %reduce_sum3A_667 : f32 to vector<16xf32>
          %add3A_669 = arith.addf %select_n3A_660, %add3A_668 : vector<16xf32>
          %select_n3A_670 = arith.select %eq3A_663, %add3A_669, %select_n3A_660 : vector<16xi1>, vector<16xf32>
          %eq3A_671 = arith.constant 7 : i32
          %eq3A_672 = vector.broadcast %eq3A_671 : i32 to vector<16xi32>
          %eq3A_673 = arith.cmpi eq, %iota3A, %eq3A_672 : vector<16xi32>
          %reduce_sum3A_674 = arith.constant true
          %reduce_sum3A_675 = vector.broadcast %reduce_sum3A_674 : i1 to vector<16xi1>
          %reduce_sum3A_676 = tpu.scan <sum>, %scan3A_594#7 masked %reduce_sum3A_675 : vector<16xf32>, vector<16xi1> -> vector<16xf32>
          %reduce_sum3A_677 = vector.extract %reduce_sum3A_676[15] : f32 from vector<16xf32>
          %add3A_678 = vector.broadcast %reduce_sum3A_677 : f32 to vector<16xf32>
          %add3A_679 = arith.addf %select_n3A_670, %add3A_678 : vector<16xf32>
          %select_n3A_680 = arith.select %eq3A_673, %add3A_679, %select_n3A_670 : vector<16xi1>, vector<16xf32>
          %eq3A_681 = arith.constant 8 : i32
          %eq3A_682 = vector.broadcast %eq3A_681 : i32 to vector<16xi32>
          %eq3A_683 = arith.cmpi eq, %iota3A, %eq3A_682 : vector<16xi32>
          %reduce_sum3A_684 = arith.constant true
          %reduce_sum3A_685 = vector.broadcast %reduce_sum3A_684 : i1 to vector<16xi1>
          %reduce_sum3A_686 = tpu.scan <sum>, %scan3A_594#8 masked %reduce_sum3A_685 : vector<16xf32>, vector<16xi1> -> vector<16xf32>
          %reduce_sum3A_687 = vector.extract %reduce_sum3A_686[15] : f32 from vector<16xf32>
          %add3A_688 = vector.broadcast %reduce_sum3A_687 : f32 to vector<16xf32>
          %add3A_689 = arith.addf %select_n3A_680, %add3A_688 : vector<16xf32>
          %select_n3A_690 = arith.select %eq3A_683, %add3A_689, %select_n3A_680 : vector<16xi1>, vector<16xf32>
          %eq3A_691 = arith.constant 9 : i32
          %eq3A_692 = vector.broadcast %eq3A_691 : i32 to vector<16xi32>
          %eq3A_693 = arith.cmpi eq, %iota3A, %eq3A_692 : vector<16xi32>
          %reduce_sum3A_694 = arith.constant true
          %reduce_sum3A_695 = vector.broadcast %reduce_sum3A_694 : i1 to vector<16xi1>
          %reduce_sum3A_696 = tpu.scan <sum>, %scan3A_594#9 masked %reduce_sum3A_695 : vector<16xf32>, vector<16xi1> -> vector<16xf32>
          %reduce_sum3A_697 = vector.extract %reduce_sum3A_696[15] : f32 from vector<16xf32>
          %add3A_698 = vector.broadcast %reduce_sum3A_697 : f32 to vector<16xf32>
          %add3A_699 = arith.addf %select_n3A_690, %add3A_698 : vector<16xf32>
          %select_n3A_700 = arith.select %eq3A_693, %add3A_699, %select_n3A_690 : vector<16xi1>, vector<16xf32>
          %eq3A_701 = arith.constant 10 : i32
          %eq3A_702 = vector.broadcast %eq3A_701 : i32 to vector<16xi32>
          %eq3A_703 = arith.cmpi eq, %iota3A, %eq3A_702 : vector<16xi32>
          %reduce_sum3A_704 = arith.constant true
          %reduce_sum3A_705 = vector.broadcast %reduce_sum3A_704 : i1 to vector<16xi1>
          %reduce_sum3A_706 = tpu.scan <sum>, %scan3A_594#10 masked %reduce_sum3A_705 : vector<16xf32>, vector<16xi1> -> vector<16xf32>
          %reduce_sum3A_707 = vector.extract %reduce_sum3A_706[15] : f32 from vector<16xf32>
          %add3A_708 = vector.broadcast %reduce_sum3A_707 : f32 to vector<16xf32>
          %add3A_709 = arith.addf %select_n3A_700, %add3A_708 : vector<16xf32>
          %select_n3A_710 = arith.select %eq3A_703, %add3A_709, %select_n3A_700 : vector<16xi1>, vector<16xf32>
          %eq3A_711 = arith.constant 11 : i32
          %eq3A_712 = vector.broadcast %eq3A_711 : i32 to vector<16xi32>
          %eq3A_713 = arith.cmpi eq, %iota3A, %eq3A_712 : vector<16xi32>
          %reduce_sum3A_714 = arith.constant true
          %reduce_sum3A_715 = vector.broadcast %reduce_sum3A_714 : i1 to vector<16xi1>
          %reduce_sum3A_716 = tpu.scan <sum>, %scan3A_594#11 masked %reduce_sum3A_715 : vector<16xf32>, vector<16xi1> -> vector<16xf32>
          %reduce_sum3A_717 = vector.extract %reduce_sum3A_716[15] : f32 from vector<16xf32>
          %add3A_718 = vector.broadcast %reduce_sum3A_717 : f32 to vector<16xf32>
          %add3A_719 = arith.addf %select_n3A_710, %add3A_718 : vector<16xf32>
          %select_n3A_720 = arith.select %eq3A_713, %add3A_719, %select_n3A_710 : vector<16xi1>, vector<16xf32>
          %eq3A_721 = arith.constant 12 : i32
          %eq3A_722 = vector.broadcast %eq3A_721 : i32 to vector<16xi32>
          %eq3A_723 = arith.cmpi eq, %iota3A, %eq3A_722 : vector<16xi32>
          %reduce_sum3A_724 = arith.constant true
          %reduce_sum3A_725 = vector.broadcast %reduce_sum3A_724 : i1 to vector<16xi1>
          %reduce_sum3A_726 = tpu.scan <sum>, %scan3A_594#12 masked %reduce_sum3A_725 : vector<16xf32>, vector<16xi1> -> vector<16xf32>
          %reduce_sum3A_727 = vector.extract %reduce_sum3A_726[15] : f32 from vector<16xf32>
          %add3A_728 = vector.broadcast %reduce_sum3A_727 : f32 to vector<16xf32>
          %add3A_729 = arith.addf %select_n3A_720, %add3A_728 : vector<16xf32>
          %select_n3A_730 = arith.select %eq3A_723, %add3A_729, %select_n3A_720 : vector<16xi1>, vector<16xf32>
          %eq3A_731 = arith.constant 13 : i32
          %eq3A_732 = vector.broadcast %eq3A_731 : i32 to vector<16xi32>
          %eq3A_733 = arith.cmpi eq, %iota3A, %eq3A_732 : vector<16xi32>
          %reduce_sum3A_734 = arith.constant true
          %reduce_sum3A_735 = vector.broadcast %reduce_sum3A_734 : i1 to vector<16xi1>
          %reduce_sum3A_736 = tpu.scan <sum>, %scan3A_594#13 masked %reduce_sum3A_735 : vector<16xf32>, vector<16xi1> -> vector<16xf32>
          %reduce_sum3A_737 = vector.extract %reduce_sum3A_736[15] : f32 from vector<16xf32>
          %add3A_738 = vector.broadcast %reduce_sum3A_737 : f32 to vector<16xf32>
          %add3A_739 = arith.addf %select_n3A_730, %add3A_738 : vector<16xf32>
          %select_n3A_740 = arith.select %eq3A_733, %add3A_739, %select_n3A_730 : vector<16xi1>, vector<16xf32>
          %eq3A_741 = arith.constant 14 : i32
          %eq3A_742 = vector.broadcast %eq3A_741 : i32 to vector<16xi32>
          %eq3A_743 = arith.cmpi eq, %iota3A, %eq3A_742 : vector<16xi32>
          %reduce_sum3A_744 = arith.constant true
          %reduce_sum3A_745 = vector.broadcast %reduce_sum3A_744 : i1 to vector<16xi1>
          %reduce_sum3A_746 = tpu.scan <sum>, %scan3A_594#14 masked %reduce_sum3A_745 : vector<16xf32>, vector<16xi1> -> vector<16xf32>
          %reduce_sum3A_747 = vector.extract %reduce_sum3A_746[15] : f32 from vector<16xf32>
          %add3A_748 = vector.broadcast %reduce_sum3A_747 : f32 to vector<16xf32>
          %add3A_749 = arith.addf %select_n3A_740, %add3A_748 : vector<16xf32>
          %select_n3A_750 = arith.select %eq3A_743, %add3A_749, %select_n3A_740 : vector<16xi1>, vector<16xf32>
          %eq3A_751 = arith.constant 15 : i32
          %eq3A_752 = vector.broadcast %eq3A_751 : i32 to vector<16xi32>
          %eq3A_753 = arith.cmpi eq, %iota3A, %eq3A_752 : vector<16xi32>
          %reduce_sum3A_754 = arith.constant true
          %reduce_sum3A_755 = vector.broadcast %reduce_sum3A_754 : i1 to vector<16xi1>
          %reduce_sum3A_756 = tpu.scan <sum>, %scan3A_594#15 masked %reduce_sum3A_755 : vector<16xf32>, vector<16xi1> -> vector<16xf32>
          %reduce_sum3A_757 = vector.extract %reduce_sum3A_756[15] : f32 from vector<16xf32>
          %add3A_758 = vector.broadcast %reduce_sum3A_757 : f32 to vector<16xf32>
          %add3A_759 = arith.addf %select_n3A_750, %add3A_758 : vector<16xf32>
          %select_n3A_760 = arith.select %eq3A_753, %add3A_759, %select_n3A_750 : vector<16xi1>, vector<16xf32>
          %swap3A_761 = arith.constant 0 : i32
          %swap3A_762 = arith.index_cast %swap3A_761 : i32 to index
          %swap3A_763 = arith.index_cast %mul3A_587 : i32 to index
          %swap3A_764 = tpu.vector_load %arg13[%swap3A_762, %swap3A_763] {strides = array<i32>} : memref<2x200xf32, #tpu.memory_space<vmem>>, vector<16xf32>,
          tpu.vector_store %arg13[%swap3A_762, %swap3A_763], %select_n3A_760 {strides = array<i32>} : memref<2x200xf32, #tpu.memory_space<vmem>>, vector<16xf32>,
          %scan3A_765 = arith.constant 0 : i32
          scf.yield %scan3A_765 : i32
        }
        %scan3A_150 = arith.constant 12 : i32
        %broadcast_in_dim3A = arith.constant 0.000000e+00 : f32
        %broadcast_in_dim3A_151 = vector.broadcast %broadcast_in_dim3A : f32 to vector<16xf32>
        %scan3A_152 = arith.constant 0 : i32
        %scan3A_153 = arith.constant 8 : i32
        %scan3A_154 = arith.addi %scan3A_152, %scan3A_153 : i32
        %scan3A_155 = arith.constant 1 : i32
        %scan3A_156:16 = scf.for %scan3A_584 = %scan3A_152 to %scan3A_154 step %scan3A_155 iter_args(%scan3A_585 = %broadcast_in_dim3A_151, %scan3A_586 = %broadcast_in_dim3A_151, %scan3A_587 = %broadcast_in_dim3A_151, %scan3A_588 = %broadcast_in_dim3A_151, %scan3A_589 = %broadcast_in_dim3A_151, %scan3A_590 = %broadcast_in_dim3A_151, %scan3A_591 = %broadcast_in_dim3A_151, %scan3A_592 = %broadcast_in_dim3A_151, %scan3A_593 = %broadcast_in_dim3A_151, %scan3A_594 = %broadcast_in_dim3A_151, %scan3A_595 = %broadcast_in_dim3A_151, %scan3A_596 = %broadcast_in_dim3A_151, %scan3A_597 = %broadcast_in_dim3A_151, %scan3A_598 = %broadcast_in_dim3A_151, %scan3A_599 = %broadcast_in_dim3A_151, %scan3A_600 = %broadcast_in_dim3A_151) -> (vector<16xf32>, vector<16xf32>, vector<16xf32>, vector<16xf32>, vector<16xf32>, vector<16xf32>, vector<16xf32>, vector<16xf32>, vector<16xf32>, vector<16xf32>, vector<16xf32>, vector<16xf32>, vector<16xf32>, vector<16xf32>, vector<16xf32>, vector<16xf32>)  : i32 {
          %mul3A_601 = arith.constant 16 : i32
          %mul3A_602 = arith.muli %scan3A_584, %mul3A_601 : i32
          %get3A_603 = arith.index_cast %mul3A_67 : i32 to index
          %get3A_604 = arith.index_cast %mul3A_602 : i32 to index
          %get3A_605 = tpu.vector_load %arg10[%get3A_603, %get3A_604] {strides = array<i32>} : memref<32x128xf32, #tpu.memory_space<vmem>>, vector<16xf32>,
          %get3A_606 = arith.index_cast %mul3A_67 : i32 to index
          %get3A_607 = arith.index_cast %mul3A_602 : i32 to index
          %get3A_608 = tpu.vector_load %arg11[%get3A_606, %get3A_607] {strides = array<i32>} : memref<32x128xf32, #tpu.memory_space<vmem>>, vector<16xf32>,
          %get3A_609 = arith.constant 184 : i32
          %get3A_610 = arith.index_cast %get3A_609 : i32 to index
          %get3A_611 = arith.index_cast %mul3A_602 : i32 to index
          %get3A_612 = tpu.vector_load %run_scoped3A[%get3A_610, %get3A_611] {strides = array<i32>} : memref<200x128xf32, #tpu.memory_space<vmem>>, vector<16xf32>,
          %mul3A_613 = arith.mulf %get3A_605, %get3A_612 : vector<16xf32>
          %add3A_614 = arith.addf %scan3A_585, %mul3A_613 : vector<16xf32>
          %get3A_615 = arith.constant 184 : i32
          %get3A_616 = arith.index_cast %get3A_615 : i32 to index
          %get3A_617 = arith.index_cast %mul3A_602 : i32 to index
          %get3A_618 = tpu.vector_load %run_scoped3A_5[%get3A_616, %get3A_617] {strides = array<i32>} : memref<200x128xf32, #tpu.memory_space<vmem>>, vector<16xf32>,
          %mul3A_619 = arith.mulf %get3A_608, %get3A_618 : vector<16xf32>
          %add3A_620 = arith.addf %add3A_614, %mul3A_619 : vector<16xf32>
          %get3A_621 = arith.constant 185 : i32
          %get3A_622 = arith.index_cast %get3A_621 : i32 to index
          %get3A_623 = arith.index_cast %mul3A_602 : i32 to index
          %get3A_624 = tpu.vector_load %run_scoped3A[%get3A_622, %get3A_623] {strides = array<i32>} : memref<200x128xf32, #tpu.memory_space<vmem>>, vector<16xf32>,
          %mul3A_625 = arith.mulf %get3A_605, %get3A_624 : vector<16xf32>
          %add3A_626 = arith.addf %scan3A_586, %mul3A_625 : vector<16xf32>
          %get3A_627 = arith.constant 185 : i32
          %get3A_628 = arith.index_cast %get3A_627 : i32 to index
          %get3A_629 = arith.index_cast %mul3A_602 : i32 to index
          %get3A_630 = tpu.vector_load %run_scoped3A_5[%get3A_628, %get3A_629] {strides = array<i32>} : memref<200x128xf32, #tpu.memory_space<vmem>>, vector<16xf32>,
          %mul3A_631 = arith.mulf %get3A_608, %get3A_630 : vector<16xf32>
          %add3A_632 = arith.addf %add3A_626, %mul3A_631 : vector<16xf32>
          %get3A_633 = arith.constant 186 : i32
          %get3A_634 = arith.index_cast %get3A_633 : i32 to index
          %get3A_635 = arith.index_cast %mul3A_602 : i32 to index
          %get3A_636 = tpu.vector_load %run_scoped3A[%get3A_634, %get3A_635] {strides = array<i32>} : memref<200x128xf32, #tpu.memory_space<vmem>>, vector<16xf32>,
          %mul3A_637 = arith.mulf %get3A_605, %get3A_636 : vector<16xf32>
          %add3A_638 = arith.addf %scan3A_587, %mul3A_637 : vector<16xf32>
          %get3A_639 = arith.constant 186 : i32
          %get3A_640 = arith.index_cast %get3A_639 : i32 to index
          %get3A_641 = arith.index_cast %mul3A_602 : i32 to index
          %get3A_642 = tpu.vector_load %run_scoped3A_5[%get3A_640, %get3A_641] {strides = array<i32>} : memref<200x128xf32, #tpu.memory_space<vmem>>, vector<16xf32>,
          %mul3A_643 = arith.mulf %get3A_608, %get3A_642 : vector<16xf32>
          %add3A_644 = arith.addf %add3A_638, %mul3A_643 : vector<16xf32>
          %get3A_645 = arith.constant 187 : i32
          %get3A_646 = arith.index_cast %get3A_645 : i32 to index
          %get3A_647 = arith.index_cast %mul3A_602 : i32 to index
          %get3A_648 = tpu.vector_load %run_scoped3A[%get3A_646, %get3A_647] {strides = array<i32>} : memref<200x128xf32, #tpu.memory_space<vmem>>, vector<16xf32>,
          %mul3A_649 = arith.mulf %get3A_605, %get3A_648 : vector<16xf32>
          %add3A_650 = arith.addf %scan3A_588, %mul3A_649 : vector<16xf32>
          %get3A_651 = arith.constant 187 : i32
          %get3A_652 = arith.index_cast %get3A_651 : i32 to index
          %get3A_653 = arith.index_cast %mul3A_602 : i32 to index
          %get3A_654 = tpu.vector_load %run_scoped3A_5[%get3A_652, %get3A_653] {strides = array<i32>} : memref<200x128xf32, #tpu.memory_space<vmem>>, vector<16xf32>,
          %mul3A_655 = arith.mulf %get3A_608, %get3A_654 : vector<16xf32>
          %add3A_656 = arith.addf %add3A_650, %mul3A_655 : vector<16xf32>
          %get3A_657 = arith.constant 188 : i32
          %get3A_658 = arith.index_cast %get3A_657 : i32 to index
          %get3A_659 = arith.index_cast %mul3A_602 : i32 to index
          %get3A_660 = tpu.vector_load %run_scoped3A[%get3A_658, %get3A_659] {strides = array<i32>} : memref<200x128xf32, #tpu.memory_space<vmem>>, vector<16xf32>,
          %mul3A_661 = arith.mulf %get3A_605, %get3A_660 : vector<16xf32>
          %add3A_662 = arith.addf %scan3A_589, %mul3A_661 : vector<16xf32>
          %get3A_663 = arith.constant 188 : i32
          %get3A_664 = arith.index_cast %get3A_663 : i32 to index
          %get3A_665 = arith.index_cast %mul3A_602 : i32 to index
          %get3A_666 = tpu.vector_load %run_scoped3A_5[%get3A_664, %get3A_665] {strides = array<i32>} : memref<200x128xf32, #tpu.memory_space<vmem>>, vector<16xf32>,
          %mul3A_667 = arith.mulf %get3A_608, %get3A_666 : vector<16xf32>
          %add3A_668 = arith.addf %add3A_662, %mul3A_667 : vector<16xf32>
          %get3A_669 = arith.constant 189 : i32
          %get3A_670 = arith.index_cast %get3A_669 : i32 to index
          %get3A_671 = arith.index_cast %mul3A_602 : i32 to index
          %get3A_672 = tpu.vector_load %run_scoped3A[%get3A_670, %get3A_671] {strides = array<i32>} : memref<200x128xf32, #tpu.memory_space<vmem>>, vector<16xf32>,
          %mul3A_673 = arith.mulf %get3A_605, %get3A_672 : vector<16xf32>
          %add3A_674 = arith.addf %scan3A_590, %mul3A_673 : vector<16xf32>
          %get3A_675 = arith.constant 189 : i32
          %get3A_676 = arith.index_cast %get3A_675 : i32 to index
          %get3A_677 = arith.index_cast %mul3A_602 : i32 to index
          %get3A_678 = tpu.vector_load %run_scoped3A_5[%get3A_676, %get3A_677] {strides = array<i32>} : memref<200x128xf32, #tpu.memory_space<vmem>>, vector<16xf32>,
          %mul3A_679 = arith.mulf %get3A_608, %get3A_678 : vector<16xf32>
          %add3A_680 = arith.addf %add3A_674, %mul3A_679 : vector<16xf32>
          %get3A_681 = arith.constant 190 : i32
          %get3A_682 = arith.index_cast %get3A_681 : i32 to index
          %get3A_683 = arith.index_cast %mul3A_602 : i32 to index
          %get3A_684 = tpu.vector_load %run_scoped3A[%get3A_682, %get3A_683] {strides = array<i32>} : memref<200x128xf32, #tpu.memory_space<vmem>>, vector<16xf32>,
          %mul3A_685 = arith.mulf %get3A_605, %get3A_684 : vector<16xf32>
          %add3A_686 = arith.addf %scan3A_591, %mul3A_685 : vector<16xf32>
          %get3A_687 = arith.constant 190 : i32
          %get3A_688 = arith.index_cast %get3A_687 : i32 to index
          %get3A_689 = arith.index_cast %mul3A_602 : i32 to index
          %get3A_690 = tpu.vector_load %run_scoped3A_5[%get3A_688, %get3A_689] {strides = array<i32>} : memref<200x128xf32, #tpu.memory_space<vmem>>, vector<16xf32>,
          %mul3A_691 = arith.mulf %get3A_608, %get3A_690 : vector<16xf32>
          %add3A_692 = arith.addf %add3A_686, %mul3A_691 : vector<16xf32>
          %get3A_693 = arith.constant 191 : i32
          %get3A_694 = arith.index_cast %get3A_693 : i32 to index
          %get3A_695 = arith.index_cast %mul3A_602 : i32 to index
          %get3A_696 = tpu.vector_load %run_scoped3A[%get3A_694, %get3A_695] {strides = array<i32>} : memref<200x128xf32, #tpu.memory_space<vmem>>, vector<16xf32>,
          %mul3A_697 = arith.mulf %get3A_605, %get3A_696 : vector<16xf32>
          %add3A_698 = arith.addf %scan3A_592, %mul3A_697 : vector<16xf32>
          %get3A_699 = arith.constant 191 : i32
          %get3A_700 = arith.index_cast %get3A_699 : i32 to index
          %get3A_701 = arith.index_cast %mul3A_602 : i32 to index
          %get3A_702 = tpu.vector_load %run_scoped3A_5[%get3A_700, %get3A_701] {strides = array<i32>} : memref<200x128xf32, #tpu.memory_space<vmem>>, vector<16xf32>,
          %mul3A_703 = arith.mulf %get3A_608, %get3A_702 : vector<16xf32>
          %add3A_704 = arith.addf %add3A_698, %mul3A_703 : vector<16xf32>
          %get3A_705 = arith.constant 192 : i32
          %get3A_706 = arith.index_cast %get3A_705 : i32 to index
          %get3A_707 = arith.index_cast %mul3A_602 : i32 to index
          %get3A_708 = tpu.vector_load %run_scoped3A[%get3A_706, %get3A_707] {strides = array<i32>} : memref<200x128xf32, #tpu.memory_space<vmem>>, vector<16xf32>,
          %mul3A_709 = arith.mulf %get3A_605, %get3A_708 : vector<16xf32>
          %add3A_710 = arith.addf %scan3A_593, %mul3A_709 : vector<16xf32>
          %get3A_711 = arith.constant 192 : i32
          %get3A_712 = arith.index_cast %get3A_711 : i32 to index
          %get3A_713 = arith.index_cast %mul3A_602 : i32 to index
          %get3A_714 = tpu.vector_load %run_scoped3A_5[%get3A_712, %get3A_713] {strides = array<i32>} : memref<200x128xf32, #tpu.memory_space<vmem>>, vector<16xf32>,
          %mul3A_715 = arith.mulf %get3A_608, %get3A_714 : vector<16xf32>
          %add3A_716 = arith.addf %add3A_710, %mul3A_715 : vector<16xf32>
          %get3A_717 = arith.constant 193 : i32
          %get3A_718 = arith.index_cast %get3A_717 : i32 to index
          %get3A_719 = arith.index_cast %mul3A_602 : i32 to index
          %get3A_720 = tpu.vector_load %run_scoped3A[%get3A_718, %get3A_719] {strides = array<i32>} : memref<200x128xf32, #tpu.memory_space<vmem>>, vector<16xf32>,
          %mul3A_721 = arith.mulf %get3A_605, %get3A_720 : vector<16xf32>
          %add3A_722 = arith.addf %scan3A_594, %mul3A_721 : vector<16xf32>
          %get3A_723 = arith.constant 193 : i32
          %get3A_724 = arith.index_cast %get3A_723 : i32 to index
          %get3A_725 = arith.index_cast %mul3A_602 : i32 to index
          %get3A_726 = tpu.vector_load %run_scoped3A_5[%get3A_724, %get3A_725] {strides = array<i32>} : memref<200x128xf32, #tpu.memory_space<vmem>>, vector<16xf32>,
          %mul3A_727 = arith.mulf %get3A_608, %get3A_726 : vector<16xf32>
          %add3A_728 = arith.addf %add3A_722, %mul3A_727 : vector<16xf32>
          %get3A_729 = arith.constant 194 : i32
          %get3A_730 = arith.index_cast %get3A_729 : i32 to index
          %get3A_731 = arith.index_cast %mul3A_602 : i32 to index
          %get3A_732 = tpu.vector_load %run_scoped3A[%get3A_730, %get3A_731] {strides = array<i32>} : memref<200x128xf32, #tpu.memory_space<vmem>>, vector<16xf32>,
          %mul3A_733 = arith.mulf %get3A_605, %get3A_732 : vector<16xf32>
          %add3A_734 = arith.addf %scan3A_595, %mul3A_733 : vector<16xf32>
          %get3A_735 = arith.constant 194 : i32
          %get3A_736 = arith.index_cast %get3A_735 : i32 to index
          %get3A_737 = arith.index_cast %mul3A_602 : i32 to index
          %get3A_738 = tpu.vector_load %run_scoped3A_5[%get3A_736, %get3A_737] {strides = array<i32>} : memref<200x128xf32, #tpu.memory_space<vmem>>, vector<16xf32>,
          %mul3A_739 = arith.mulf %get3A_608, %get3A_738 : vector<16xf32>
          %add3A_740 = arith.addf %add3A_734, %mul3A_739 : vector<16xf32>
          %get3A_741 = arith.constant 195 : i32
          %get3A_742 = arith.index_cast %get3A_741 : i32 to index
          %get3A_743 = arith.index_cast %mul3A_602 : i32 to index
          %get3A_744 = tpu.vector_load %run_scoped3A[%get3A_742, %get3A_743] {strides = array<i32>} : memref<200x128xf32, #tpu.memory_space<vmem>>, vector<16xf32>,
          %mul3A_745 = arith.mulf %get3A_605, %get3A_744 : vector<16xf32>
          %add3A_746 = arith.addf %scan3A_596, %mul3A_745 : vector<16xf32>
          %get3A_747 = arith.constant 195 : i32
          %get3A_748 = arith.index_cast %get3A_747 : i32 to index
          %get3A_749 = arith.index_cast %mul3A_602 : i32 to index
          %get3A_750 = tpu.vector_load %run_scoped3A_5[%get3A_748, %get3A_749] {strides = array<i32>} : memref<200x128xf32, #tpu.memory_space<vmem>>, vector<16xf32>,
          %mul3A_751 = arith.mulf %get3A_608, %get3A_750 : vector<16xf32>
          %add3A_752 = arith.addf %add3A_746, %mul3A_751 : vector<16xf32>
          %get3A_753 = arith.constant 196 : i32
          %get3A_754 = arith.index_cast %get3A_753 : i32 to index
          %get3A_755 = arith.index_cast %mul3A_602 : i32 to index
          %get3A_756 = tpu.vector_load %run_scoped3A[%get3A_754, %get3A_755] {strides = array<i32>} : memref<200x128xf32, #tpu.memory_space<vmem>>, vector<16xf32>,
          %mul3A_757 = arith.mulf %get3A_605, %get3A_756 : vector<16xf32>
          %add3A_758 = arith.addf %scan3A_597, %mul3A_757 : vector<16xf32>
          %get3A_759 = arith.constant 196 : i32
          %get3A_760 = arith.index_cast %get3A_759 : i32 to index
          %get3A_761 = arith.index_cast %mul3A_602 : i32 to index
          %get3A_762 = tpu.vector_load %run_scoped3A_5[%get3A_760, %get3A_761] {strides = array<i32>} : memref<200x128xf32, #tpu.memory_space<vmem>>, vector<16xf32>,
          %mul3A_763 = arith.mulf %get3A_608, %get3A_762 : vector<16xf32>
          %add3A_764 = arith.addf %add3A_758, %mul3A_763 : vector<16xf32>
          %get3A_765 = arith.constant 197 : i32
          %get3A_766 = arith.index_cast %get3A_765 : i32 to index
          %get3A_767 = arith.index_cast %mul3A_602 : i32 to index
          %get3A_768 = tpu.vector_load %run_scoped3A[%get3A_766, %get3A_767] {strides = array<i32>} : memref<200x128xf32, #tpu.memory_space<vmem>>, vector<16xf32>,
          %mul3A_769 = arith.mulf %get3A_605, %get3A_768 : vector<16xf32>
          %add3A_770 = arith.addf %scan3A_598, %mul3A_769 : vector<16xf32>
          %get3A_771 = arith.constant 197 : i32
          %get3A_772 = arith.index_cast %get3A_771 : i32 to index
          %get3A_773 = arith.index_cast %mul3A_602 : i32 to index
          %get3A_774 = tpu.vector_load %run_scoped3A_5[%get3A_772, %get3A_773] {strides = array<i32>} : memref<200x128xf32, #tpu.memory_space<vmem>>, vector<16xf32>,
          %mul3A_775 = arith.mulf %get3A_608, %get3A_774 : vector<16xf32>
          %add3A_776 = arith.addf %add3A_770, %mul3A_775 : vector<16xf32>
          %get3A_777 = arith.constant 198 : i32
          %get3A_778 = arith.index_cast %get3A_777 : i32 to index
          %get3A_779 = arith.index_cast %mul3A_602 : i32 to index
          %get3A_780 = tpu.vector_load %run_scoped3A[%get3A_778, %get3A_779] {strides = array<i32>} : memref<200x128xf32, #tpu.memory_space<vmem>>, vector<16xf32>,
          %mul3A_781 = arith.mulf %get3A_605, %get3A_780 : vector<16xf32>
          %add3A_782 = arith.addf %scan3A_599, %mul3A_781 : vector<16xf32>
          %get3A_783 = arith.constant 198 : i32
          %get3A_784 = arith.index_cast %get3A_783 : i32 to index
          %get3A_785 = arith.index_cast %mul3A_602 : i32 to index
          %get3A_786 = tpu.vector_load %run_scoped3A_5[%get3A_784, %get3A_785] {strides = array<i32>} : memref<200x128xf32, #tpu.memory_space<vmem>>, vector<16xf32>,
          %mul3A_787 = arith.mulf %get3A_608, %get3A_786 : vector<16xf32>
          %add3A_788 = arith.addf %add3A_782, %mul3A_787 : vector<16xf32>
          %get3A_789 = arith.constant 199 : i32
          %get3A_790 = arith.index_cast %get3A_789 : i32 to index
          %get3A_791 = arith.index_cast %mul3A_602 : i32 to index
          %get3A_792 = tpu.vector_load %run_scoped3A[%get3A_790, %get3A_791] {strides = array<i32>} : memref<200x128xf32, #tpu.memory_space<vmem>>, vector<16xf32>,
          %mul3A_793 = arith.mulf %get3A_605, %get3A_792 : vector<16xf32>
          %add3A_794 = arith.addf %scan3A_600, %mul3A_793 : vector<16xf32>
          %get3A_795 = arith.constant 199 : i32
          %get3A_796 = arith.index_cast %get3A_795 : i32 to index
          %get3A_797 = arith.index_cast %mul3A_602 : i32 to index
          %get3A_798 = tpu.vector_load %run_scoped3A_5[%get3A_796, %get3A_797] {strides = array<i32>} : memref<200x128xf32, #tpu.memory_space<vmem>>, vector<16xf32>,
          %mul3A_799 = arith.mulf %get3A_608, %get3A_798 : vector<16xf32>
          %add3A_800 = arith.addf %add3A_794, %mul3A_799 : vector<16xf32>
          scf.yield %add3A_620, %add3A_632, %add3A_644, %add3A_656, %add3A_668, %add3A_680, %add3A_692, %add3A_704, %add3A_716, %add3A_728, %add3A_740, %add3A_752, %add3A_764, %add3A_776, %add3A_788, %add3A_800 : vector<16xf32>, vector<16xf32>, vector<16xf32>, vector<16xf32>, vector<16xf32>, vector<16xf32>, vector<16xf32>, vector<16xf32>, vector<16xf32>, vector<16xf32>, vector<16xf32>, vector<16xf32>, vector<16xf32>, vector<16xf32>, vector<16xf32>, vector<16xf32>
        }
        %scan3A_157 = arith.constant 8 : i32
        %mul3A_158 = arith.constant 200 : i32
        %mul3A_159 = arith.muli %mul3A_67, %mul3A_158 : i32
        %add3A_160 = arith.constant 184 : i32
        %add3A_161 = arith.addi %mul3A_159, %add3A_160 : i32
        %get3A = arith.index_cast %add3A_161 : i32 to index
        %get3A_162 = tpu.vector_load %arg12[%get3A] {strides = array<i32>} : memref<6400xf32, #tpu.memory_space<vmem>>, vector<16xf32>,
        %eq3A = arith.constant 0 : i32
        %eq3A_163 = vector.broadcast %eq3A : i32 to vector<16xi32>
        %eq3A_164 = arith.cmpi eq, %iota3A, %eq3A_163 : vector<16xi32>
        %reduce_sum3A = arith.constant true
        %reduce_sum3A_165 = vector.broadcast %reduce_sum3A : i1 to vector<16xi1>
        %reduce_sum3A_166 = tpu.scan <sum>, %scan3A_156#0 masked %reduce_sum3A_165 : vector<16xf32>, vector<16xi1> -> vector<16xf32>
        %reduce_sum3A_167 = vector.extract %reduce_sum3A_166[15] : f32 from vector<16xf32>
        %add3A_168 = vector.broadcast %reduce_sum3A_167 : f32 to vector<16xf32>
        %add3A_169 = arith.addf %get3A_162, %add3A_168 : vector<16xf32>
        %select_n3A = arith.select %eq3A_164, %add3A_169, %get3A_162 : vector<16xi1>, vector<16xf32>
        %eq3A_170 = arith.constant 1 : i32
        %eq3A_171 = vector.broadcast %eq3A_170 : i32 to vector<16xi32>
        %eq3A_172 = arith.cmpi eq, %iota3A, %eq3A_171 : vector<16xi32>
        %reduce_sum3A_173 = arith.constant true
        %reduce_sum3A_174 = vector.broadcast %reduce_sum3A_173 : i1 to vector<16xi1>
        %reduce_sum3A_175 = tpu.scan <sum>, %scan3A_156#1 masked %reduce_sum3A_174 : vector<16xf32>, vector<16xi1> -> vector<16xf32>
        %reduce_sum3A_176 = vector.extract %reduce_sum3A_175[15] : f32 from vector<16xf32>
        %add3A_177 = vector.broadcast %reduce_sum3A_176 : f32 to vector<16xf32>
        %add3A_178 = arith.addf %select_n3A, %add3A_177 : vector<16xf32>
        %select_n3A_179 = arith.select %eq3A_172, %add3A_178, %select_n3A : vector<16xi1>, vector<16xf32>
        %eq3A_180 = arith.constant 2 : i32
        %eq3A_181 = vector.broadcast %eq3A_180 : i32 to vector<16xi32>
        %eq3A_182 = arith.cmpi eq, %iota3A, %eq3A_181 : vector<16xi32>
        %reduce_sum3A_183 = arith.constant true
        %reduce_sum3A_184 = vector.broadcast %reduce_sum3A_183 : i1 to vector<16xi1>
        %reduce_sum3A_185 = tpu.scan <sum>, %scan3A_156#2 masked %reduce_sum3A_184 : vector<16xf32>, vector<16xi1> -> vector<16xf32>
        %reduce_sum3A_186 = vector.extract %reduce_sum3A_185[15] : f32 from vector<16xf32>
        %add3A_187 = vector.broadcast %reduce_sum3A_186 : f32 to vector<16xf32>
        %add3A_188 = arith.addf %select_n3A_179, %add3A_187 : vector<16xf32>
        %select_n3A_189 = arith.select %eq3A_182, %add3A_188, %select_n3A_179 : vector<16xi1>, vector<16xf32>
        %eq3A_190 = arith.constant 3 : i32
        %eq3A_191 = vector.broadcast %eq3A_190 : i32 to vector<16xi32>
        %eq3A_192 = arith.cmpi eq, %iota3A, %eq3A_191 : vector<16xi32>
        %reduce_sum3A_193 = arith.constant true
        %reduce_sum3A_194 = vector.broadcast %reduce_sum3A_193 : i1 to vector<16xi1>
        %reduce_sum3A_195 = tpu.scan <sum>, %scan3A_156#3 masked %reduce_sum3A_194 : vector<16xf32>, vector<16xi1> -> vector<16xf32>
        %reduce_sum3A_196 = vector.extract %reduce_sum3A_195[15] : f32 from vector<16xf32>
        %add3A_197 = vector.broadcast %reduce_sum3A_196 : f32 to vector<16xf32>
        %add3A_198 = arith.addf %select_n3A_189, %add3A_197 : vector<16xf32>
        %select_n3A_199 = arith.select %eq3A_192, %add3A_198, %select_n3A_189 : vector<16xi1>, vector<16xf32>
        %eq3A_200 = arith.constant 4 : i32
        %eq3A_201 = vector.broadcast %eq3A_200 : i32 to vector<16xi32>
        %eq3A_202 = arith.cmpi eq, %iota3A, %eq3A_201 : vector<16xi32>
        %reduce_sum3A_203 = arith.constant true
        %reduce_sum3A_204 = vector.broadcast %reduce_sum3A_203 : i1 to vector<16xi1>
        %reduce_sum3A_205 = tpu.scan <sum>, %scan3A_156#4 masked %reduce_sum3A_204 : vector<16xf32>, vector<16xi1> -> vector<16xf32>
        %reduce_sum3A_206 = vector.extract %reduce_sum3A_205[15] : f32 from vector<16xf32>
        %add3A_207 = vector.broadcast %reduce_sum3A_206 : f32 to vector<16xf32>
        %add3A_208 = arith.addf %select_n3A_199, %add3A_207 : vector<16xf32>
        %select_n3A_209 = arith.select %eq3A_202, %add3A_208, %select_n3A_199 : vector<16xi1>, vector<16xf32>
        %eq3A_210 = arith.constant 5 : i32
        %eq3A_211 = vector.broadcast %eq3A_210 : i32 to vector<16xi32>
        %eq3A_212 = arith.cmpi eq, %iota3A, %eq3A_211 : vector<16xi32>
        %reduce_sum3A_213 = arith.constant true
        %reduce_sum3A_214 = vector.broadcast %reduce_sum3A_213 : i1 to vector<16xi1>
        %reduce_sum3A_215 = tpu.scan <sum>, %scan3A_156#5 masked %reduce_sum3A_214 : vector<16xf32>, vector<16xi1> -> vector<16xf32>
        %reduce_sum3A_216 = vector.extract %reduce_sum3A_215[15] : f32 from vector<16xf32>
        %add3A_217 = vector.broadcast %reduce_sum3A_216 : f32 to vector<16xf32>
        %add3A_218 = arith.addf %select_n3A_209, %add3A_217 : vector<16xf32>
        %select_n3A_219 = arith.select %eq3A_212, %add3A_218, %select_n3A_209 : vector<16xi1>, vector<16xf32>
        %eq3A_220 = arith.constant 6 : i32
        %eq3A_221 = vector.broadcast %eq3A_220 : i32 to vector<16xi32>
        %eq3A_222 = arith.cmpi eq, %iota3A, %eq3A_221 : vector<16xi32>
        %reduce_sum3A_223 = arith.constant true
        %reduce_sum3A_224 = vector.broadcast %reduce_sum3A_223 : i1 to vector<16xi1>
        %reduce_sum3A_225 = tpu.scan <sum>, %scan3A_156#6 masked %reduce_sum3A_224 : vector<16xf32>, vector<16xi1> -> vector<16xf32>
        %reduce_sum3A_226 = vector.extract %reduce_sum3A_225[15] : f32 from vector<16xf32>
        %add3A_227 = vector.broadcast %reduce_sum3A_226 : f32 to vector<16xf32>
        %add3A_228 = arith.addf %select_n3A_219, %add3A_227 : vector<16xf32>
        %select_n3A_229 = arith.select %eq3A_222, %add3A_228, %select_n3A_219 : vector<16xi1>, vector<16xf32>
        %eq3A_230 = arith.constant 7 : i32
        %eq3A_231 = vector.broadcast %eq3A_230 : i32 to vector<16xi32>
        %eq3A_232 = arith.cmpi eq, %iota3A, %eq3A_231 : vector<16xi32>
        %reduce_sum3A_233 = arith.constant true
        %reduce_sum3A_234 = vector.broadcast %reduce_sum3A_233 : i1 to vector<16xi1>
        %reduce_sum3A_235 = tpu.scan <sum>, %scan3A_156#7 masked %reduce_sum3A_234 : vector<16xf32>, vector<16xi1> -> vector<16xf32>
        %reduce_sum3A_236 = vector.extract %reduce_sum3A_235[15] : f32 from vector<16xf32>
        %add3A_237 = vector.broadcast %reduce_sum3A_236 : f32 to vector<16xf32>
        %add3A_238 = arith.addf %select_n3A_229, %add3A_237 : vector<16xf32>
        %select_n3A_239 = arith.select %eq3A_232, %add3A_238, %select_n3A_229 : vector<16xi1>, vector<16xf32>
        %eq3A_240 = arith.constant 8 : i32
        %eq3A_241 = vector.broadcast %eq3A_240 : i32 to vector<16xi32>
        %eq3A_242 = arith.cmpi eq, %iota3A, %eq3A_241 : vector<16xi32>
        %reduce_sum3A_243 = arith.constant true
        %reduce_sum3A_244 = vector.broadcast %reduce_sum3A_243 : i1 to vector<16xi1>
        %reduce_sum3A_245 = tpu.scan <sum>, %scan3A_156#8 masked %reduce_sum3A_244 : vector<16xf32>, vector<16xi1> -> vector<16xf32>
        %reduce_sum3A_246 = vector.extract %reduce_sum3A_245[15] : f32 from vector<16xf32>
        %add3A_247 = vector.broadcast %reduce_sum3A_246 : f32 to vector<16xf32>
        %add3A_248 = arith.addf %select_n3A_239, %add3A_247 : vector<16xf32>
        %select_n3A_249 = arith.select %eq3A_242, %add3A_248, %select_n3A_239 : vector<16xi1>, vector<16xf32>
        %eq3A_250 = arith.constant 9 : i32
        %eq3A_251 = vector.broadcast %eq3A_250 : i32 to vector<16xi32>
        %eq3A_252 = arith.cmpi eq, %iota3A, %eq3A_251 : vector<16xi32>
        %reduce_sum3A_253 = arith.constant true
        %reduce_sum3A_254 = vector.broadcast %reduce_sum3A_253 : i1 to vector<16xi1>
        %reduce_sum3A_255 = tpu.scan <sum>, %scan3A_156#9 masked %reduce_sum3A_254 : vector<16xf32>, vector<16xi1> -> vector<16xf32>
        %reduce_sum3A_256 = vector.extract %reduce_sum3A_255[15] : f32 from vector<16xf32>
        %add3A_257 = vector.broadcast %reduce_sum3A_256 : f32 to vector<16xf32>
        %add3A_258 = arith.addf %select_n3A_249, %add3A_257 : vector<16xf32>
        %select_n3A_259 = arith.select %eq3A_252, %add3A_258, %select_n3A_249 : vector<16xi1>, vector<16xf32>
        %eq3A_260 = arith.constant 10 : i32
        %eq3A_261 = vector.broadcast %eq3A_260 : i32 to vector<16xi32>
        %eq3A_262 = arith.cmpi eq, %iota3A, %eq3A_261 : vector<16xi32>
        %reduce_sum3A_263 = arith.constant true
        %reduce_sum3A_264 = vector.broadcast %reduce_sum3A_263 : i1 to vector<16xi1>
        %reduce_sum3A_265 = tpu.scan <sum>, %scan3A_156#10 masked %reduce_sum3A_264 : vector<16xf32>, vector<16xi1> -> vector<16xf32>
        %reduce_sum3A_266 = vector.extract %reduce_sum3A_265[15] : f32 from vector<16xf32>
        %add3A_267 = vector.broadcast %reduce_sum3A_266 : f32 to vector<16xf32>
        %add3A_268 = arith.addf %select_n3A_259, %add3A_267 : vector<16xf32>
        %select_n3A_269 = arith.select %eq3A_262, %add3A_268, %select_n3A_259 : vector<16xi1>, vector<16xf32>
        %eq3A_270 = arith.constant 11 : i32
        %eq3A_271 = vector.broadcast %eq3A_270 : i32 to vector<16xi32>
        %eq3A_272 = arith.cmpi eq, %iota3A, %eq3A_271 : vector<16xi32>
        %reduce_sum3A_273 = arith.constant true
        %reduce_sum3A_274 = vector.broadcast %reduce_sum3A_273 : i1 to vector<16xi1>
        %reduce_sum3A_275 = tpu.scan <sum>, %scan3A_156#11 masked %reduce_sum3A_274 : vector<16xf32>, vector<16xi1> -> vector<16xf32>
        %reduce_sum3A_276 = vector.extract %reduce_sum3A_275[15] : f32 from vector<16xf32>
        %add3A_277 = vector.broadcast %reduce_sum3A_276 : f32 to vector<16xf32>
        %add3A_278 = arith.addf %select_n3A_269, %add3A_277 : vector<16xf32>
        %select_n3A_279 = arith.select %eq3A_272, %add3A_278, %select_n3A_269 : vector<16xi1>, vector<16xf32>
        %eq3A_280 = arith.constant 12 : i32
        %eq3A_281 = vector.broadcast %eq3A_280 : i32 to vector<16xi32>
        %eq3A_282 = arith.cmpi eq, %iota3A, %eq3A_281 : vector<16xi32>
        %reduce_sum3A_283 = arith.constant true
        %reduce_sum3A_284 = vector.broadcast %reduce_sum3A_283 : i1 to vector<16xi1>
        %reduce_sum3A_285 = tpu.scan <sum>, %scan3A_156#12 masked %reduce_sum3A_284 : vector<16xf32>, vector<16xi1> -> vector<16xf32>
        %reduce_sum3A_286 = vector.extract %reduce_sum3A_285[15] : f32 from vector<16xf32>
        %add3A_287 = vector.broadcast %reduce_sum3A_286 : f32 to vector<16xf32>
        %add3A_288 = arith.addf %select_n3A_279, %add3A_287 : vector<16xf32>
        %select_n3A_289 = arith.select %eq3A_282, %add3A_288, %select_n3A_279 : vector<16xi1>, vector<16xf32>
        %eq3A_290 = arith.constant 13 : i32
        %eq3A_291 = vector.broadcast %eq3A_290 : i32 to vector<16xi32>
        %eq3A_292 = arith.cmpi eq, %iota3A, %eq3A_291 : vector<16xi32>
        %reduce_sum3A_293 = arith.constant true
        %reduce_sum3A_294 = vector.broadcast %reduce_sum3A_293 : i1 to vector<16xi1>
        %reduce_sum3A_295 = tpu.scan <sum>, %scan3A_156#13 masked %reduce_sum3A_294 : vector<16xf32>, vector<16xi1> -> vector<16xf32>
        %reduce_sum3A_296 = vector.extract %reduce_sum3A_295[15] : f32 from vector<16xf32>
        %add3A_297 = vector.broadcast %reduce_sum3A_296 : f32 to vector<16xf32>
        %add3A_298 = arith.addf %select_n3A_289, %add3A_297 : vector<16xf32>
        %select_n3A_299 = arith.select %eq3A_292, %add3A_298, %select_n3A_289 : vector<16xi1>, vector<16xf32>
        %eq3A_300 = arith.constant 14 : i32
        %eq3A_301 = vector.broadcast %eq3A_300 : i32 to vector<16xi32>
        %eq3A_302 = arith.cmpi eq, %iota3A, %eq3A_301 : vector<16xi32>
        %reduce_sum3A_303 = arith.constant true
        %reduce_sum3A_304 = vector.broadcast %reduce_sum3A_303 : i1 to vector<16xi1>
        %reduce_sum3A_305 = tpu.scan <sum>, %scan3A_156#14 masked %reduce_sum3A_304 : vector<16xf32>, vector<16xi1> -> vector<16xf32>
        %reduce_sum3A_306 = vector.extract %reduce_sum3A_305[15] : f32 from vector<16xf32>
        %add3A_307 = vector.broadcast %reduce_sum3A_306 : f32 to vector<16xf32>
        %add3A_308 = arith.addf %select_n3A_299, %add3A_307 : vector<16xf32>
        %select_n3A_309 = arith.select %eq3A_302, %add3A_308, %select_n3A_299 : vector<16xi1>, vector<16xf32>
        %eq3A_310 = arith.constant 15 : i32
        %eq3A_311 = vector.broadcast %eq3A_310 : i32 to vector<16xi32>
        %eq3A_312 = arith.cmpi eq, %iota3A, %eq3A_311 : vector<16xi32>
        %reduce_sum3A_313 = arith.constant true
        %reduce_sum3A_314 = vector.broadcast %reduce_sum3A_313 : i1 to vector<16xi1>
        %reduce_sum3A_315 = tpu.scan <sum>, %scan3A_156#15 masked %reduce_sum3A_314 : vector<16xf32>, vector<16xi1> -> vector<16xf32>
        %reduce_sum3A_316 = vector.extract %reduce_sum3A_315[15] : f32 from vector<16xf32>
        %add3A_317 = vector.broadcast %reduce_sum3A_316 : f32 to vector<16xf32>
        %add3A_318 = arith.addf %select_n3A_309, %add3A_317 : vector<16xf32>
        %select_n3A_319 = arith.select %eq3A_312, %add3A_318, %select_n3A_309 : vector<16xi1>, vector<16xf32>
        %swap3A = arith.constant 0 : i32
        %swap3A_320 = arith.index_cast %swap3A : i32 to index
        %swap3A_321 = arith.constant 184 : index
        %swap3A_322 = tpu.vector_load %arg13[%swap3A_320, %swap3A_321] {strides = array<i32>} : memref<2x200xf32, #tpu.memory_space<vmem>>, vector<16xf32>,
        tpu.vector_store %arg13[%swap3A_320, %swap3A_321], %select_n3A_319 {strides = array<i32>} : memref<2x200xf32, #tpu.memory_space<vmem>>, vector<16xf32>,
        %add3A_323 = arith.addi %mul3A_2, %mul3A_67 : i32
        %dma_start3A_324 = arith.constant 0 : i32
        %dma_start3A_325 = arith.constant 0 : i32
        %dma_start3A_326 = tpu.memref_slice %arg13[%dma_start3A_324, %dma_start3A_325] : memref<2x200xf32, #tpu.memory_space<vmem>> -> memref<1x200xf32, #tpu.memory_space<vmem>>
        %dma_start3A_327 = arith.constant 0 : i32
        %dma_start3A_328 = tpu.memref_slice %arg8[%add3A_323, %dma_start3A_327] : memref<1024x200xf32, #tpu.memory_space<hbm>> -> memref<1x200xf32, #tpu.memory_space<hbm>>
        %dma_start3A_329 = arith.constant 0 : i32
        %dma_start3A_330 = tpu.memref_slice %arg8[%add3A_323, %dma_start3A_329] : memref<1024x200xf32, #tpu.memory_space<hbm>> -> memref<1x200xf32, #tpu.memory_space<hbm>>
        %dma_start3A_331 = arith.constant 0 : i32
        %dma_start3A_332 = arith.constant 0 : i32
        %dma_start3A_333 = tpu.memref_slice %arg13[%dma_start3A_331, %dma_start3A_332] : memref<2x200xf32, #tpu.memory_space<vmem>> -> memref<1x200xf32, #tpu.memory_space<vmem>>
        tpu.enqueue_dma source(%dma_start3A_333 : memref<1x200xf32, #tpu.memory_space<vmem>>) target(%dma_start3A_330 : memref<1x200xf32, #tpu.memory_space<hbm>>) target_semaphore(%arg16 : memref<!tpu.dma_semaphore, #tpu.memory_space<semaphore_mem>>)
        %add3A_334 = arith.constant 2 : i32
        %add3A_335 = arith.addi %mul3A_67, %add3A_334 : i32
        %lt3A = arith.constant 32 : i32
        %lt3A_336 = arith.cmpi slt, %add3A_335, %lt3A : i32
        %convert_element_type3A_337 = arith.extui %lt3A_336 : i1 to i32
        %cond3A_338 = arith.constant 0 : i32
        %cond3A_339 = arith.cmpi ne, %convert_element_type3A_337, %cond3A_338 : i32
        scf.if %cond3A_339 {
          %add3A_584 = arith.constant 2 : i32
          %add3A_585 = arith.addi %mul3A_67, %add3A_584 : i32
          %mul3A_586 = arith.constant 200 : i32
          %mul3A_587 = arith.muli %add3A_585, %mul3A_586 : i32
          %add3A_588 = arith.constant 0 : i32
          %add3A_589 = arith.addi %mul3A_587, %add3A_588 : i32
          %dma_start3A_590 = arith.constant 0 : i32
          %dma_start3A_591 = arith.constant 0 : i32
          %dma_start3A_592 = tpu.memref_slice %run_scoped3A[%dma_start3A_590, %dma_start3A_591] : memref<200x128xf32, #tpu.memory_space<vmem>> -> memref<128x128xf32, #tpu.memory_space<vmem>>
          %dma_start3A_593 = tpu.memref_slice %arg9[%add3A_589] : memref<6400xi32, #tpu.memory_space<vmem>> -> memref<128xi32, #tpu.memory_space<vmem>>
          %dma_start3A_594 = arith.constant 0 : i32
          %dma_start3A_595 = arith.constant 0 : i32
          %dma_start3A_596 = tpu.memref_slice %arg5[%dma_start3A_594, %dma_start3A_595] : memref<100000x128xf32, #tpu.memory_space<hbm>> -> memref<100000x128xf32, #tpu.memory_space<hbm>>
          tpu.enqueue_indirect_dma source(%dma_start3A_596 : memref<100000x128xf32, #tpu.memory_space<hbm>>) target(%dma_start3A_592 : memref<128x128xf32, #tpu.memory_space<vmem>>) offsets(%dma_start3A_593 : memref<128xi32, #tpu.memory_space<vmem>>) semaphore(%arg14 : memref<!tpu.dma_semaphore, #tpu.memory_space<semaphore_mem>>)
          %dma_start3A_597 = arith.constant 0 : i32
          %dma_start3A_598 = arith.constant 0 : i32
          %dma_start3A_599 = tpu.memref_slice %run_scoped3A_5[%dma_start3A_597, %dma_start3A_598] : memref<200x128xf32, #tpu.memory_space<vmem>> -> memref<128x128xf32, #tpu.memory_space<vmem>>
          %dma_start3A_600 = tpu.memref_slice %arg9[%add3A_589] : memref<6400xi32, #tpu.memory_space<vmem>> -> memref<128xi32, #tpu.memory_space<vmem>>
          %dma_start3A_601 = arith.constant 0 : i32
          %dma_start3A_602 = arith.constant 0 : i32
          %dma_start3A_603 = tpu.memref_slice %arg6[%dma_start3A_601, %dma_start3A_602] : memref<100000x128xf32, #tpu.memory_space<hbm>> -> memref<100000x128xf32, #tpu.memory_space<hbm>>
          tpu.enqueue_indirect_dma source(%dma_start3A_603 : memref<100000x128xf32, #tpu.memory_space<hbm>>) target(%dma_start3A_599 : memref<128x128xf32, #tpu.memory_space<vmem>>) offsets(%dma_start3A_600 : memref<128xi32, #tpu.memory_space<vmem>>) semaphore(%arg14 : memref<!tpu.dma_semaphore, #tpu.memory_space<semaphore_mem>>)
          %mul3A_604 = arith.constant 200 : i32
          %mul3A_605 = arith.muli %add3A_585, %mul3A_604 : i32
          %add3A_606 = arith.constant 128 : i32
          %add3A_607 = arith.addi %mul3A_605, %add3A_606 : i32
          %dma_start3A_608 = arith.constant 128 : i32
          %dma_start3A_609 = arith.constant 0 : i32
          %dma_start3A_610 = tpu.memref_slice %run_scoped3A[%dma_start3A_608, %dma_start3A_609] : memref<200x128xf32, #tpu.memory_space<vmem>> -> memref<72x128xf32, #tpu.memory_space<vmem>>
          %dma_start3A_611 = tpu.memref_slice %arg9[%add3A_607] : memref<6400xi32, #tpu.memory_space<vmem>> -> memref<72xi32, #tpu.memory_space<vmem>>
          %dma_start3A_612 = arith.constant 0 : i32
          %dma_start3A_613 = arith.constant 0 : i32
          %dma_start3A_614 = tpu.memref_slice %arg5[%dma_start3A_612, %dma_start3A_613] : memref<100000x128xf32, #tpu.memory_space<hbm>> -> memref<100000x128xf32, #tpu.memory_space<hbm>>
          tpu.enqueue_indirect_dma source(%dma_start3A_614 : memref<100000x128xf32, #tpu.memory_space<hbm>>) target(%dma_start3A_610 : memref<72x128xf32, #tpu.memory_space<vmem>>) offsets(%dma_start3A_611 : memref<72xi32, #tpu.memory_space<vmem>>) semaphore(%arg14 : memref<!tpu.dma_semaphore, #tpu.memory_space<semaphore_mem>>)
          %dma_start3A_615 = arith.constant 128 : i32
          %dma_start3A_616 = arith.constant 0 : i32
          %dma_start3A_617 = tpu.memref_slice %run_scoped3A_5[%dma_start3A_615, %dma_start3A_616] : memref<200x128xf32, #tpu.memory_space<vmem>> -> memref<72x128xf32, #tpu.memory_space<vmem>>
          %dma_start3A_618 = tpu.memref_slice %arg9[%add3A_607] : memref<6400xi32, #tpu.memory_space<vmem>> -> memref<72xi32, #tpu.memory_space<vmem>>
          %dma_start3A_619 = arith.constant 0 : i32
          %dma_start3A_620 = arith.constant 0 : i32
          %dma_start3A_621 = tpu.memref_slice %arg6[%dma_start3A_619, %dma_start3A_620] : memref<100000x128xf32, #tpu.memory_space<hbm>> -> memref<100000x128xf32, #tpu.memory_space<hbm>>
          tpu.enqueue_indirect_dma source(%dma_start3A_621 : memref<100000x128xf32, #tpu.memory_space<hbm>>) target(%dma_start3A_617 : memref<72x128xf32, #tpu.memory_space<vmem>>) offsets(%dma_start3A_618 : memref<72xi32, #tpu.memory_space<vmem>>) semaphore(%arg14 : memref<!tpu.dma_semaphore, #tpu.memory_space<semaphore_mem>>)
        } else {
        }
        %add3A_340 = arith.constant 1 : i32
        %add3A_341 = arith.addi %mul3A_67, %add3A_340 : i32
        %mul3A_342 = arith.constant 200 : i32
        %mul3A_343 = arith.muli %add3A_341, %mul3A_342 : i32
        %add3A_344 = arith.constant 0 : i32
        %add3A_345 = arith.addi %mul3A_343, %add3A_344 : i32
        %dma_wait3A_346 = arith.constant 0 : i32
        %dma_wait3A_347 = arith.constant 0 : i32
        %dma_wait3A_348 = tpu.memref_slice %run_scoped3A_6[%dma_wait3A_346, %dma_wait3A_347] : memref<200x128xf32, #tpu.memory_space<vmem>> -> memref<128x128xf32, #tpu.memory_space<vmem>>
        %dma_wait3A_349 = tpu.memref_slice %arg9[%add3A_345] : memref<6400xi32, #tpu.memory_space<vmem>> -> memref<128xi32, #tpu.memory_space<vmem>>
        %dma_wait3A_350 = arith.constant 0 : i32
        %dma_wait3A_351 = arith.constant 0 : i32
        %dma_wait3A_352 = tpu.memref_slice %arg5[%dma_wait3A_350, %dma_wait3A_351] : memref<100000x128xf32, #tpu.memory_space<hbm>> -> memref<100000x128xf32, #tpu.memory_space<hbm>>
        tpu.wait_indirect_dma semaphore(%arg15 : memref<!tpu.dma_semaphore, #tpu.memory_space<semaphore_mem>>) src(%dma_wait3A_352 : memref<100000x128xf32, #tpu.memory_space<hbm>>) dst(%dma_wait3A_348 : memref<128x128xf32, #tpu.memory_space<vmem>>)
        %dma_wait3A_353 = arith.constant 0 : i32
        %dma_wait3A_354 = arith.constant 0 : i32
        %dma_wait3A_355 = tpu.memref_slice %run_scoped3A_7[%dma_wait3A_353, %dma_wait3A_354] : memref<200x128xf32, #tpu.memory_space<vmem>> -> memref<128x128xf32, #tpu.memory_space<vmem>>
        %dma_wait3A_356 = tpu.memref_slice %arg9[%add3A_345] : memref<6400xi32, #tpu.memory_space<vmem>> -> memref<128xi32, #tpu.memory_space<vmem>>
        %dma_wait3A_357 = arith.constant 0 : i32
        %dma_wait3A_358 = arith.constant 0 : i32
        %dma_wait3A_359 = tpu.memref_slice %arg6[%dma_wait3A_357, %dma_wait3A_358] : memref<100000x128xf32, #tpu.memory_space<hbm>> -> memref<100000x128xf32, #tpu.memory_space<hbm>>
        tpu.wait_indirect_dma semaphore(%arg15 : memref<!tpu.dma_semaphore, #tpu.memory_space<semaphore_mem>>) src(%dma_wait3A_359 : memref<100000x128xf32, #tpu.memory_space<hbm>>) dst(%dma_wait3A_355 : memref<128x128xf32, #tpu.memory_space<vmem>>)
        %mul3A_360 = arith.constant 200 : i32
        %mul3A_361 = arith.muli %add3A_341, %mul3A_360 : i32
        %add3A_362 = arith.constant 128 : i32
        %add3A_363 = arith.addi %mul3A_361, %add3A_362 : i32
        %dma_wait3A_364 = arith.constant 128 : i32
        %dma_wait3A_365 = arith.constant 0 : i32
        %dma_wait3A_366 = tpu.memref_slice %run_scoped3A_6[%dma_wait3A_364, %dma_wait3A_365] : memref<200x128xf32, #tpu.memory_space<vmem>> -> memref<72x128xf32, #tpu.memory_space<vmem>>
        %dma_wait3A_367 = tpu.memref_slice %arg9[%add3A_363] : memref<6400xi32, #tpu.memory_space<vmem>> -> memref<72xi32, #tpu.memory_space<vmem>>
        %dma_wait3A_368 = arith.constant 0 : i32
        %dma_wait3A_369 = arith.constant 0 : i32
        %dma_wait3A_370 = tpu.memref_slice %arg5[%dma_wait3A_368, %dma_wait3A_369] : memref<100000x128xf32, #tpu.memory_space<hbm>> -> memref<100000x128xf32, #tpu.memory_space<hbm>>
        tpu.wait_indirect_dma semaphore(%arg15 : memref<!tpu.dma_semaphore, #tpu.memory_space<semaphore_mem>>) src(%dma_wait3A_370 : memref<100000x128xf32, #tpu.memory_space<hbm>>) dst(%dma_wait3A_366 : memref<72x128xf32, #tpu.memory_space<vmem>>)
        %dma_wait3A_371 = arith.constant 128 : i32
        %dma_wait3A_372 = arith.constant 0 : i32
        %dma_wait3A_373 = tpu.memref_slice %run_scoped3A_7[%dma_wait3A_371, %dma_wait3A_372] : memref<200x128xf32, #tpu.memory_space<vmem>> -> memref<72x128xf32, #tpu.memory_space<vmem>>
        %dma_wait3A_374 = tpu.memref_slice %arg9[%add3A_363] : memref<6400xi32, #tpu.memory_space<vmem>> -> memref<72xi32, #tpu.memory_space<vmem>>
        %dma_wait3A_375 = arith.constant 0 : i32
        %dma_wait3A_376 = arith.constant 0 : i32
        %dma_wait3A_377 = tpu.memref_slice %arg6[%dma_wait3A_375, %dma_wait3A_376] : memref<100000x128xf32, #tpu.memory_space<hbm>> -> memref<100000x128xf32, #tpu.memory_space<hbm>>
        tpu.wait_indirect_dma semaphore(%arg15 : memref<!tpu.dma_semaphore, #tpu.memory_space<semaphore_mem>>) src(%dma_wait3A_377 : memref<100000x128xf32, #tpu.memory_space<hbm>>) dst(%dma_wait3A_373 : memref<72x128xf32, #tpu.memory_space<vmem>>)
        %gt3A_378 = arith.constant 0 : i32
        %gt3A_379 = arith.cmpi sgt, %scan3A_64, %gt3A_378 : i32
        %convert_element_type3A_380 = arith.extui %gt3A_379 : i1 to i32
        %cond3A_381 = arith.constant 0 : i32
        %cond3A_382 = arith.cmpi ne, %convert_element_type3A_380, %cond3A_381 : i32
        scf.if %cond3A_382 {
          %dma_wait3A_584 = arith.constant 1 : i32
          %dma_wait3A_585 = arith.constant 0 : i32
          %dma_wait3A_586 = tpu.memref_slice %arg13[%dma_wait3A_584, %dma_wait3A_585] : memref<2x200xf32, #tpu.memory_space<vmem>> -> memref<1x200xf32, #tpu.memory_space<vmem>>
          %dma_wait3A_587 = arith.constant 0 : i32
          %dma_wait3A_588 = tpu.memref_slice %arg8[%mul3A_2, %dma_wait3A_587] : memref<1024x200xf32, #tpu.memory_space<hbm>> -> memref<1x200xf32, #tpu.memory_space<hbm>>
          %dma_wait3A_589 = arith.constant 0 : i32
          %dma_wait3A_590 = tpu.memref_slice %arg8[%mul3A_2, %dma_wait3A_589] : memref<1024x200xf32, #tpu.memory_space<hbm>> -> memref<1x200xf32, #tpu.memory_space<hbm>>
          %dma_wait3A_591 = arith.constant 1 : i32
          %dma_wait3A_592 = arith.constant 0 : i32
          %dma_wait3A_593 = tpu.memref_slice %arg13[%dma_wait3A_591, %dma_wait3A_592] : memref<2x200xf32, #tpu.memory_space<vmem>> -> memref<1x200xf32, #tpu.memory_space<vmem>>
          tpu.wait_dma2 semaphore(%arg17 : memref<!tpu.dma_semaphore, #tpu.memory_space<semaphore_mem>>) src(%dma_wait3A_593 : memref<1x200xf32, #tpu.memory_space<vmem>>) dst(%dma_wait3A_590 : memref<1x200xf32, #tpu.memory_space<hbm>>)
        } else {
        }
        %add3A_383 = arith.constant 1 : i32
        %add3A_384 = arith.addi %mul3A_67, %add3A_383 : i32
        %scan3A_385 = arith.constant 0 : i32
        %scan3A_386 = arith.constant 0 : i32
        %scan3A_387 = arith.constant 12 : i32
        %scan3A_388 = arith.addi %scan3A_386, %scan3A_387 : i32
        %scan3A_389 = arith.constant 1 : i32
        %scan3A_390 = scf.for %scan3A_584 = %scan3A_386 to %scan3A_388 step %scan3A_389 iter_args(%scan3A_585 = %scan3A_385) -> (i32)  : i32 {
          %mul3A_586 = arith.constant 16 : i32
          %mul3A_587 = arith.muli %scan3A_584, %mul3A_586 : i32
          %broadcast_in_dim3A_588 = arith.constant 0.000000e+00 : f32
          %broadcast_in_dim3A_589 = vector.broadcast %broadcast_in_dim3A_588 : f32 to vector<16xf32>
          %scan3A_590 = arith.constant 0 : i32
          %scan3A_591 = arith.constant 8 : i32
          %scan3A_592 = arith.addi %scan3A_590, %scan3A_591 : i32
          %scan3A_593 = arith.constant 1 : i32
          %scan3A_594:16 = scf.for %scan3A_766 = %scan3A_590 to %scan3A_592 step %scan3A_593 iter_args(%scan3A_767 = %broadcast_in_dim3A_589, %scan3A_768 = %broadcast_in_dim3A_589, %scan3A_769 = %broadcast_in_dim3A_589, %scan3A_770 = %broadcast_in_dim3A_589, %scan3A_771 = %broadcast_in_dim3A_589, %scan3A_772 = %broadcast_in_dim3A_589, %scan3A_773 = %broadcast_in_dim3A_589, %scan3A_774 = %broadcast_in_dim3A_589, %scan3A_775 = %broadcast_in_dim3A_589, %scan3A_776 = %broadcast_in_dim3A_589, %scan3A_777 = %broadcast_in_dim3A_589, %scan3A_778 = %broadcast_in_dim3A_589, %scan3A_779 = %broadcast_in_dim3A_589, %scan3A_780 = %broadcast_in_dim3A_589, %scan3A_781 = %broadcast_in_dim3A_589, %scan3A_782 = %broadcast_in_dim3A_589) -> (vector<16xf32>, vector<16xf32>, vector<16xf32>, vector<16xf32>, vector<16xf32>, vector<16xf32>, vector<16xf32>, vector<16xf32>, vector<16xf32>, vector<16xf32>, vector<16xf32>, vector<16xf32>, vector<16xf32>, vector<16xf32>, vector<16xf32>, vector<16xf32>)  : i32 {
            %mul3A_783 = arith.constant 16 : i32
            %mul3A_784 = arith.muli %scan3A_766, %mul3A_783 : i32
            %get3A_785 = arith.index_cast %add3A_384 : i32 to index
            %get3A_786 = arith.index_cast %mul3A_784 : i32 to index
            %get3A_787 = tpu.vector_load %arg10[%get3A_785, %get3A_786] {strides = array<i32>} : memref<32x128xf32, #tpu.memory_space<vmem>>, vector<16xf32>,
            %get3A_788 = arith.index_cast %add3A_384 : i32 to index
            %get3A_789 = arith.index_cast %mul3A_784 : i32 to index
            %get3A_790 = tpu.vector_load %arg11[%get3A_788, %get3A_789] {strides = array<i32>} : memref<32x128xf32, #tpu.memory_space<vmem>>, vector<16xf32>,
            %add3A_791 = arith.constant 0 : i32
            %add3A_792 = arith.addi %mul3A_587, %add3A_791 : i32
            %get3A_793 = arith.index_cast %add3A_792 : i32 to index
            %get3A_794 = arith.index_cast %mul3A_784 : i32 to index
            %get3A_795 = tpu.vector_load %run_scoped3A_6[%get3A_793, %get3A_794] {strides = array<i32>} : memref<200x128xf32, #tpu.memory_space<vmem>>, vector<16xf32>,
            %mul3A_796 = arith.mulf %get3A_787, %get3A_795 : vector<16xf32>
            %add3A_797 = arith.addf %scan3A_767, %mul3A_796 : vector<16xf32>
            %add3A_798 = arith.constant 0 : i32
            %add3A_799 = arith.addi %mul3A_587, %add3A_798 : i32
            %get3A_800 = arith.index_cast %add3A_799 : i32 to index
            %get3A_801 = arith.index_cast %mul3A_784 : i32 to index
            %get3A_802 = tpu.vector_load %run_scoped3A_7[%get3A_800, %get3A_801] {strides = array<i32>} : memref<200x128xf32, #tpu.memory_space<vmem>>, vector<16xf32>,
            %mul3A_803 = arith.mulf %get3A_790, %get3A_802 : vector<16xf32>
            %add3A_804 = arith.addf %add3A_797, %mul3A_803 : vector<16xf32>
            %add3A_805 = arith.constant 1 : i32
            %add3A_806 = arith.addi %mul3A_587, %add3A_805 : i32
            %get3A_807 = arith.index_cast %add3A_806 : i32 to index
            %get3A_808 = arith.index_cast %mul3A_784 : i32 to index
            %get3A_809 = tpu.vector_load %run_scoped3A_6[%get3A_807, %get3A_808] {strides = array<i32>} : memref<200x128xf32, #tpu.memory_space<vmem>>, vector<16xf32>,
            %mul3A_810 = arith.mulf %get3A_787, %get3A_809 : vector<16xf32>
            %add3A_811 = arith.addf %scan3A_768, %mul3A_810 : vector<16xf32>
            %add3A_812 = arith.constant 1 : i32
            %add3A_813 = arith.addi %mul3A_587, %add3A_812 : i32
            %get3A_814 = arith.index_cast %add3A_813 : i32 to index
            %get3A_815 = arith.index_cast %mul3A_784 : i32 to index
            %get3A_816 = tpu.vector_load %run_scoped3A_7[%get3A_814, %get3A_815] {strides = array<i32>} : memref<200x128xf32, #tpu.memory_space<vmem>>, vector<16xf32>,
            %mul3A_817 = arith.mulf %get3A_790, %get3A_816 : vector<16xf32>
            %add3A_818 = arith.addf %add3A_811, %mul3A_817 : vector<16xf32>
            %add3A_819 = arith.constant 2 : i32
            %add3A_820 = arith.addi %mul3A_587, %add3A_819 : i32
            %get3A_821 = arith.index_cast %add3A_820 : i32 to index
            %get3A_822 = arith.index_cast %mul3A_784 : i32 to index
            %get3A_823 = tpu.vector_load %run_scoped3A_6[%get3A_821, %get3A_822] {strides = array<i32>} : memref<200x128xf32, #tpu.memory_space<vmem>>, vector<16xf32>,
            %mul3A_824 = arith.mulf %get3A_787, %get3A_823 : vector<16xf32>
            %add3A_825 = arith.addf %scan3A_769, %mul3A_824 : vector<16xf32>
            %add3A_826 = arith.constant 2 : i32
            %add3A_827 = arith.addi %mul3A_587, %add3A_826 : i32
            %get3A_828 = arith.index_cast %add3A_827 : i32 to index
            %get3A_829 = arith.index_cast %mul3A_784 : i32 to index
            %get3A_830 = tpu.vector_load %run_scoped3A_7[%get3A_828, %get3A_829] {strides = array<i32>} : memref<200x128xf32, #tpu.memory_space<vmem>>, vector<16xf32>,
            %mul3A_831 = arith.mulf %get3A_790, %get3A_830 : vector<16xf32>
            %add3A_832 = arith.addf %add3A_825, %mul3A_831 : vector<16xf32>
            %add3A_833 = arith.constant 3 : i32
            %add3A_834 = arith.addi %mul3A_587, %add3A_833 : i32
            %get3A_835 = arith.index_cast %add3A_834 : i32 to index
            %get3A_836 = arith.index_cast %mul3A_784 : i32 to index
            %get3A_837 = tpu.vector_load %run_scoped3A_6[%get3A_835, %get3A_836] {strides = array<i32>} : memref<200x128xf32, #tpu.memory_space<vmem>>, vector<16xf32>,
            %mul3A_838 = arith.mulf %get3A_787, %get3A_837 : vector<16xf32>
            %add3A_839 = arith.addf %scan3A_770, %mul3A_838 : vector<16xf32>
            %add3A_840 = arith.constant 3 : i32
            %add3A_841 = arith.addi %mul3A_587, %add3A_840 : i32
            %get3A_842 = arith.index_cast %add3A_841 : i32 to index
            %get3A_843 = arith.index_cast %mul3A_784 : i32 to index
            %get3A_844 = tpu.vector_load %run_scoped3A_7[%get3A_842, %get3A_843] {strides = array<i32>} : memref<200x128xf32, #tpu.memory_space<vmem>>, vector<16xf32>,
            %mul3A_845 = arith.mulf %get3A_790, %get3A_844 : vector<16xf32>
            %add3A_846 = arith.addf %add3A_839, %mul3A_845 : vector<16xf32>
            %add3A_847 = arith.constant 4 : i32
            %add3A_848 = arith.addi %mul3A_587, %add3A_847 : i32
            %get3A_849 = arith.index_cast %add3A_848 : i32 to index
            %get3A_850 = arith.index_cast %mul3A_784 : i32 to index
            %get3A_851 = tpu.vector_load %run_scoped3A_6[%get3A_849, %get3A_850] {strides = array<i32>} : memref<200x128xf32, #tpu.memory_space<vmem>>, vector<16xf32>,
            %mul3A_852 = arith.mulf %get3A_787, %get3A_851 : vector<16xf32>
            %add3A_853 = arith.addf %scan3A_771, %mul3A_852 : vector<16xf32>
            %add3A_854 = arith.constant 4 : i32
            %add3A_855 = arith.addi %mul3A_587, %add3A_854 : i32
            %get3A_856 = arith.index_cast %add3A_855 : i32 to index
            %get3A_857 = arith.index_cast %mul3A_784 : i32 to index
            %get3A_858 = tpu.vector_load %run_scoped3A_7[%get3A_856, %get3A_857] {strides = array<i32>} : memref<200x128xf32, #tpu.memory_space<vmem>>, vector<16xf32>,
            %mul3A_859 = arith.mulf %get3A_790, %get3A_858 : vector<16xf32>
            %add3A_860 = arith.addf %add3A_853, %mul3A_859 : vector<16xf32>
            %add3A_861 = arith.constant 5 : i32
            %add3A_862 = arith.addi %mul3A_587, %add3A_861 : i32
            %get3A_863 = arith.index_cast %add3A_862 : i32 to index
            %get3A_864 = arith.index_cast %mul3A_784 : i32 to index
            %get3A_865 = tpu.vector_load %run_scoped3A_6[%get3A_863, %get3A_864] {strides = array<i32>} : memref<200x128xf32, #tpu.memory_space<vmem>>, vector<16xf32>,
            %mul3A_866 = arith.mulf %get3A_787, %get3A_865 : vector<16xf32>
            %add3A_867 = arith.addf %scan3A_772, %mul3A_866 : vector<16xf32>
            %add3A_868 = arith.constant 5 : i32
            %add3A_869 = arith.addi %mul3A_587, %add3A_868 : i32
            %get3A_870 = arith.index_cast %add3A_869 : i32 to index
            %get3A_871 = arith.index_cast %mul3A_784 : i32 to index
            %get3A_872 = tpu.vector_load %run_scoped3A_7[%get3A_870, %get3A_871] {strides = array<i32>} : memref<200x128xf32, #tpu.memory_space<vmem>>, vector<16xf32>,
            %mul3A_873 = arith.mulf %get3A_790, %get3A_872 : vector<16xf32>
            %add3A_874 = arith.addf %add3A_867, %mul3A_873 : vector<16xf32>
            %add3A_875 = arith.constant 6 : i32
            %add3A_876 = arith.addi %mul3A_587, %add3A_875 : i32
            %get3A_877 = arith.index_cast %add3A_876 : i32 to index
            %get3A_878 = arith.index_cast %mul3A_784 : i32 to index
            %get3A_879 = tpu.vector_load %run_scoped3A_6[%get3A_877, %get3A_878] {strides = array<i32>} : memref<200x128xf32, #tpu.memory_space<vmem>>, vector<16xf32>,
            %mul3A_880 = arith.mulf %get3A_787, %get3A_879 : vector<16xf32>
            %add3A_881 = arith.addf %scan3A_773, %mul3A_880 : vector<16xf32>
            %add3A_882 = arith.constant 6 : i32
            %add3A_883 = arith.addi %mul3A_587, %add3A_882 : i32
            %get3A_884 = arith.index_cast %add3A_883 : i32 to index
            %get3A_885 = arith.index_cast %mul3A_784 : i32 to index
            %get3A_886 = tpu.vector_load %run_scoped3A_7[%get3A_884, %get3A_885] {strides = array<i32>} : memref<200x128xf32, #tpu.memory_space<vmem>>, vector<16xf32>,
            %mul3A_887 = arith.mulf %get3A_790, %get3A_886 : vector<16xf32>
            %add3A_888 = arith.addf %add3A_881, %mul3A_887 : vector<16xf32>
            %add3A_889 = arith.constant 7 : i32
            %add3A_890 = arith.addi %mul3A_587, %add3A_889 : i32
            %get3A_891 = arith.index_cast %add3A_890 : i32 to index
            %get3A_892 = arith.index_cast %mul3A_784 : i32 to index
            %get3A_893 = tpu.vector_load %run_scoped3A_6[%get3A_891, %get3A_892] {strides = array<i32>} : memref<200x128xf32, #tpu.memory_space<vmem>>, vector<16xf32>,
            %mul3A_894 = arith.mulf %get3A_787, %get3A_893 : vector<16xf32>
            %add3A_895 = arith.addf %scan3A_774, %mul3A_894 : vector<16xf32>
            %add3A_896 = arith.constant 7 : i32
            %add3A_897 = arith.addi %mul3A_587, %add3A_896 : i32
            %get3A_898 = arith.index_cast %add3A_897 : i32 to index
            %get3A_899 = arith.index_cast %mul3A_784 : i32 to index
            %get3A_900 = tpu.vector_load %run_scoped3A_7[%get3A_898, %get3A_899] {strides = array<i32>} : memref<200x128xf32, #tpu.memory_space<vmem>>, vector<16xf32>,
            %mul3A_901 = arith.mulf %get3A_790, %get3A_900 : vector<16xf32>
            %add3A_902 = arith.addf %add3A_895, %mul3A_901 : vector<16xf32>
            %add3A_903 = arith.constant 8 : i32
            %add3A_904 = arith.addi %mul3A_587, %add3A_903 : i32
            %get3A_905 = arith.index_cast %add3A_904 : i32 to index
            %get3A_906 = arith.index_cast %mul3A_784 : i32 to index
            %get3A_907 = tpu.vector_load %run_scoped3A_6[%get3A_905, %get3A_906] {strides = array<i32>} : memref<200x128xf32, #tpu.memory_space<vmem>>, vector<16xf32>,
            %mul3A_908 = arith.mulf %get3A_787, %get3A_907 : vector<16xf32>
            %add3A_909 = arith.addf %scan3A_775, %mul3A_908 : vector<16xf32>
            %add3A_910 = arith.constant 8 : i32
            %add3A_911 = arith.addi %mul3A_587, %add3A_910 : i32
            %get3A_912 = arith.index_cast %add3A_911 : i32 to index
            %get3A_913 = arith.index_cast %mul3A_784 : i32 to index
            %get3A_914 = tpu.vector_load %run_scoped3A_7[%get3A_912, %get3A_913] {strides = array<i32>} : memref<200x128xf32, #tpu.memory_space<vmem>>, vector<16xf32>,
            %mul3A_915 = arith.mulf %get3A_790, %get3A_914 : vector<16xf32>
            %add3A_916 = arith.addf %add3A_909, %mul3A_915 : vector<16xf32>
            %add3A_917 = arith.constant 9 : i32
            %add3A_918 = arith.addi %mul3A_587, %add3A_917 : i32
            %get3A_919 = arith.index_cast %add3A_918 : i32 to index
            %get3A_920 = arith.index_cast %mul3A_784 : i32 to index
            %get3A_921 = tpu.vector_load %run_scoped3A_6[%get3A_919, %get3A_920] {strides = array<i32>} : memref<200x128xf32, #tpu.memory_space<vmem>>, vector<16xf32>,
            %mul3A_922 = arith.mulf %get3A_787, %get3A_921 : vector<16xf32>
            %add3A_923 = arith.addf %scan3A_776, %mul3A_922 : vector<16xf32>
            %add3A_924 = arith.constant 9 : i32
            %add3A_925 = arith.addi %mul3A_587, %add3A_924 : i32
            %get3A_926 = arith.index_cast %add3A_925 : i32 to index
            %get3A_927 = arith.index_cast %mul3A_784 : i32 to index
            %get3A_928 = tpu.vector_load %run_scoped3A_7[%get3A_926, %get3A_927] {strides = array<i32>} : memref<200x128xf32, #tpu.memory_space<vmem>>, vector<16xf32>,
            %mul3A_929 = arith.mulf %get3A_790, %get3A_928 : vector<16xf32>
            %add3A_930 = arith.addf %add3A_923, %mul3A_929 : vector<16xf32>
            %add3A_931 = arith.constant 10 : i32
            %add3A_932 = arith.addi %mul3A_587, %add3A_931 : i32
            %get3A_933 = arith.index_cast %add3A_932 : i32 to index
            %get3A_934 = arith.index_cast %mul3A_784 : i32 to index
            %get3A_935 = tpu.vector_load %run_scoped3A_6[%get3A_933, %get3A_934] {strides = array<i32>} : memref<200x128xf32, #tpu.memory_space<vmem>>, vector<16xf32>,
            %mul3A_936 = arith.mulf %get3A_787, %get3A_935 : vector<16xf32>
            %add3A_937 = arith.addf %scan3A_777, %mul3A_936 : vector<16xf32>
            %add3A_938 = arith.constant 10 : i32
            %add3A_939 = arith.addi %mul3A_587, %add3A_938 : i32
            %get3A_940 = arith.index_cast %add3A_939 : i32 to index
            %get3A_941 = arith.index_cast %mul3A_784 : i32 to index
            %get3A_942 = tpu.vector_load %run_scoped3A_7[%get3A_940, %get3A_941] {strides = array<i32>} : memref<200x128xf32, #tpu.memory_space<vmem>>, vector<16xf32>,
            %mul3A_943 = arith.mulf %get3A_790, %get3A_942 : vector<16xf32>
            %add3A_944 = arith.addf %add3A_937, %mul3A_943 : vector<16xf32>
            %add3A_945 = arith.constant 11 : i32
            %add3A_946 = arith.addi %mul3A_587, %add3A_945 : i32
            %get3A_947 = arith.index_cast %add3A_946 : i32 to index
            %get3A_948 = arith.index_cast %mul3A_784 : i32 to index
            %get3A_949 = tpu.vector_load %run_scoped3A_6[%get3A_947, %get3A_948] {strides = array<i32>} : memref<200x128xf32, #tpu.memory_space<vmem>>, vector<16xf32>,
            %mul3A_950 = arith.mulf %get3A_787, %get3A_949 : vector<16xf32>
            %add3A_951 = arith.addf %scan3A_778, %mul3A_950 : vector<16xf32>
            %add3A_952 = arith.constant 11 : i32
            %add3A_953 = arith.addi %mul3A_587, %add3A_952 : i32
            %get3A_954 = arith.index_cast %add3A_953 : i32 to index
            %get3A_955 = arith.index_cast %mul3A_784 : i32 to index
            %get3A_956 = tpu.vector_load %run_scoped3A_7[%get3A_954, %get3A_955] {strides = array<i32>} : memref<200x128xf32, #tpu.memory_space<vmem>>, vector<16xf32>,
            %mul3A_957 = arith.mulf %get3A_790, %get3A_956 : vector<16xf32>
            %add3A_958 = arith.addf %add3A_951, %mul3A_957 : vector<16xf32>
            %add3A_959 = arith.constant 12 : i32
            %add3A_960 = arith.addi %mul3A_587, %add3A_959 : i32
            %get3A_961 = arith.index_cast %add3A_960 : i32 to index
            %get3A_962 = arith.index_cast %mul3A_784 : i32 to index
            %get3A_963 = tpu.vector_load %run_scoped3A_6[%get3A_961, %get3A_962] {strides = array<i32>} : memref<200x128xf32, #tpu.memory_space<vmem>>, vector<16xf32>,
            %mul3A_964 = arith.mulf %get3A_787, %get3A_963 : vector<16xf32>
            %add3A_965 = arith.addf %scan3A_779, %mul3A_964 : vector<16xf32>
            %add3A_966 = arith.constant 12 : i32
            %add3A_967 = arith.addi %mul3A_587, %add3A_966 : i32
            %get3A_968 = arith.index_cast %add3A_967 : i32 to index
            %get3A_969 = arith.index_cast %mul3A_784 : i32 to index
            %get3A_970 = tpu.vector_load %run_scoped3A_7[%get3A_968, %get3A_969] {strides = array<i32>} : memref<200x128xf32, #tpu.memory_space<vmem>>, vector<16xf32>,
            %mul3A_971 = arith.mulf %get3A_790, %get3A_970 : vector<16xf32>
            %add3A_972 = arith.addf %add3A_965, %mul3A_971 : vector<16xf32>
            %add3A_973 = arith.constant 13 : i32
            %add3A_974 = arith.addi %mul3A_587, %add3A_973 : i32
            %get3A_975 = arith.index_cast %add3A_974 : i32 to index
            %get3A_976 = arith.index_cast %mul3A_784 : i32 to index
            %get3A_977 = tpu.vector_load %run_scoped3A_6[%get3A_975, %get3A_976] {strides = array<i32>} : memref<200x128xf32, #tpu.memory_space<vmem>>, vector<16xf32>,
            %mul3A_978 = arith.mulf %get3A_787, %get3A_977 : vector<16xf32>
            %add3A_979 = arith.addf %scan3A_780, %mul3A_978 : vector<16xf32>
            %add3A_980 = arith.constant 13 : i32
            %add3A_981 = arith.addi %mul3A_587, %add3A_980 : i32
            %get3A_982 = arith.index_cast %add3A_981 : i32 to index
            %get3A_983 = arith.index_cast %mul3A_784 : i32 to index
            %get3A_984 = tpu.vector_load %run_scoped3A_7[%get3A_982, %get3A_983] {strides = array<i32>} : memref<200x128xf32, #tpu.memory_space<vmem>>, vector<16xf32>,
            %mul3A_985 = arith.mulf %get3A_790, %get3A_984 : vector<16xf32>
            %add3A_986 = arith.addf %add3A_979, %mul3A_985 : vector<16xf32>
            %add3A_987 = arith.constant 14 : i32
            %add3A_988 = arith.addi %mul3A_587, %add3A_987 : i32
            %get3A_989 = arith.index_cast %add3A_988 : i32 to index
            %get3A_990 = arith.index_cast %mul3A_784 : i32 to index
            %get3A_991 = tpu.vector_load %run_scoped3A_6[%get3A_989, %get3A_990] {strides = array<i32>} : memref<200x128xf32, #tpu.memory_space<vmem>>, vector<16xf32>,
            %mul3A_992 = arith.mulf %get3A_787, %get3A_991 : vector<16xf32>
            %add3A_993 = arith.addf %scan3A_781, %mul3A_992 : vector<16xf32>
            %add3A_994 = arith.constant 14 : i32
            %add3A_995 = arith.addi %mul3A_587, %add3A_994 : i32
            %get3A_996 = arith.index_cast %add3A_995 : i32 to index
            %get3A_997 = arith.index_cast %mul3A_784 : i32 to index
            %get3A_998 = tpu.vector_load %run_scoped3A_7[%get3A_996, %get3A_997] {strides = array<i32>} : memref<200x128xf32, #tpu.memory_space<vmem>>, vector<16xf32>,
            %mul3A_999 = arith.mulf %get3A_790, %get3A_998 : vector<16xf32>
            %add3A_1000 = arith.addf %add3A_993, %mul3A_999 : vector<16xf32>
            %add3A_1001 = arith.constant 15 : i32
            %add3A_1002 = arith.addi %mul3A_587, %add3A_1001 : i32
            %get3A_1003 = arith.index_cast %add3A_1002 : i32 to index
            %get3A_1004 = arith.index_cast %mul3A_784 : i32 to index
            %get3A_1005 = tpu.vector_load %run_scoped3A_6[%get3A_1003, %get3A_1004] {strides = array<i32>} : memref<200x128xf32, #tpu.memory_space<vmem>>, vector<16xf32>,
            %mul3A_1006 = arith.mulf %get3A_787, %get3A_1005 : vector<16xf32>
            %add3A_1007 = arith.addf %scan3A_782, %mul3A_1006 : vector<16xf32>
            %add3A_1008 = arith.constant 15 : i32
            %add3A_1009 = arith.addi %mul3A_587, %add3A_1008 : i32
            %get3A_1010 = arith.index_cast %add3A_1009 : i32 to index
            %get3A_1011 = arith.index_cast %mul3A_784 : i32 to index
            %get3A_1012 = tpu.vector_load %run_scoped3A_7[%get3A_1010, %get3A_1011] {strides = array<i32>} : memref<200x128xf32, #tpu.memory_space<vmem>>, vector<16xf32>,
            %mul3A_1013 = arith.mulf %get3A_790, %get3A_1012 : vector<16xf32>
            %add3A_1014 = arith.addf %add3A_1007, %mul3A_1013 : vector<16xf32>
            scf.yield %add3A_804, %add3A_818, %add3A_832, %add3A_846, %add3A_860, %add3A_874, %add3A_888, %add3A_902, %add3A_916, %add3A_930, %add3A_944, %add3A_958, %add3A_972, %add3A_986, %add3A_1000, %add3A_1014 : vector<16xf32>, vector<16xf32>, vector<16xf32>, vector<16xf32>, vector<16xf32>, vector<16xf32>, vector<16xf32>, vector<16xf32>, vector<16xf32>, vector<16xf32>, vector<16xf32>, vector<16xf32>, vector<16xf32>, vector<16xf32>, vector<16xf32>, vector<16xf32>
          }
          %scan3A_595 = arith.constant 8 : i32
          %mul3A_596 = arith.constant 200 : i32
          %mul3A_597 = arith.muli %add3A_384, %mul3A_596 : i32
          %add3A_598 = arith.addi %mul3A_597, %mul3A_587 : i32
          %get3A_599 = arith.index_cast %add3A_598 : i32 to index
          %get3A_600 = tpu.vector_load %arg12[%get3A_599] {strides = array<i32>} : memref<6400xf32, #tpu.memory_space<vmem>>, vector<16xf32>,
          %eq3A_601 = arith.constant 0 : i32
          %eq3A_602 = vector.broadcast %eq3A_601 : i32 to vector<16xi32>
          %eq3A_603 = arith.cmpi eq, %iota3A, %eq3A_602 : vector<16xi32>
          %reduce_sum3A_604 = arith.constant true
          %reduce_sum3A_605 = vector.broadcast %reduce_sum3A_604 : i1 to vector<16xi1>
          %reduce_sum3A_606 = tpu.scan <sum>, %scan3A_594#0 masked %reduce_sum3A_605 : vector<16xf32>, vector<16xi1> -> vector<16xf32>
          %reduce_sum3A_607 = vector.extract %reduce_sum3A_606[15] : f32 from vector<16xf32>
          %add3A_608 = vector.broadcast %reduce_sum3A_607 : f32 to vector<16xf32>
          %add3A_609 = arith.addf %get3A_600, %add3A_608 : vector<16xf32>
          %select_n3A_610 = arith.select %eq3A_603, %add3A_609, %get3A_600 : vector<16xi1>, vector<16xf32>
          %eq3A_611 = arith.constant 1 : i32
          %eq3A_612 = vector.broadcast %eq3A_611 : i32 to vector<16xi32>
          %eq3A_613 = arith.cmpi eq, %iota3A, %eq3A_612 : vector<16xi32>
          %reduce_sum3A_614 = arith.constant true
          %reduce_sum3A_615 = vector.broadcast %reduce_sum3A_614 : i1 to vector<16xi1>
          %reduce_sum3A_616 = tpu.scan <sum>, %scan3A_594#1 masked %reduce_sum3A_615 : vector<16xf32>, vector<16xi1> -> vector<16xf32>
          %reduce_sum3A_617 = vector.extract %reduce_sum3A_616[15] : f32 from vector<16xf32>
          %add3A_618 = vector.broadcast %reduce_sum3A_617 : f32 to vector<16xf32>
          %add3A_619 = arith.addf %select_n3A_610, %add3A_618 : vector<16xf32>
          %select_n3A_620 = arith.select %eq3A_613, %add3A_619, %select_n3A_610 : vector<16xi1>, vector<16xf32>
          %eq3A_621 = arith.constant 2 : i32
          %eq3A_622 = vector.broadcast %eq3A_621 : i32 to vector<16xi32>
          %eq3A_623 = arith.cmpi eq, %iota3A, %eq3A_622 : vector<16xi32>
          %reduce_sum3A_624 = arith.constant true
          %reduce_sum3A_625 = vector.broadcast %reduce_sum3A_624 : i1 to vector<16xi1>
          %reduce_sum3A_626 = tpu.scan <sum>, %scan3A_594#2 masked %reduce_sum3A_625 : vector<16xf32>, vector<16xi1> -> vector<16xf32>
          %reduce_sum3A_627 = vector.extract %reduce_sum3A_626[15] : f32 from vector<16xf32>
          %add3A_628 = vector.broadcast %reduce_sum3A_627 : f32 to vector<16xf32>
          %add3A_629 = arith.addf %select_n3A_620, %add3A_628 : vector<16xf32>
          %select_n3A_630 = arith.select %eq3A_623, %add3A_629, %select_n3A_620 : vector<16xi1>, vector<16xf32>
          %eq3A_631 = arith.constant 3 : i32
          %eq3A_632 = vector.broadcast %eq3A_631 : i32 to vector<16xi32>
          %eq3A_633 = arith.cmpi eq, %iota3A, %eq3A_632 : vector<16xi32>
          %reduce_sum3A_634 = arith.constant true
          %reduce_sum3A_635 = vector.broadcast %reduce_sum3A_634 : i1 to vector<16xi1>
          %reduce_sum3A_636 = tpu.scan <sum>, %scan3A_594#3 masked %reduce_sum3A_635 : vector<16xf32>, vector<16xi1> -> vector<16xf32>
          %reduce_sum3A_637 = vector.extract %reduce_sum3A_636[15] : f32 from vector<16xf32>
          %add3A_638 = vector.broadcast %reduce_sum3A_637 : f32 to vector<16xf32>
          %add3A_639 = arith.addf %select_n3A_630, %add3A_638 : vector<16xf32>
          %select_n3A_640 = arith.select %eq3A_633, %add3A_639, %select_n3A_630 : vector<16xi1>, vector<16xf32>
          %eq3A_641 = arith.constant 4 : i32
          %eq3A_642 = vector.broadcast %eq3A_641 : i32 to vector<16xi32>
          %eq3A_643 = arith.cmpi eq, %iota3A, %eq3A_642 : vector<16xi32>
          %reduce_sum3A_644 = arith.constant true
          %reduce_sum3A_645 = vector.broadcast %reduce_sum3A_644 : i1 to vector<16xi1>
          %reduce_sum3A_646 = tpu.scan <sum>, %scan3A_594#4 masked %reduce_sum3A_645 : vector<16xf32>, vector<16xi1> -> vector<16xf32>
          %reduce_sum3A_647 = vector.extract %reduce_sum3A_646[15] : f32 from vector<16xf32>
          %add3A_648 = vector.broadcast %reduce_sum3A_647 : f32 to vector<16xf32>
          %add3A_649 = arith.addf %select_n3A_640, %add3A_648 : vector<16xf32>
          %select_n3A_650 = arith.select %eq3A_643, %add3A_649, %select_n3A_640 : vector<16xi1>, vector<16xf32>
          %eq3A_651 = arith.constant 5 : i32
          %eq3A_652 = vector.broadcast %eq3A_651 : i32 to vector<16xi32>
          %eq3A_653 = arith.cmpi eq, %iota3A, %eq3A_652 : vector<16xi32>
          %reduce_sum3A_654 = arith.constant true
          %reduce_sum3A_655 = vector.broadcast %reduce_sum3A_654 : i1 to vector<16xi1>
          %reduce_sum3A_656 = tpu.scan <sum>, %scan3A_594#5 masked %reduce_sum3A_655 : vector<16xf32>, vector<16xi1> -> vector<16xf32>
          %reduce_sum3A_657 = vector.extract %reduce_sum3A_656[15] : f32 from vector<16xf32>
          %add3A_658 = vector.broadcast %reduce_sum3A_657 : f32 to vector<16xf32>
          %add3A_659 = arith.addf %select_n3A_650, %add3A_658 : vector<16xf32>
          %select_n3A_660 = arith.select %eq3A_653, %add3A_659, %select_n3A_650 : vector<16xi1>, vector<16xf32>
          %eq3A_661 = arith.constant 6 : i32
          %eq3A_662 = vector.broadcast %eq3A_661 : i32 to vector<16xi32>
          %eq3A_663 = arith.cmpi eq, %iota3A, %eq3A_662 : vector<16xi32>
          %reduce_sum3A_664 = arith.constant true
          %reduce_sum3A_665 = vector.broadcast %reduce_sum3A_664 : i1 to vector<16xi1>
          %reduce_sum3A_666 = tpu.scan <sum>, %scan3A_594#6 masked %reduce_sum3A_665 : vector<16xf32>, vector<16xi1> -> vector<16xf32>
          %reduce_sum3A_667 = vector.extract %reduce_sum3A_666[15] : f32 from vector<16xf32>
          %add3A_668 = vector.broadcast %reduce_sum3A_667 : f32 to vector<16xf32>
          %add3A_669 = arith.addf %select_n3A_660, %add3A_668 : vector<16xf32>
          %select_n3A_670 = arith.select %eq3A_663, %add3A_669, %select_n3A_660 : vector<16xi1>, vector<16xf32>
          %eq3A_671 = arith.constant 7 : i32
          %eq3A_672 = vector.broadcast %eq3A_671 : i32 to vector<16xi32>
          %eq3A_673 = arith.cmpi eq, %iota3A, %eq3A_672 : vector<16xi32>
          %reduce_sum3A_674 = arith.constant true
          %reduce_sum3A_675 = vector.broadcast %reduce_sum3A_674 : i1 to vector<16xi1>
          %reduce_sum3A_676 = tpu.scan <sum>, %scan3A_594#7 masked %reduce_sum3A_675 : vector<16xf32>, vector<16xi1> -> vector<16xf32>
          %reduce_sum3A_677 = vector.extract %reduce_sum3A_676[15] : f32 from vector<16xf32>
          %add3A_678 = vector.broadcast %reduce_sum3A_677 : f32 to vector<16xf32>
          %add3A_679 = arith.addf %select_n3A_670, %add3A_678 : vector<16xf32>
          %select_n3A_680 = arith.select %eq3A_673, %add3A_679, %select_n3A_670 : vector<16xi1>, vector<16xf32>
          %eq3A_681 = arith.constant 8 : i32
          %eq3A_682 = vector.broadcast %eq3A_681 : i32 to vector<16xi32>
          %eq3A_683 = arith.cmpi eq, %iota3A, %eq3A_682 : vector<16xi32>
          %reduce_sum3A_684 = arith.constant true
          %reduce_sum3A_685 = vector.broadcast %reduce_sum3A_684 : i1 to vector<16xi1>
          %reduce_sum3A_686 = tpu.scan <sum>, %scan3A_594#8 masked %reduce_sum3A_685 : vector<16xf32>, vector<16xi1> -> vector<16xf32>
          %reduce_sum3A_687 = vector.extract %reduce_sum3A_686[15] : f32 from vector<16xf32>
          %add3A_688 = vector.broadcast %reduce_sum3A_687 : f32 to vector<16xf32>
          %add3A_689 = arith.addf %select_n3A_680, %add3A_688 : vector<16xf32>
          %select_n3A_690 = arith.select %eq3A_683, %add3A_689, %select_n3A_680 : vector<16xi1>, vector<16xf32>
          %eq3A_691 = arith.constant 9 : i32
          %eq3A_692 = vector.broadcast %eq3A_691 : i32 to vector<16xi32>
          %eq3A_693 = arith.cmpi eq, %iota3A, %eq3A_692 : vector<16xi32>
          %reduce_sum3A_694 = arith.constant true
          %reduce_sum3A_695 = vector.broadcast %reduce_sum3A_694 : i1 to vector<16xi1>
          %reduce_sum3A_696 = tpu.scan <sum>, %scan3A_594#9 masked %reduce_sum3A_695 : vector<16xf32>, vector<16xi1> -> vector<16xf32>
          %reduce_sum3A_697 = vector.extract %reduce_sum3A_696[15] : f32 from vector<16xf32>
          %add3A_698 = vector.broadcast %reduce_sum3A_697 : f32 to vector<16xf32>
          %add3A_699 = arith.addf %select_n3A_690, %add3A_698 : vector<16xf32>
          %select_n3A_700 = arith.select %eq3A_693, %add3A_699, %select_n3A_690 : vector<16xi1>, vector<16xf32>
          %eq3A_701 = arith.constant 10 : i32
          %eq3A_702 = vector.broadcast %eq3A_701 : i32 to vector<16xi32>
          %eq3A_703 = arith.cmpi eq, %iota3A, %eq3A_702 : vector<16xi32>
          %reduce_sum3A_704 = arith.constant true
          %reduce_sum3A_705 = vector.broadcast %reduce_sum3A_704 : i1 to vector<16xi1>
          %reduce_sum3A_706 = tpu.scan <sum>, %scan3A_594#10 masked %reduce_sum3A_705 : vector<16xf32>, vector<16xi1> -> vector<16xf32>
          %reduce_sum3A_707 = vector.extract %reduce_sum3A_706[15] : f32 from vector<16xf32>
          %add3A_708 = vector.broadcast %reduce_sum3A_707 : f32 to vector<16xf32>
          %add3A_709 = arith.addf %select_n3A_700, %add3A_708 : vector<16xf32>
          %select_n3A_710 = arith.select %eq3A_703, %add3A_709, %select_n3A_700 : vector<16xi1>, vector<16xf32>
          %eq3A_711 = arith.constant 11 : i32
          %eq3A_712 = vector.broadcast %eq3A_711 : i32 to vector<16xi32>
          %eq3A_713 = arith.cmpi eq, %iota3A, %eq3A_712 : vector<16xi32>
          %reduce_sum3A_714 = arith.constant true
          %reduce_sum3A_715 = vector.broadcast %reduce_sum3A_714 : i1 to vector<16xi1>
          %reduce_sum3A_716 = tpu.scan <sum>, %scan3A_594#11 masked %reduce_sum3A_715 : vector<16xf32>, vector<16xi1> -> vector<16xf32>
          %reduce_sum3A_717 = vector.extract %reduce_sum3A_716[15] : f32 from vector<16xf32>
          %add3A_718 = vector.broadcast %reduce_sum3A_717 : f32 to vector<16xf32>
          %add3A_719 = arith.addf %select_n3A_710, %add3A_718 : vector<16xf32>
          %select_n3A_720 = arith.select %eq3A_713, %add3A_719, %select_n3A_710 : vector<16xi1>, vector<16xf32>
          %eq3A_721 = arith.constant 12 : i32
          %eq3A_722 = vector.broadcast %eq3A_721 : i32 to vector<16xi32>
          %eq3A_723 = arith.cmpi eq, %iota3A, %eq3A_722 : vector<16xi32>
          %reduce_sum3A_724 = arith.constant true
          %reduce_sum3A_725 = vector.broadcast %reduce_sum3A_724 : i1 to vector<16xi1>
          %reduce_sum3A_726 = tpu.scan <sum>, %scan3A_594#12 masked %reduce_sum3A_725 : vector<16xf32>, vector<16xi1> -> vector<16xf32>
          %reduce_sum3A_727 = vector.extract %reduce_sum3A_726[15] : f32 from vector<16xf32>
          %add3A_728 = vector.broadcast %reduce_sum3A_727 : f32 to vector<16xf32>
          %add3A_729 = arith.addf %select_n3A_720, %add3A_728 : vector<16xf32>
          %select_n3A_730 = arith.select %eq3A_723, %add3A_729, %select_n3A_720 : vector<16xi1>, vector<16xf32>
          %eq3A_731 = arith.constant 13 : i32
          %eq3A_732 = vector.broadcast %eq3A_731 : i32 to vector<16xi32>
          %eq3A_733 = arith.cmpi eq, %iota3A, %eq3A_732 : vector<16xi32>
          %reduce_sum3A_734 = arith.constant true
          %reduce_sum3A_735 = vector.broadcast %reduce_sum3A_734 : i1 to vector<16xi1>
          %reduce_sum3A_736 = tpu.scan <sum>, %scan3A_594#13 masked %reduce_sum3A_735 : vector<16xf32>, vector<16xi1> -> vector<16xf32>
          %reduce_sum3A_737 = vector.extract %reduce_sum3A_736[15] : f32 from vector<16xf32>
          %add3A_738 = vector.broadcast %reduce_sum3A_737 : f32 to vector<16xf32>
          %add3A_739 = arith.addf %select_n3A_730, %add3A_738 : vector<16xf32>
          %select_n3A_740 = arith.select %eq3A_733, %add3A_739, %select_n3A_730 : vector<16xi1>, vector<16xf32>
          %eq3A_741 = arith.constant 14 : i32
          %eq3A_742 = vector.broadcast %eq3A_741 : i32 to vector<16xi32>
          %eq3A_743 = arith.cmpi eq, %iota3A, %eq3A_742 : vector<16xi32>
          %reduce_sum3A_744 = arith.constant true
          %reduce_sum3A_745 = vector.broadcast %reduce_sum3A_744 : i1 to vector<16xi1>
          %reduce_sum3A_746 = tpu.scan <sum>, %scan3A_594#14 masked %reduce_sum3A_745 : vector<16xf32>, vector<16xi1> -> vector<16xf32>
          %reduce_sum3A_747 = vector.extract %reduce_sum3A_746[15] : f32 from vector<16xf32>
          %add3A_748 = vector.broadcast %reduce_sum3A_747 : f32 to vector<16xf32>
          %add3A_749 = arith.addf %select_n3A_740, %add3A_748 : vector<16xf32>
          %select_n3A_750 = arith.select %eq3A_743, %add3A_749, %select_n3A_740 : vector<16xi1>, vector<16xf32>
          %eq3A_751 = arith.constant 15 : i32
          %eq3A_752 = vector.broadcast %eq3A_751 : i32 to vector<16xi32>
          %eq3A_753 = arith.cmpi eq, %iota3A, %eq3A_752 : vector<16xi32>
          %reduce_sum3A_754 = arith.constant true
          %reduce_sum3A_755 = vector.broadcast %reduce_sum3A_754 : i1 to vector<16xi1>
          %reduce_sum3A_756 = tpu.scan <sum>, %scan3A_594#15 masked %reduce_sum3A_755 : vector<16xf32>, vector<16xi1> -> vector<16xf32>
          %reduce_sum3A_757 = vector.extract %reduce_sum3A_756[15] : f32 from vector<16xf32>
          %add3A_758 = vector.broadcast %reduce_sum3A_757 : f32 to vector<16xf32>
          %add3A_759 = arith.addf %select_n3A_750, %add3A_758 : vector<16xf32>
          %select_n3A_760 = arith.select %eq3A_753, %add3A_759, %select_n3A_750 : vector<16xi1>, vector<16xf32>
          %swap3A_761 = arith.constant 1 : i32
          %swap3A_762 = arith.index_cast %swap3A_761 : i32 to index
          %swap3A_763 = arith.index_cast %mul3A_587 : i32 to index
          %swap3A_764 = tpu.vector_load %arg13[%swap3A_762, %swap3A_763] {strides = array<i32>} : memref<2x200xf32, #tpu.memory_space<vmem>>, vector<16xf32>,
          tpu.vector_store %arg13[%swap3A_762, %swap3A_763], %select_n3A_760 {strides = array<i32>} : memref<2x200xf32, #tpu.memory_space<vmem>>, vector<16xf32>,
          %scan3A_765 = arith.constant 0 : i32
          scf.yield %scan3A_765 : i32
        }
        %scan3A_391 = arith.constant 12 : i32
        %broadcast_in_dim3A_392 = arith.constant 0.000000e+00 : f32
        %broadcast_in_dim3A_393 = vector.broadcast %broadcast_in_dim3A_392 : f32 to vector<16xf32>
        %scan3A_394 = arith.constant 0 : i32
        %scan3A_395 = arith.constant 8 : i32
        %scan3A_396 = arith.addi %scan3A_394, %scan3A_395 : i32
        %scan3A_397 = arith.constant 1 : i32
        %scan3A_398:16 = scf.for %scan3A_584 = %scan3A_394 to %scan3A_396 step %scan3A_397 iter_args(%scan3A_585 = %broadcast_in_dim3A_393, %scan3A_586 = %broadcast_in_dim3A_393, %scan3A_587 = %broadcast_in_dim3A_393, %scan3A_588 = %broadcast_in_dim3A_393, %scan3A_589 = %broadcast_in_dim3A_393, %scan3A_590 = %broadcast_in_dim3A_393, %scan3A_591 = %broadcast_in_dim3A_393, %scan3A_592 = %broadcast_in_dim3A_393, %scan3A_593 = %broadcast_in_dim3A_393, %scan3A_594 = %broadcast_in_dim3A_393, %scan3A_595 = %broadcast_in_dim3A_393, %scan3A_596 = %broadcast_in_dim3A_393, %scan3A_597 = %broadcast_in_dim3A_393, %scan3A_598 = %broadcast_in_dim3A_393, %scan3A_599 = %broadcast_in_dim3A_393, %scan3A_600 = %broadcast_in_dim3A_393) -> (vector<16xf32>, vector<16xf32>, vector<16xf32>, vector<16xf32>, vector<16xf32>, vector<16xf32>, vector<16xf32>, vector<16xf32>, vector<16xf32>, vector<16xf32>, vector<16xf32>, vector<16xf32>, vector<16xf32>, vector<16xf32>, vector<16xf32>, vector<16xf32>)  : i32 {
          %mul3A_601 = arith.constant 16 : i32
          %mul3A_602 = arith.muli %scan3A_584, %mul3A_601 : i32
          %get3A_603 = arith.index_cast %add3A_384 : i32 to index
          %get3A_604 = arith.index_cast %mul3A_602 : i32 to index
          %get3A_605 = tpu.vector_load %arg10[%get3A_603, %get3A_604] {strides = array<i32>} : memref<32x128xf32, #tpu.memory_space<vmem>>, vector<16xf32>,
          %get3A_606 = arith.index_cast %add3A_384 : i32 to index
          %get3A_607 = arith.index_cast %mul3A_602 : i32 to index
          %get3A_608 = tpu.vector_load %arg11[%get3A_606, %get3A_607] {strides = array<i32>} : memref<32x128xf32, #tpu.memory_space<vmem>>, vector<16xf32>,
          %get3A_609 = arith.constant 184 : i32
          %get3A_610 = arith.index_cast %get3A_609 : i32 to index
          %get3A_611 = arith.index_cast %mul3A_602 : i32 to index
          %get3A_612 = tpu.vector_load %run_scoped3A_6[%get3A_610, %get3A_611] {strides = array<i32>} : memref<200x128xf32, #tpu.memory_space<vmem>>, vector<16xf32>,
          %mul3A_613 = arith.mulf %get3A_605, %get3A_612 : vector<16xf32>
          %add3A_614 = arith.addf %scan3A_585, %mul3A_613 : vector<16xf32>
          %get3A_615 = arith.constant 184 : i32
          %get3A_616 = arith.index_cast %get3A_615 : i32 to index
          %get3A_617 = arith.index_cast %mul3A_602 : i32 to index
          %get3A_618 = tpu.vector_load %run_scoped3A_7[%get3A_616, %get3A_617] {strides = array<i32>} : memref<200x128xf32, #tpu.memory_space<vmem>>, vector<16xf32>,
          %mul3A_619 = arith.mulf %get3A_608, %get3A_618 : vector<16xf32>
          %add3A_620 = arith.addf %add3A_614, %mul3A_619 : vector<16xf32>
          %get3A_621 = arith.constant 185 : i32
          %get3A_622 = arith.index_cast %get3A_621 : i32 to index
          %get3A_623 = arith.index_cast %mul3A_602 : i32 to index
          %get3A_624 = tpu.vector_load %run_scoped3A_6[%get3A_622, %get3A_623] {strides = array<i32>} : memref<200x128xf32, #tpu.memory_space<vmem>>, vector<16xf32>,
          %mul3A_625 = arith.mulf %get3A_605, %get3A_624 : vector<16xf32>
          %add3A_626 = arith.addf %scan3A_586, %mul3A_625 : vector<16xf32>
          %get3A_627 = arith.constant 185 : i32
          %get3A_628 = arith.index_cast %get3A_627 : i32 to index
          %get3A_629 = arith.index_cast %mul3A_602 : i32 to index
          %get3A_630 = tpu.vector_load %run_scoped3A_7[%get3A_628, %get3A_629] {strides = array<i32>} : memref<200x128xf32, #tpu.memory_space<vmem>>, vector<16xf32>,
          %mul3A_631 = arith.mulf %get3A_608, %get3A_630 : vector<16xf32>
          %add3A_632 = arith.addf %add3A_626, %mul3A_631 : vector<16xf32>
          %get3A_633 = arith.constant 186 : i32
          %get3A_634 = arith.index_cast %get3A_633 : i32 to index
          %get3A_635 = arith.index_cast %mul3A_602 : i32 to index
          %get3A_636 = tpu.vector_load %run_scoped3A_6[%get3A_634, %get3A_635] {strides = array<i32>} : memref<200x128xf32, #tpu.memory_space<vmem>>, vector<16xf32>,
          %mul3A_637 = arith.mulf %get3A_605, %get3A_636 : vector<16xf32>
          %add3A_638 = arith.addf %scan3A_587, %mul3A_637 : vector<16xf32>
          %get3A_639 = arith.constant 186 : i32
          %get3A_640 = arith.index_cast %get3A_639 : i32 to index
          %get3A_641 = arith.index_cast %mul3A_602 : i32 to index
          %get3A_642 = tpu.vector_load %run_scoped3A_7[%get3A_640, %get3A_641] {strides = array<i32>} : memref<200x128xf32, #tpu.memory_space<vmem>>, vector<16xf32>,
          %mul3A_643 = arith.mulf %get3A_608, %get3A_642 : vector<16xf32>
          %add3A_644 = arith.addf %add3A_638, %mul3A_643 : vector<16xf32>
          %get3A_645 = arith.constant 187 : i32
          %get3A_646 = arith.index_cast %get3A_645 : i32 to index
          %get3A_647 = arith.index_cast %mul3A_602 : i32 to index
          %get3A_648 = tpu.vector_load %run_scoped3A_6[%get3A_646, %get3A_647] {strides = array<i32>} : memref<200x128xf32, #tpu.memory_space<vmem>>, vector<16xf32>,
          %mul3A_649 = arith.mulf %get3A_605, %get3A_648 : vector<16xf32>
          %add3A_650 = arith.addf %scan3A_588, %mul3A_649 : vector<16xf32>
          %get3A_651 = arith.constant 187 : i32
          %get3A_652 = arith.index_cast %get3A_651 : i32 to index
          %get3A_653 = arith.index_cast %mul3A_602 : i32 to index
          %get3A_654 = tpu.vector_load %run_scoped3A_7[%get3A_652, %get3A_653] {strides = array<i32>} : memref<200x128xf32, #tpu.memory_space<vmem>>, vector<16xf32>,
          %mul3A_655 = arith.mulf %get3A_608, %get3A_654 : vector<16xf32>
          %add3A_656 = arith.addf %add3A_650, %mul3A_655 : vector<16xf32>
          %get3A_657 = arith.constant 188 : i32
          %get3A_658 = arith.index_cast %get3A_657 : i32 to index
          %get3A_659 = arith.index_cast %mul3A_602 : i32 to index
          %get3A_660 = tpu.vector_load %run_scoped3A_6[%get3A_658, %get3A_659] {strides = array<i32>} : memref<200x128xf32, #tpu.memory_space<vmem>>, vector<16xf32>,
          %mul3A_661 = arith.mulf %get3A_605, %get3A_660 : vector<16xf32>
          %add3A_662 = arith.addf %scan3A_589, %mul3A_661 : vector<16xf32>
          %get3A_663 = arith.constant 188 : i32
          %get3A_664 = arith.index_cast %get3A_663 : i32 to index
          %get3A_665 = arith.index_cast %mul3A_602 : i32 to index
          %get3A_666 = tpu.vector_load %run_scoped3A_7[%get3A_664, %get3A_665] {strides = array<i32>} : memref<200x128xf32, #tpu.memory_space<vmem>>, vector<16xf32>,
          %mul3A_667 = arith.mulf %get3A_608, %get3A_666 : vector<16xf32>
          %add3A_668 = arith.addf %add3A_662, %mul3A_667 : vector<16xf32>
          %get3A_669 = arith.constant 189 : i32
          %get3A_670 = arith.index_cast %get3A_669 : i32 to index
          %get3A_671 = arith.index_cast %mul3A_602 : i32 to index
          %get3A_672 = tpu.vector_load %run_scoped3A_6[%get3A_670, %get3A_671] {strides = array<i32>} : memref<200x128xf32, #tpu.memory_space<vmem>>, vector<16xf32>,
          %mul3A_673 = arith.mulf %get3A_605, %get3A_672 : vector<16xf32>
          %add3A_674 = arith.addf %scan3A_590, %mul3A_673 : vector<16xf32>
          %get3A_675 = arith.constant 189 : i32
          %get3A_676 = arith.index_cast %get3A_675 : i32 to index
          %get3A_677 = arith.index_cast %mul3A_602 : i32 to index
          %get3A_678 = tpu.vector_load %run_scoped3A_7[%get3A_676, %get3A_677] {strides = array<i32>} : memref<200x128xf32, #tpu.memory_space<vmem>>, vector<16xf32>,
          %mul3A_679 = arith.mulf %get3A_608, %get3A_678 : vector<16xf32>
          %add3A_680 = arith.addf %add3A_674, %mul3A_679 : vector<16xf32>
          %get3A_681 = arith.constant 190 : i32
          %get3A_682 = arith.index_cast %get3A_681 : i32 to index
          %get3A_683 = arith.index_cast %mul3A_602 : i32 to index
          %get3A_684 = tpu.vector_load %run_scoped3A_6[%get3A_682, %get3A_683] {strides = array<i32>} : memref<200x128xf32, #tpu.memory_space<vmem>>, vector<16xf32>,
          %mul3A_685 = arith.mulf %get3A_605, %get3A_684 : vector<16xf32>
          %add3A_686 = arith.addf %scan3A_591, %mul3A_685 : vector<16xf32>
          %get3A_687 = arith.constant 190 : i32
          %get3A_688 = arith.index_cast %get3A_687 : i32 to index
          %get3A_689 = arith.index_cast %mul3A_602 : i32 to index
          %get3A_690 = tpu.vector_load %run_scoped3A_7[%get3A_688, %get3A_689] {strides = array<i32>} : memref<200x128xf32, #tpu.memory_space<vmem>>, vector<16xf32>,
          %mul3A_691 = arith.mulf %get3A_608, %get3A_690 : vector<16xf32>
          %add3A_692 = arith.addf %add3A_686, %mul3A_691 : vector<16xf32>
          %get3A_693 = arith.constant 191 : i32
          %get3A_694 = arith.index_cast %get3A_693 : i32 to index
          %get3A_695 = arith.index_cast %mul3A_602 : i32 to index
          %get3A_696 = tpu.vector_load %run_scoped3A_6[%get3A_694, %get3A_695] {strides = array<i32>} : memref<200x128xf32, #tpu.memory_space<vmem>>, vector<16xf32>,
          %mul3A_697 = arith.mulf %get3A_605, %get3A_696 : vector<16xf32>
          %add3A_698 = arith.addf %scan3A_592, %mul3A_697 : vector<16xf32>
          %get3A_699 = arith.constant 191 : i32
          %get3A_700 = arith.index_cast %get3A_699 : i32 to index
          %get3A_701 = arith.index_cast %mul3A_602 : i32 to index
          %get3A_702 = tpu.vector_load %run_scoped3A_7[%get3A_700, %get3A_701] {strides = array<i32>} : memref<200x128xf32, #tpu.memory_space<vmem>>, vector<16xf32>,
          %mul3A_703 = arith.mulf %get3A_608, %get3A_702 : vector<16xf32>
          %add3A_704 = arith.addf %add3A_698, %mul3A_703 : vector<16xf32>
          %get3A_705 = arith.constant 192 : i32
          %get3A_706 = arith.index_cast %get3A_705 : i32 to index
          %get3A_707 = arith.index_cast %mul3A_602 : i32 to index
          %get3A_708 = tpu.vector_load %run_scoped3A_6[%get3A_706, %get3A_707] {strides = array<i32>} : memref<200x128xf32, #tpu.memory_space<vmem>>, vector<16xf32>,
          %mul3A_709 = arith.mulf %get3A_605, %get3A_708 : vector<16xf32>
          %add3A_710 = arith.addf %scan3A_593, %mul3A_709 : vector<16xf32>
          %get3A_711 = arith.constant 192 : i32
          %get3A_712 = arith.index_cast %get3A_711 : i32 to index
          %get3A_713 = arith.index_cast %mul3A_602 : i32 to index
          %get3A_714 = tpu.vector_load %run_scoped3A_7[%get3A_712, %get3A_713] {strides = array<i32>} : memref<200x128xf32, #tpu.memory_space<vmem>>, vector<16xf32>,
          %mul3A_715 = arith.mulf %get3A_608, %get3A_714 : vector<16xf32>
          %add3A_716 = arith.addf %add3A_710, %mul3A_715 : vector<16xf32>
          %get3A_717 = arith.constant 193 : i32
          %get3A_718 = arith.index_cast %get3A_717 : i32 to index
          %get3A_719 = arith.index_cast %mul3A_602 : i32 to index
          %get3A_720 = tpu.vector_load %run_scoped3A_6[%get3A_718, %get3A_719] {strides = array<i32>} : memref<200x128xf32, #tpu.memory_space<vmem>>, vector<16xf32>,
          %mul3A_721 = arith.mulf %get3A_605, %get3A_720 : vector<16xf32>
          %add3A_722 = arith.addf %scan3A_594, %mul3A_721 : vector<16xf32>
          %get3A_723 = arith.constant 193 : i32
          %get3A_724 = arith.index_cast %get3A_723 : i32 to index
          %get3A_725 = arith.index_cast %mul3A_602 : i32 to index
          %get3A_726 = tpu.vector_load %run_scoped3A_7[%get3A_724, %get3A_725] {strides = array<i32>} : memref<200x128xf32, #tpu.memory_space<vmem>>, vector<16xf32>,
          %mul3A_727 = arith.mulf %get3A_608, %get3A_726 : vector<16xf32>
          %add3A_728 = arith.addf %add3A_722, %mul3A_727 : vector<16xf32>
          %get3A_729 = arith.constant 194 : i32
          %get3A_730 = arith.index_cast %get3A_729 : i32 to index
          %get3A_731 = arith.index_cast %mul3A_602 : i32 to index
          %get3A_732 = tpu.vector_load %run_scoped3A_6[%get3A_730, %get3A_731] {strides = array<i32>} : memref<200x128xf32, #tpu.memory_space<vmem>>, vector<16xf32>,
          %mul3A_733 = arith.mulf %get3A_605, %get3A_732 : vector<16xf32>
          %add3A_734 = arith.addf %scan3A_595, %mul3A_733 : vector<16xf32>
          %get3A_735 = arith.constant 194 : i32
          %get3A_736 = arith.index_cast %get3A_735 : i32 to index
          %get3A_737 = arith.index_cast %mul3A_602 : i32 to index
          %get3A_738 = tpu.vector_load %run_scoped3A_7[%get3A_736, %get3A_737] {strides = array<i32>} : memref<200x128xf32, #tpu.memory_space<vmem>>, vector<16xf32>,
          %mul3A_739 = arith.mulf %get3A_608, %get3A_738 : vector<16xf32>
          %add3A_740 = arith.addf %add3A_734, %mul3A_739 : vector<16xf32>
          %get3A_741 = arith.constant 195 : i32
          %get3A_742 = arith.index_cast %get3A_741 : i32 to index
          %get3A_743 = arith.index_cast %mul3A_602 : i32 to index
          %get3A_744 = tpu.vector_load %run_scoped3A_6[%get3A_742, %get3A_743] {strides = array<i32>} : memref<200x128xf32, #tpu.memory_space<vmem>>, vector<16xf32>,
          %mul3A_745 = arith.mulf %get3A_605, %get3A_744 : vector<16xf32>
          %add3A_746 = arith.addf %scan3A_596, %mul3A_745 : vector<16xf32>
          %get3A_747 = arith.constant 195 : i32
          %get3A_748 = arith.index_cast %get3A_747 : i32 to index
          %get3A_749 = arith.index_cast %mul3A_602 : i32 to index
          %get3A_750 = tpu.vector_load %run_scoped3A_7[%get3A_748, %get3A_749] {strides = array<i32>} : memref<200x128xf32, #tpu.memory_space<vmem>>, vector<16xf32>,
          %mul3A_751 = arith.mulf %get3A_608, %get3A_750 : vector<16xf32>
          %add3A_752 = arith.addf %add3A_746, %mul3A_751 : vector<16xf32>
          %get3A_753 = arith.constant 196 : i32
          %get3A_754 = arith.index_cast %get3A_753 : i32 to index
          %get3A_755 = arith.index_cast %mul3A_602 : i32 to index
          %get3A_756 = tpu.vector_load %run_scoped3A_6[%get3A_754, %get3A_755] {strides = array<i32>} : memref<200x128xf32, #tpu.memory_space<vmem>>, vector<16xf32>,
          %mul3A_757 = arith.mulf %get3A_605, %get3A_756 : vector<16xf32>
          %add3A_758 = arith.addf %scan3A_597, %mul3A_757 : vector<16xf32>
          %get3A_759 = arith.constant 196 : i32
          %get3A_760 = arith.index_cast %get3A_759 : i32 to index
          %get3A_761 = arith.index_cast %mul3A_602 : i32 to index
          %get3A_762 = tpu.vector_load %run_scoped3A_7[%get3A_760, %get3A_761] {strides = array<i32>} : memref<200x128xf32, #tpu.memory_space<vmem>>, vector<16xf32>,
          %mul3A_763 = arith.mulf %get3A_608, %get3A_762 : vector<16xf32>
          %add3A_764 = arith.addf %add3A_758, %mul3A_763 : vector<16xf32>
          %get3A_765 = arith.constant 197 : i32
          %get3A_766 = arith.index_cast %get3A_765 : i32 to index
          %get3A_767 = arith.index_cast %mul3A_602 : i32 to index
          %get3A_768 = tpu.vector_load %run_scoped3A_6[%get3A_766, %get3A_767] {strides = array<i32>} : memref<200x128xf32, #tpu.memory_space<vmem>>, vector<16xf32>,
          %mul3A_769 = arith.mulf %get3A_605, %get3A_768 : vector<16xf32>
          %add3A_770 = arith.addf %scan3A_598, %mul3A_769 : vector<16xf32>
          %get3A_771 = arith.constant 197 : i32
          %get3A_772 = arith.index_cast %get3A_771 : i32 to index
          %get3A_773 = arith.index_cast %mul3A_602 : i32 to index
          %get3A_774 = tpu.vector_load %run_scoped3A_7[%get3A_772, %get3A_773] {strides = array<i32>} : memref<200x128xf32, #tpu.memory_space<vmem>>, vector<16xf32>,
          %mul3A_775 = arith.mulf %get3A_608, %get3A_774 : vector<16xf32>
          %add3A_776 = arith.addf %add3A_770, %mul3A_775 : vector<16xf32>
          %get3A_777 = arith.constant 198 : i32
          %get3A_778 = arith.index_cast %get3A_777 : i32 to index
          %get3A_779 = arith.index_cast %mul3A_602 : i32 to index
          %get3A_780 = tpu.vector_load %run_scoped3A_6[%get3A_778, %get3A_779] {strides = array<i32>} : memref<200x128xf32, #tpu.memory_space<vmem>>, vector<16xf32>,
          %mul3A_781 = arith.mulf %get3A_605, %get3A_780 : vector<16xf32>
          %add3A_782 = arith.addf %scan3A_599, %mul3A_781 : vector<16xf32>
          %get3A_783 = arith.constant 198 : i32
          %get3A_784 = arith.index_cast %get3A_783 : i32 to index
          %get3A_785 = arith.index_cast %mul3A_602 : i32 to index
          %get3A_786 = tpu.vector_load %run_scoped3A_7[%get3A_784, %get3A_785] {strides = array<i32>} : memref<200x128xf32, #tpu.memory_space<vmem>>, vector<16xf32>,
          %mul3A_787 = arith.mulf %get3A_608, %get3A_786 : vector<16xf32>
          %add3A_788 = arith.addf %add3A_782, %mul3A_787 : vector<16xf32>
          %get3A_789 = arith.constant 199 : i32
          %get3A_790 = arith.index_cast %get3A_789 : i32 to index
          %get3A_791 = arith.index_cast %mul3A_602 : i32 to index
          %get3A_792 = tpu.vector_load %run_scoped3A_6[%get3A_790, %get3A_791] {strides = array<i32>} : memref<200x128xf32, #tpu.memory_space<vmem>>, vector<16xf32>,
          %mul3A_793 = arith.mulf %get3A_605, %get3A_792 : vector<16xf32>
          %add3A_794 = arith.addf %scan3A_600, %mul3A_793 : vector<16xf32>
          %get3A_795 = arith.constant 199 : i32
          %get3A_796 = arith.index_cast %get3A_795 : i32 to index
          %get3A_797 = arith.index_cast %mul3A_602 : i32 to index
          %get3A_798 = tpu.vector_load %run_scoped3A_7[%get3A_796, %get3A_797] {strides = array<i32>} : memref<200x128xf32, #tpu.memory_space<vmem>>, vector<16xf32>,
          %mul3A_799 = arith.mulf %get3A_608, %get3A_798 : vector<16xf32>
          %add3A_800 = arith.addf %add3A_794, %mul3A_799 : vector<16xf32>
          scf.yield %add3A_620, %add3A_632, %add3A_644, %add3A_656, %add3A_668, %add3A_680, %add3A_692, %add3A_704, %add3A_716, %add3A_728, %add3A_740, %add3A_752, %add3A_764, %add3A_776, %add3A_788, %add3A_800 : vector<16xf32>, vector<16xf32>, vector<16xf32>, vector<16xf32>, vector<16xf32>, vector<16xf32>, vector<16xf32>, vector<16xf32>, vector<16xf32>, vector<16xf32>, vector<16xf32>, vector<16xf32>, vector<16xf32>, vector<16xf32>, vector<16xf32>, vector<16xf32>
        }
        %scan3A_399 = arith.constant 8 : i32
        %mul3A_400 = arith.constant 200 : i32
        %mul3A_401 = arith.muli %add3A_384, %mul3A_400 : i32
        %add3A_402 = arith.constant 184 : i32
        %add3A_403 = arith.addi %mul3A_401, %add3A_402 : i32
        %get3A_404 = arith.index_cast %add3A_403 : i32 to index
        %get3A_405 = tpu.vector_load %arg12[%get3A_404] {strides = array<i32>} : memref<6400xf32, #tpu.memory_space<vmem>>, vector<16xf32>,
        %eq3A_406 = arith.constant 0 : i32
        %eq3A_407 = vector.broadcast %eq3A_406 : i32 to vector<16xi32>
        %eq3A_408 = arith.cmpi eq, %iota3A, %eq3A_407 : vector<16xi32>
        %reduce_sum3A_409 = arith.constant true
        %reduce_sum3A_410 = vector.broadcast %reduce_sum3A_409 : i1 to vector<16xi1>
        %reduce_sum3A_411 = tpu.scan <sum>, %scan3A_398#0 masked %reduce_sum3A_410 : vector<16xf32>, vector<16xi1> -> vector<16xf32>
        %reduce_sum3A_412 = vector.extract %reduce_sum3A_411[15] : f32 from vector<16xf32>
        %add3A_413 = vector.broadcast %reduce_sum3A_412 : f32 to vector<16xf32>
        %add3A_414 = arith.addf %get3A_405, %add3A_413 : vector<16xf32>
        %select_n3A_415 = arith.select %eq3A_408, %add3A_414, %get3A_405 : vector<16xi1>, vector<16xf32>
        %eq3A_416 = arith.constant 1 : i32
        %eq3A_417 = vector.broadcast %eq3A_416 : i32 to vector<16xi32>
        %eq3A_418 = arith.cmpi eq, %iota3A, %eq3A_417 : vector<16xi32>
        %reduce_sum3A_419 = arith.constant true
        %reduce_sum3A_420 = vector.broadcast %reduce_sum3A_419 : i1 to vector<16xi1>
        %reduce_sum3A_421 = tpu.scan <sum>, %scan3A_398#1 masked %reduce_sum3A_420 : vector<16xf32>, vector<16xi1> -> vector<16xf32>
        %reduce_sum3A_422 = vector.extract %reduce_sum3A_421[15] : f32 from vector<16xf32>
        %add3A_423 = vector.broadcast %reduce_sum3A_422 : f32 to vector<16xf32>
        %add3A_424 = arith.addf %select_n3A_415, %add3A_423 : vector<16xf32>
        %select_n3A_425 = arith.select %eq3A_418, %add3A_424, %select_n3A_415 : vector<16xi1>, vector<16xf32>
        %eq3A_426 = arith.constant 2 : i32
        %eq3A_427 = vector.broadcast %eq3A_426 : i32 to vector<16xi32>
        %eq3A_428 = arith.cmpi eq, %iota3A, %eq3A_427 : vector<16xi32>
        %reduce_sum3A_429 = arith.constant true
        %reduce_sum3A_430 = vector.broadcast %reduce_sum3A_429 : i1 to vector<16xi1>
        %reduce_sum3A_431 = tpu.scan <sum>, %scan3A_398#2 masked %reduce_sum3A_430 : vector<16xf32>, vector<16xi1> -> vector<16xf32>
        %reduce_sum3A_432 = vector.extract %reduce_sum3A_431[15] : f32 from vector<16xf32>
        %add3A_433 = vector.broadcast %reduce_sum3A_432 : f32 to vector<16xf32>
        %add3A_434 = arith.addf %select_n3A_425, %add3A_433 : vector<16xf32>
        %select_n3A_435 = arith.select %eq3A_428, %add3A_434, %select_n3A_425 : vector<16xi1>, vector<16xf32>
        %eq3A_436 = arith.constant 3 : i32
        %eq3A_437 = vector.broadcast %eq3A_436 : i32 to vector<16xi32>
        %eq3A_438 = arith.cmpi eq, %iota3A, %eq3A_437 : vector<16xi32>
        %reduce_sum3A_439 = arith.constant true
        %reduce_sum3A_440 = vector.broadcast %reduce_sum3A_439 : i1 to vector<16xi1>
        %reduce_sum3A_441 = tpu.scan <sum>, %scan3A_398#3 masked %reduce_sum3A_440 : vector<16xf32>, vector<16xi1> -> vector<16xf32>
        %reduce_sum3A_442 = vector.extract %reduce_sum3A_441[15] : f32 from vector<16xf32>
        %add3A_443 = vector.broadcast %reduce_sum3A_442 : f32 to vector<16xf32>
        %add3A_444 = arith.addf %select_n3A_435, %add3A_443 : vector<16xf32>
        %select_n3A_445 = arith.select %eq3A_438, %add3A_444, %select_n3A_435 : vector<16xi1>, vector<16xf32>
        %eq3A_446 = arith.constant 4 : i32
        %eq3A_447 = vector.broadcast %eq3A_446 : i32 to vector<16xi32>
        %eq3A_448 = arith.cmpi eq, %iota3A, %eq3A_447 : vector<16xi32>
        %reduce_sum3A_449 = arith.constant true
        %reduce_sum3A_450 = vector.broadcast %reduce_sum3A_449 : i1 to vector<16xi1>
        %reduce_sum3A_451 = tpu.scan <sum>, %scan3A_398#4 masked %reduce_sum3A_450 : vector<16xf32>, vector<16xi1> -> vector<16xf32>
        %reduce_sum3A_452 = vector.extract %reduce_sum3A_451[15] : f32 from vector<16xf32>
        %add3A_453 = vector.broadcast %reduce_sum3A_452 : f32 to vector<16xf32>
        %add3A_454 = arith.addf %select_n3A_445, %add3A_453 : vector<16xf32>
        %select_n3A_455 = arith.select %eq3A_448, %add3A_454, %select_n3A_445 : vector<16xi1>, vector<16xf32>
        %eq3A_456 = arith.constant 5 : i32
        %eq3A_457 = vector.broadcast %eq3A_456 : i32 to vector<16xi32>
        %eq3A_458 = arith.cmpi eq, %iota3A, %eq3A_457 : vector<16xi32>
        %reduce_sum3A_459 = arith.constant true
        %reduce_sum3A_460 = vector.broadcast %reduce_sum3A_459 : i1 to vector<16xi1>
        %reduce_sum3A_461 = tpu.scan <sum>, %scan3A_398#5 masked %reduce_sum3A_460 : vector<16xf32>, vector<16xi1> -> vector<16xf32>
        %reduce_sum3A_462 = vector.extract %reduce_sum3A_461[15] : f32 from vector<16xf32>
        %add3A_463 = vector.broadcast %reduce_sum3A_462 : f32 to vector<16xf32>
        %add3A_464 = arith.addf %select_n3A_455, %add3A_463 : vector<16xf32>
        %select_n3A_465 = arith.select %eq3A_458, %add3A_464, %select_n3A_455 : vector<16xi1>, vector<16xf32>
        %eq3A_466 = arith.constant 6 : i32
        %eq3A_467 = vector.broadcast %eq3A_466 : i32 to vector<16xi32>
        %eq3A_468 = arith.cmpi eq, %iota3A, %eq3A_467 : vector<16xi32>
        %reduce_sum3A_469 = arith.constant true
        %reduce_sum3A_470 = vector.broadcast %reduce_sum3A_469 : i1 to vector<16xi1>
        %reduce_sum3A_471 = tpu.scan <sum>, %scan3A_398#6 masked %reduce_sum3A_470 : vector<16xf32>, vector<16xi1> -> vector<16xf32>
        %reduce_sum3A_472 = vector.extract %reduce_sum3A_471[15] : f32 from vector<16xf32>
        %add3A_473 = vector.broadcast %reduce_sum3A_472 : f32 to vector<16xf32>
        %add3A_474 = arith.addf %select_n3A_465, %add3A_473 : vector<16xf32>
        %select_n3A_475 = arith.select %eq3A_468, %add3A_474, %select_n3A_465 : vector<16xi1>, vector<16xf32>
        %eq3A_476 = arith.constant 7 : i32
        %eq3A_477 = vector.broadcast %eq3A_476 : i32 to vector<16xi32>
        %eq3A_478 = arith.cmpi eq, %iota3A, %eq3A_477 : vector<16xi32>
        %reduce_sum3A_479 = arith.constant true
        %reduce_sum3A_480 = vector.broadcast %reduce_sum3A_479 : i1 to vector<16xi1>
        %reduce_sum3A_481 = tpu.scan <sum>, %scan3A_398#7 masked %reduce_sum3A_480 : vector<16xf32>, vector<16xi1> -> vector<16xf32>
        %reduce_sum3A_482 = vector.extract %reduce_sum3A_481[15] : f32 from vector<16xf32>
        %add3A_483 = vector.broadcast %reduce_sum3A_482 : f32 to vector<16xf32>
        %add3A_484 = arith.addf %select_n3A_475, %add3A_483 : vector<16xf32>
        %select_n3A_485 = arith.select %eq3A_478, %add3A_484, %select_n3A_475 : vector<16xi1>, vector<16xf32>
        %eq3A_486 = arith.constant 8 : i32
        %eq3A_487 = vector.broadcast %eq3A_486 : i32 to vector<16xi32>
        %eq3A_488 = arith.cmpi eq, %iota3A, %eq3A_487 : vector<16xi32>
        %reduce_sum3A_489 = arith.constant true
        %reduce_sum3A_490 = vector.broadcast %reduce_sum3A_489 : i1 to vector<16xi1>
        %reduce_sum3A_491 = tpu.scan <sum>, %scan3A_398#8 masked %reduce_sum3A_490 : vector<16xf32>, vector<16xi1> -> vector<16xf32>
        %reduce_sum3A_492 = vector.extract %reduce_sum3A_491[15] : f32 from vector<16xf32>
        %add3A_493 = vector.broadcast %reduce_sum3A_492 : f32 to vector<16xf32>
        %add3A_494 = arith.addf %select_n3A_485, %add3A_493 : vector<16xf32>
        %select_n3A_495 = arith.select %eq3A_488, %add3A_494, %select_n3A_485 : vector<16xi1>, vector<16xf32>
        %eq3A_496 = arith.constant 9 : i32
        %eq3A_497 = vector.broadcast %eq3A_496 : i32 to vector<16xi32>
        %eq3A_498 = arith.cmpi eq, %iota3A, %eq3A_497 : vector<16xi32>
        %reduce_sum3A_499 = arith.constant true
        %reduce_sum3A_500 = vector.broadcast %reduce_sum3A_499 : i1 to vector<16xi1>
        %reduce_sum3A_501 = tpu.scan <sum>, %scan3A_398#9 masked %reduce_sum3A_500 : vector<16xf32>, vector<16xi1> -> vector<16xf32>
        %reduce_sum3A_502 = vector.extract %reduce_sum3A_501[15] : f32 from vector<16xf32>
        %add3A_503 = vector.broadcast %reduce_sum3A_502 : f32 to vector<16xf32>
        %add3A_504 = arith.addf %select_n3A_495, %add3A_503 : vector<16xf32>
        %select_n3A_505 = arith.select %eq3A_498, %add3A_504, %select_n3A_495 : vector<16xi1>, vector<16xf32>
        %eq3A_506 = arith.constant 10 : i32
        %eq3A_507 = vector.broadcast %eq3A_506 : i32 to vector<16xi32>
        %eq3A_508 = arith.cmpi eq, %iota3A, %eq3A_507 : vector<16xi32>
        %reduce_sum3A_509 = arith.constant true
        %reduce_sum3A_510 = vector.broadcast %reduce_sum3A_509 : i1 to vector<16xi1>
        %reduce_sum3A_511 = tpu.scan <sum>, %scan3A_398#10 masked %reduce_sum3A_510 : vector<16xf32>, vector<16xi1> -> vector<16xf32>
        %reduce_sum3A_512 = vector.extract %reduce_sum3A_511[15] : f32 from vector<16xf32>
        %add3A_513 = vector.broadcast %reduce_sum3A_512 : f32 to vector<16xf32>
        %add3A_514 = arith.addf %select_n3A_505, %add3A_513 : vector<16xf32>
        %select_n3A_515 = arith.select %eq3A_508, %add3A_514, %select_n3A_505 : vector<16xi1>, vector<16xf32>
        %eq3A_516 = arith.constant 11 : i32
        %eq3A_517 = vector.broadcast %eq3A_516 : i32 to vector<16xi32>
        %eq3A_518 = arith.cmpi eq, %iota3A, %eq3A_517 : vector<16xi32>
        %reduce_sum3A_519 = arith.constant true
        %reduce_sum3A_520 = vector.broadcast %reduce_sum3A_519 : i1 to vector<16xi1>
        %reduce_sum3A_521 = tpu.scan <sum>, %scan3A_398#11 masked %reduce_sum3A_520 : vector<16xf32>, vector<16xi1> -> vector<16xf32>
        %reduce_sum3A_522 = vector.extract %reduce_sum3A_521[15] : f32 from vector<16xf32>
        %add3A_523 = vector.broadcast %reduce_sum3A_522 : f32 to vector<16xf32>
        %add3A_524 = arith.addf %select_n3A_515, %add3A_523 : vector<16xf32>
        %select_n3A_525 = arith.select %eq3A_518, %add3A_524, %select_n3A_515 : vector<16xi1>, vector<16xf32>
        %eq3A_526 = arith.constant 12 : i32
        %eq3A_527 = vector.broadcast %eq3A_526 : i32 to vector<16xi32>
        %eq3A_528 = arith.cmpi eq, %iota3A, %eq3A_527 : vector<16xi32>
        %reduce_sum3A_529 = arith.constant true
        %reduce_sum3A_530 = vector.broadcast %reduce_sum3A_529 : i1 to vector<16xi1>
        %reduce_sum3A_531 = tpu.scan <sum>, %scan3A_398#12 masked %reduce_sum3A_530 : vector<16xf32>, vector<16xi1> -> vector<16xf32>
        %reduce_sum3A_532 = vector.extract %reduce_sum3A_531[15] : f32 from vector<16xf32>
        %add3A_533 = vector.broadcast %reduce_sum3A_532 : f32 to vector<16xf32>
        %add3A_534 = arith.addf %select_n3A_525, %add3A_533 : vector<16xf32>
        %select_n3A_535 = arith.select %eq3A_528, %add3A_534, %select_n3A_525 : vector<16xi1>, vector<16xf32>
        %eq3A_536 = arith.constant 13 : i32
        %eq3A_537 = vector.broadcast %eq3A_536 : i32 to vector<16xi32>
        %eq3A_538 = arith.cmpi eq, %iota3A, %eq3A_537 : vector<16xi32>
        %reduce_sum3A_539 = arith.constant true
        %reduce_sum3A_540 = vector.broadcast %reduce_sum3A_539 : i1 to vector<16xi1>
        %reduce_sum3A_541 = tpu.scan <sum>, %scan3A_398#13 masked %reduce_sum3A_540 : vector<16xf32>, vector<16xi1> -> vector<16xf32>
        %reduce_sum3A_542 = vector.extract %reduce_sum3A_541[15] : f32 from vector<16xf32>
        %add3A_543 = vector.broadcast %reduce_sum3A_542 : f32 to vector<16xf32>
        %add3A_544 = arith.addf %select_n3A_535, %add3A_543 : vector<16xf32>
        %select_n3A_545 = arith.select %eq3A_538, %add3A_544, %select_n3A_535 : vector<16xi1>, vector<16xf32>
        %eq3A_546 = arith.constant 14 : i32
        %eq3A_547 = vector.broadcast %eq3A_546 : i32 to vector<16xi32>
        %eq3A_548 = arith.cmpi eq, %iota3A, %eq3A_547 : vector<16xi32>
        %reduce_sum3A_549 = arith.constant true
        %reduce_sum3A_550 = vector.broadcast %reduce_sum3A_549 : i1 to vector<16xi1>
        %reduce_sum3A_551 = tpu.scan <sum>, %scan3A_398#14 masked %reduce_sum3A_550 : vector<16xf32>, vector<16xi1> -> vector<16xf32>
        %reduce_sum3A_552 = vector.extract %reduce_sum3A_551[15] : f32 from vector<16xf32>
        %add3A_553 = vector.broadcast %reduce_sum3A_552 : f32 to vector<16xf32>
        %add3A_554 = arith.addf %select_n3A_545, %add3A_553 : vector<16xf32>
        %select_n3A_555 = arith.select %eq3A_548, %add3A_554, %select_n3A_545 : vector<16xi1>, vector<16xf32>
        %eq3A_556 = arith.constant 15 : i32
        %eq3A_557 = vector.broadcast %eq3A_556 : i32 to vector<16xi32>
        %eq3A_558 = arith.cmpi eq, %iota3A, %eq3A_557 : vector<16xi32>
        %reduce_sum3A_559 = arith.constant true
        %reduce_sum3A_560 = vector.broadcast %reduce_sum3A_559 : i1 to vector<16xi1>
        %reduce_sum3A_561 = tpu.scan <sum>, %scan3A_398#15 masked %reduce_sum3A_560 : vector<16xf32>, vector<16xi1> -> vector<16xf32>
        %reduce_sum3A_562 = vector.extract %reduce_sum3A_561[15] : f32 from vector<16xf32>
        %add3A_563 = vector.broadcast %reduce_sum3A_562 : f32 to vector<16xf32>
        %add3A_564 = arith.addf %select_n3A_555, %add3A_563 : vector<16xf32>
        %select_n3A_565 = arith.select %eq3A_558, %add3A_564, %select_n3A_555 : vector<16xi1>, vector<16xf32>
        %swap3A_566 = arith.constant 1 : i32
        %swap3A_567 = arith.index_cast %swap3A_566 : i32 to index
        %swap3A_568 = arith.constant 184 : index
        %swap3A_569 = tpu.vector_load %arg13[%swap3A_567, %swap3A_568] {strides = array<i32>} : memref<2x200xf32, #tpu.memory_space<vmem>>, vector<16xf32>,
        tpu.vector_store %arg13[%swap3A_567, %swap3A_568], %select_n3A_565 {strides = array<i32>} : memref<2x200xf32, #tpu.memory_space<vmem>>, vector<16xf32>,
        %add3A_570 = arith.addi %mul3A_2, %mul3A_67 : i32
        %add3A_571 = arith.constant 1 : i32
        %add3A_572 = arith.addi %add3A_570, %add3A_571 : i32
        %dma_start3A_573 = arith.constant 1 : i32
        %dma_start3A_574 = arith.constant 0 : i32
        %dma_start3A_575 = tpu.memref_slice %arg13[%dma_start3A_573, %dma_start3A_574] : memref<2x200xf32, #tpu.memory_space<vmem>> -> memref<1x200xf32, #tpu.memory_space<vmem>>
        %dma_start3A_576 = arith.constant 0 : i32
        %dma_start3A_577 = tpu.memref_slice %arg8[%add3A_572, %dma_start3A_576] : memref<1024x200xf32, #tpu.memory_space<hbm>> -> memref<1x200xf32, #tpu.memory_space<hbm>>
        %dma_start3A_578 = arith.constant 0 : i32
        %dma_start3A_579 = tpu.memref_slice %arg8[%add3A_572, %dma_start3A_578] : memref<1024x200xf32, #tpu.memory_space<hbm>> -> memref<1x200xf32, #tpu.memory_space<hbm>>
        %dma_start3A_580 = arith.constant 1 : i32
        %dma_start3A_581 = arith.constant 0 : i32
        %dma_start3A_582 = tpu.memref_slice %arg13[%dma_start3A_580, %dma_start3A_581] : memref<2x200xf32, #tpu.memory_space<vmem>> -> memref<1x200xf32, #tpu.memory_space<vmem>>
        tpu.enqueue_dma source(%dma_start3A_582 : memref<1x200xf32, #tpu.memory_space<vmem>>) target(%dma_start3A_579 : memref<1x200xf32, #tpu.memory_space<hbm>>) target_semaphore(%arg17 : memref<!tpu.dma_semaphore, #tpu.memory_space<semaphore_mem>>)
        %scan3A_583 = arith.constant 0 : i32
        scf.yield %scan3A_583 : i32
      }
      %scan3A_44 = arith.constant 16 : i32
      %dma_wait3A = arith.constant 0 : i32
      %dma_wait3A_45 = arith.constant 0 : i32
      %dma_wait3A_46 = tpu.memref_slice %arg13[%dma_wait3A, %dma_wait3A_45] : memref<2x200xf32, #tpu.memory_space<vmem>> -> memref<1x200xf32, #tpu.memory_space<vmem>>
      %dma_wait3A_47 = arith.constant 0 : i32
      %dma_wait3A_48 = tpu.memref_slice %arg8[%mul3A_2, %dma_wait3A_47] : memref<1024x200xf32, #tpu.memory_space<hbm>> -> memref<1x200xf32, #tpu.memory_space<hbm>>
      %dma_wait3A_49 = arith.constant 0 : i32
      %dma_wait3A_50 = tpu.memref_slice %arg8[%mul3A_2, %dma_wait3A_49] : memref<1024x200xf32, #tpu.memory_space<hbm>> -> memref<1x200xf32, #tpu.memory_space<hbm>>
      %dma_wait3A_51 = arith.constant 0 : i32
      %dma_wait3A_52 = arith.constant 0 : i32
      %dma_wait3A_53 = tpu.memref_slice %arg13[%dma_wait3A_51, %dma_wait3A_52] : memref<2x200xf32, #tpu.memory_space<vmem>> -> memref<1x200xf32, #tpu.memory_space<vmem>>
      tpu.wait_dma2 semaphore(%arg16 : memref<!tpu.dma_semaphore, #tpu.memory_space<semaphore_mem>>) src(%dma_wait3A_53 : memref<1x200xf32, #tpu.memory_space<vmem>>) dst(%dma_wait3A_50 : memref<1x200xf32, #tpu.memory_space<hbm>>)
      %dma_wait3A_54 = arith.constant 1 : i32
      %dma_wait3A_55 = arith.constant 0 : i32
      %dma_wait3A_56 = tpu.memref_slice %arg13[%dma_wait3A_54, %dma_wait3A_55] : memref<2x200xf32, #tpu.memory_space<vmem>> -> memref<1x200xf32, #tpu.memory_space<vmem>>
      %dma_wait3A_57 = arith.constant 0 : i32
      %dma_wait3A_58 = tpu.memref_slice %arg8[%mul3A_2, %dma_wait3A_57] : memref<1024x200xf32, #tpu.memory_space<hbm>> -> memref<1x200xf32, #tpu.memory_space<hbm>>
      %dma_wait3A_59 = arith.constant 0 : i32
      %dma_wait3A_60 = tpu.memref_slice %arg8[%mul3A_2, %dma_wait3A_59] : memref<1024x200xf32, #tpu.memory_space<hbm>> -> memref<1x200xf32, #tpu.memory_space<hbm>>
      %dma_wait3A_61 = arith.constant 1 : i32
      %dma_wait3A_62 = arith.constant 0 : i32
      %dma_wait3A_63 = tpu.memref_slice %arg13[%dma_wait3A_61, %dma_wait3A_62] : memref<2x200xf32, #tpu.memory_space<vmem>> -> memref<1x200xf32, #tpu.memory_space<vmem>>
      tpu.wait_dma2 semaphore(%arg17 : memref<!tpu.dma_semaphore, #tpu.memory_space<semaphore_mem>>) src(%dma_wait3A_63 : memref<1x200xf32, #tpu.memory_space<vmem>>) dst(%dma_wait3A_60 : memref<1x200xf32, #tpu.memory_space<hbm>>)
      tpu.yield
    }) : () -> ()
    return
  }
}

</mosaic_0001>

<sc_bundles>
// kernel: kernel.3.cloned.1.call-start
scs
__scs_entry_jumppad:
0x0: {  	(pc) =	sbr.rel $0x88, $3  }
0x1: {  	(tag) =	ssettag $0x0;
	lr =	simm.s32 $0x1  }
0x2: {  	[smem:$0x3F9A] =	sst lr;
	_ =	strace $0xD0000000  }
0x3: {  	_ = 	snop  }
0x4: {  	_ = 	snop  }
0x5: {  	_ = 	snop  }
0x6: {  	_ = 	snop  }
0x7: {  	_ = 	snop  }
__scs_overlays_trampoline_lowered:
0x8: {  	[smem:$0x3FA9] =	sst s0  }
0x9: {  	[smem:$0x3FAA] =	sst s1  }
0xa: {  	[smem:$0x3FAB] =	sst s2  }
0xb: {  	[smem:$0x3FAC] =	sst s3  }
0xc: {  	[smem:$0x3FAD] =	sst s4  }
0xd: {  	[smem:$0x3FAE] =	sst s5  }
0xe: {  	[smem:$0x3FAF] =	sst s6  }
0xf: {  	[smem:$0x3FB0] =	sst s7  }
0x10: {  	[smem:$0x3FB1] =	sst s8  }
0x11: {  	[smem:$0x3FB2] =	sst s9;
	s0 =	simm.s32 @!p0 $0x0  }
0x12: {  	s1 =	sld [smem:$0x3F98];
	s0 =	simm.s32 @p0 $0x1  }
0x13: {  	[smem:$0x3FB3] =	sst s0;
	s0 =	simm.s32 @!p1 $0x0  }
0x14: {  	s2 =	sld [smem:$0x3F97];
	s0 =	simm.s32 @p1 $0x1  }
0x15: {  	[smem:$0x3FB4] =	sst s0;
	s0 =	simm.s32 @!p2 $0x0  }
0x16: {  	s3 =	sld [smem:$0x3FDB];
	s0 =	simm.s32 @p2 $0x1  }
0x17: {  	s4 =	simm.s32 $0x1BF5;
	[smem:$0x3FB6] =	sst s0  }
0x18: {  	s0 =	sld [smem:$0x3F99];
	_ =	swait.ge [sflag:s4], $0x0  }
0x19: {  	s7 =	sld [smem:$0x3F9A]  }
0x1a: {  	s8 =	sadd.s32 $0xFFFFE003, lr  }
0x1b: {  	s9 =	sadd.s32 $0xFFFFFEF7, lr;
	s5 =	simm.s32 $0xFFFFFFFF;
	p2 =	slt.u32 s8, $0xFFFFF086  }
0x1c: {  	p1 =	slt.u32 s9, $0xF7A;
	s5 =	simm.s32 @!p2 $0x0  }
0x1d: {  	s5 =	simm.s32 @p1 $0x1;
	p0 =	seq.s32 s7, s2  }
0x1e: {  	s7 =	smul.u32 @!p0 $0xF7A, s2;
	p2 =	seq.s32 @!p0 s5, $0x0  }
0x1f: {  	s9 =	smul.u32 $0xF7A, s1;
	s8 =	simm.s32 @!p0 $0x1BF5;
	p2 =	por !p2, p0  }
0x20: {  	[sflag:s8] =	ssyncset.s32 @!p0 $0xFFFFF086;
	s6 =	sadd.s32 @!p0 s3, s7;
	s7 =	simm.s32 @!p0 $0x108  }
0x21: {  	s3 =	sadd.s32 s3, s9;
	s6 =	sadd.s32 @!p0 $0x88, s6;
	s7 =	simm.s32 @p2 $0x1082  }
0x22: {  	[simem:s7], [sflag:s8] =	dma.local @!p0 [hbm:s6], $0xF7A  }
0x23: {  	s9 =	sor.u32 $0xD0000000, s2;
	s6 =	simm.s32 $0x108;
	_ =	swait.ge @!p0 [sflag:s8], $0x0  }
0x24: {  	s3 =	sadd.s32 $0x88, s3;
	s6 =	simm.s32 @!p1 $0x1082;
	[sflag:s4] =	ssyncset.s32 $0xFFFFF086  }
0x25: {  	[simem:s6], [sflag:s4] =	dma.local [hbm:s3], $0xF7A  }
0x26: {  	[smem:$0x3F9A] =	sst s1;
	(tag) =	ssettag s2;
	_ =	strace s9  }
0x27: {  	s1 =	sld [smem:$0x3FAA]  }
0x28: {  	s2 =	sld [smem:$0x3FAB]  }
0x29: {  	s4 =	sld [smem:$0x3FAD]  }
0x2a: {  	p0 =	seq.s32 s5, $0x0;
	s5 =	sld [smem:$0x3FAE]  }
0x2b: {  	s6 =	sld [smem:$0x3FAF]  }
0x2c: {  	s7 =	sld [smem:$0x3FB0]  }
0x2d: {  	s3 =	simm.s32 $0x108;
	s8 =	sld [smem:$0x3FB1]  }
0x2e: {  	s3 =	simm.s32 @!p0 $0x1082;
	s9 =	sld [smem:$0x3FB2]  }
0x2f: {  	lr =	sadd.s32 s0, s3;
	s0 =	sld [smem:$0x3FA9]  }
0x30: {  	s3 =	sld [smem:$0x3FAC]  }
0x31: {  	[smem:$0x3FB5] =	sst s10  }
0x32: {  	s10 =	sld [smem:$0x3FB3];
	_ =	sdelay $0x3  }
0x33: {  	p0 =	seq.s32 s10, $0x1;
	s10 =	sld [smem:$0x3FB5];
	_ =	sdelay $0x3  }
0x34: {  	[smem:$0x3FB5] =	sst s10  }
0x35: {  	s10 =	sld [smem:$0x3FB4];
	_ =	sdelay $0x3  }
0x36: {  	p1 =	seq.s32 s10, $0x1;
	s10 =	sld [smem:$0x3FB5];
	_ =	sdelay $0x3  }
0x37: {  	[smem:$0x3FB5] =	sst s10  }
0x38: {  	s10 =	sld [smem:$0x3FB6]  }
0x39: {  	_ = 	snop;
	(pc) =	sbr.ind lr, $3  }
0x3a: {  	_ = 	snop  }
0x3b: {  	_ = 	snop  }
0x3c: {  	p2 =	seq.s32 s10, $0x1;
	s10 =	sld [smem:$0x3FB5]  }
0x3d: {  	_ =	shalt  }
0x3e: {  	_ =	shalt  }
0x3f: {  	_ =	shalt  }
0x40: {  	_ =	shalt  }
0x41: {  	_ =	shalt  }
0x42: {  	_ =	shalt  }
0x43: {  	_ =	shalt  }
0x44: {  	_ =	shalt  }
0x45: {  	_ =	shalt  }
0x46: {  	_ =	shalt  }
0x47: {  	_ =	shalt  }
0x48: {  	_ =	shalt  }
0x49: {  	_ =	shalt  }
0x4a: {  	_ =	shalt  }
0x4b: {  	_ =	shalt  }
0x4c: {  	_ =	shalt  }
0x4d: {  	_ =	shalt  }
0x4e: {  	_ =	shalt  }
0x4f: {  	_ =	shalt  }
0x50: {  	_ =	shalt  }
0x51: {  	_ =	shalt  }
0x52: {  	_ =	shalt  }
0x53: {  	_ =	shalt  }
0x54: {  	_ =	shalt  }
0x55: {  	_ =	shalt  }
0x56: {  	_ =	shalt  }
0x57: {  	_ =	shalt  }
0x58: {  	_ =	shalt  }
0x59: {  	_ =	shalt  }
0x5a: {  	_ =	shalt  }
0x5b: {  	_ =	shalt  }
0x5c: {  	_ =	shalt  }
0x5d: {  	_ =	shalt  }
0x5e: {  	_ =	shalt  }
0x5f: {  	_ =	shalt  }
0x60: {  	_ =	shalt  }
0x61: {  	_ =	shalt  }
0x62: {  	_ =	shalt  }
0x63: {  	_ =	shalt  }
0x64: {  	_ =	shalt  }
0x65: {  	_ =	shalt  }
0x66: {  	_ =	shalt  }
0x67: {  	_ =	shalt  }
0x68: {  	_ =	shalt  }
0x69: {  	_ =	shalt  }
0x6a: {  	_ =	shalt  }
0x6b: {  	_ =	shalt  }
0x6c: {  	_ =	shalt  }
0x6d: {  	_ =	shalt  }
0x6e: {  	_ =	shalt  }
0x6f: {  	_ =	shalt  }
0x70: {  	_ =	shalt  }
0x71: {  	_ =	shalt  }
0x72: {  	_ =	shalt  }
0x73: {  	_ =	shalt  }
0x74: {  	_ =	shalt  }
0x75: {  	_ =	shalt  }
0x76: {  	_ =	shalt  }
0x77: {  	_ =	shalt  }
0x78: {  	_ =	shalt  }
0x79: {  	_ =	shalt  }
0x7a: {  	_ =	shalt  }
0x7b: {  	_ =	shalt  }
0x7c: {  	_ =	shalt  }
0x7d: {  	_ =	shalt  }
0x7e: {  	_ =	shalt  }
0x7f: {  	_ =	shalt  }
0x80: {  	_ =	shalt  }
0x81: {  	_ =	shalt  }
0x82: {  	_ =	shalt  }
0x83: {  	_ =	shalt  }
0x84: {  	_ =	shalt  }
0x85: {  	_ =	shalt  }
0x86: {  	_ =	shalt  }
0x87: {  	_ =	shalt  }
.Lfunc_end0:
.L_simem_size_0:
called_computation_lowered:
.L_overlay_start_0:
0x88: {  	s2 =	sld [smem:$0x3FD9]  }
0x89: {  	s3 =	sld [smem:$0x3FFE];
	_ =	sdelay $0x1  }
0x8a: {  	s1 =	srdreg.scid  }
0x8b: {  	s0 =	sand.u32 $0x1, s1  }
0x8c: {  	s17 =	sshll.u32 s0, $0xA;
	s2 =	sadd.s32 s3, s2  }
0x8d: {  	s2 =	sadd.s32 s2, s17  }
0x8e: {  	[smem:$0x3FC1] =	sst s2  }
0x8f: {  	_ = 	snop  }
0x90: {  	s2 =	sld [smem:$0x3FC8]  }
0x91: {  	s18 =	sld [smem:$0x3FC6]  }
0x92: {  	s4 =	sld [smem:$0x3FD0];
	(tm) =	ssettm $0x1  }
0x93: {  	s5 =	sld [smem:$0x3FFB];
	_ =	sdelay $0x3  }
0x94: {  	_ =	strace s5  }
0x95: {  	s5 =	sld [smem:$0x3FFC];
	_ =	sdelay $0x3  }
0x96: {  	_ =	strace s5  }
0x97: {  	s5 =	sld [smem:$0x3FFD];
	_ =	sdelay $0x3  }
0x98: {  	_ =	strace s5  }
0x99: {  	_ =	strace $0x8FFFFFFF  }
0x9a: {  	s19 =	sld [smem:$0x3FDB];
	_ =	sdelay $0x1  }
0x9b: {  	s6 =	simm.s32 $_scs_section_size  }
0x9c: {  	s7 =	simm.s32 $_size__tile_overlayer_lowered;
	s8 =	simm.s32 $_tile_overlayer_lowered  }
0x9d: {  	s22 =	simm.s32 $0x1BFF;
	s21 =	sshll.u32 s8, $0x1;
	s5 =	sadd.s32 s6, s19  }
0x9e: {  	s9 =	simm.s32 $0x0;
	s20 =	sshll.u32 s7, $0x1;
	s7 =	sadd.s32 s21, s5  }
0x9f: {  	[timem:s9], [sflag:s22] =	dma.local [hbm:s7], s20  }
0xa0: {  	_ =	swait.ge [sflag:s22], s20  }
0xa1: {  	s6 =	ssub.s32 $0x0, s20;
	[sflag:s22] =	ssyncset.done $0x0  }
0xa2: {  	[sflag:s22] =	ssyncadd.s32 s6;
	_ =	sdelay $0x1  }
0xa3: {  	s23 =	simm.s32 $0x1B8B  }
0xa4: {  	_ =	swait.ge [sflag:s23], $0x1  }
0xa5: {  	[sflag:s23] =	ssyncset.done $0x0  }
0xa6: {  	s25 =	simm.s32 $0x1B8E;
	s24 =	sld [smem:$0x3FFE];
	[sflag:s23] =	ssyncadd.s32 $0xFFFFFFFF  }
0xa7: {  	s26 =	simm.s32 $execute0_lowered;
	[smem:$0x3FD2] =	sst s25  }
0xa8: {  	s7 =	sshll.u32 s26, $0x1;
	_ =	strace $0x80000046;
	[dreg:$0x1] =	wrdreg $0xFFFFFFFF  }
0xa9: {  	s28 =	simm.s32 $_size_execute0_lowered;
	s5 =	sadd.s32 s5, s7;
	[dreg:$0x0] =	wrdreg $0x0  }
0xaa: {  	s7 =	sshll.u32 s28, $0x1;
	[dreg:$0x2] =	wrdreg s5  }
0xab: {  	[dreg:$0x3] =	wrdreg s7  }
0xac: {  	[dreg:$0x4] =	wrdreg $0xC0  }
0xad: {  	_ =	task [dreg:s9], $0x5FFFF  }
0xae: {  	[dreg:$0x1] =	wrdreg $0xFFFFFFFF  }
0xaf: {  	[dreg:$0x0] =	wrdreg $0x60  }
0xb0: {  	[dreg:$0x2] =	wrdreg s24  }
0xb1: {  	[dreg:$0x3] =	wrdreg s4  }
0xb2: {  	[dreg:$0x4] =	wrdreg s18  }
0xb3: {  	[dreg:$0x5] =	wrdreg s2  }
0xb4: {  	[dreg:$0x6] =	wrdreg $0x9  }
0xb5: {  	_ =	task.clear_ibuf [dreg:s9], $0x7FFFF;
	_ =	strace $0x90000046  }
0xb6: {  	s29 =	simm.s32 $0x9;
	_ =	strace $0x80000048  }
0xb7: {  	_ =	swait.ge [sflag:s29], $0x1  }
0xb8: {  	[sflag:s29] =	ssyncadd.s32 $0xFFFFFFFF  }
0xb9: {  	_ =	strace $0x90000048  }
0xba: {  	_ =	sfence  }
0xbb: {  	s30 =	sld [smem:$0x0];
	_ =	sdelay $0x2  }
0xbc: {  	s31 =	sshll.u32 s1, $0xD;
	s1 =	sshrl.u32 s1, $0x2  }
0xbd: {  	s3 =	sand.u32 $0x4000, s31;
	s1 =	sadd.s32 s1, s30  }
0xbe: {  	s0 =	sor.u32 s3, s0;
	s1 =	sshll.u32 s1, $0x11  }
0xbf: {  	s0 =	sor.u32 s1, s0  }
0xc0: {  	s0 =	sadd.s32 $0x8F2B, s0  }
0xc1: {  	[sflag:s0] =	ssyncadd.remote.s32 $0x1  }
0xc2: {  	_ =	sfence.sel $0xFFFF  }
0xc3: {  	[dreg:$0x0] =	wrdreg $0xFFFFFFFF;
	(pc) =	sbr.abs _section_cstart, $3  }
0xc4: {  	[dreg:$0x1] =	wrdreg $0xFFFFFFFF  }
0xc5: {  	_ =	task.clear_ibuf [dreg:s9], $0x2FFFF;
	_ =	strace $0x9FFFFFFF  }
0xc6: {  	(tm) =	ssettm $0x7FFFFFFF  }
0xc7: {  	_ =	shalt  }
tec
execute0_lowered:
.L_overlay_start_1:
0x0: {  	(tag) =	ssettag $0x1  }
0x1: {  	s0 =	rddreg [dreg:$0x0]  }
0x2: {  	s1 =	rddreg [dreg:$0x1]  }
0x3: {  	s2 =	rddreg [dreg:$0x2]  }
0x4: {  	s3 =	rddreg [dreg:$0x3];
	s5 =	srdreg.scid  }
0x5: {  	s6 =	stileid.u32;
	s4 =	simm.s32 $0x0;
	s15 =	simm.s32 $0x5400  }
0x6: {  	s16 =	simm.s32 $0x80;
	s18 =	simm.s32 $0x48;
	s21 =	simm.s32 $0x11C00  }
0x7: {  	s22 =	simm.s32 $0x18000;
	s28 =	simm.s32 $0x5300;
	s29 =	simm.s32 $0x2  }
0x8: {  	s30 =	simm.s32 $0x5280;
	s31 =	simm.s32 $0x5380;
	s5 =	sand.u32 $0x1, s5  }
0x9: {  	s6 =	sshll.u32 s6, $0x1;
	[smem:$0x7FF] =	sst s4;
	s23 =	sadd.s32 $0x400, s0  }
0xa: {  	vm0 =	vmmov $0x1;
	s7 =	sor.u32 s5, s6;
	_ =	strace $0x80000047;
	s5 =	ssub.s32 $0x2, s5  }
0xb: {  	vm1 =	vcmask $0x30C;
	vm2 =	vcmask $0xF0C;
	vm3 =	vcmask $0x714;
	[dreg:$0x5] =	wrdreg s23;
	s6 =	sshll.u32 s7, $0x9;
	s10 =	smul.u32 $0x320, s7  }
0xc: {  	vm4 =	vcmask $0xF18;
	vm5 =	vcmask $0x131C;
	vm6 =	vcmask $0x1F1C;
	s23 =	simm.s32 $0x15C00;
	s9 =	sshrl.u32 s5, $0x1;
	s8 =	sadd.s32 s6, s0  }
0xd: {  	vm7 =	vcmask $0x1724;
	vm8 =	vcmask $0x1F28;
	vm9 =	vcmask $0x232C;
	s6 =	sadd.s32 $0xB600, s0;
	s24 =	ssub.s32 s5, s9;
	s1 =	sadd.s32 s1, s10  }
0xe: {  	vm10 =	vcmask $0x2F2C;
	vm11 =	vcmask $0x2734;
	vm12 =	vcmask $0x2F38;
	s5 =	simm.s32 $0x0;
	s25 =	sadd.s32 $0x7600, s8;
	[dreg:$0x6] =	wrdreg s1  }
0xf: {  	vm13 =	vcmask $0x333C;
	vm14 =	vmmov $0x3fff;
	vm15 =	vmmov $0x7fff;
	s26 =	sadd.s32 $0x3600, s8;
	s10 =	sshll.u32 s7, $0xA;
	[dreg:$0x7] =	wrdreg s25  }
0x10: {  	vm2 =	vmor vm3, vm2;
	vm3 =	vcmask $0xB14;
	vm6 =	vmor vm7, vm6;
	s0 =	smax.u32 s24, $0x1;
	s24 =	simm.s32 $0x1C000;
	[dreg:$0x8] =	wrdreg s26  }
0x11: {  	vm7 =	vcmask $0x1B24;
	vm10 =	vmor vm11, vm10;
	vm11 =	vcmask $0x2B34;
	[dreg:$0x9] =	wrdreg s0;
	s25 =	simm.s32 $0x1;
	s26 =	simm.s32 $0x5200  }
.LBB2_1:
0x12: {  	[dreg:$0xa] =	wrdreg s5  }
0x13: {  	s0 =	rddreg [dreg:$0x6];
	s1 =	simm.s32 $0x5  }
0x14: {  	[tilespmem:s4], [sflag:$0x5] =	stream.linear.gather [hbm4b:s0+s4], $0x1900, $0x38;
	[tilespmem:$0x1E400] =	vst v63  }
0x15: {  	_ =	swait.ge [sflag:s1], $0x1900  }
0x16: {  	[sflag:s1] =	ssyncset.done $0x0  }
0x17: {  	s14 =	simm.s32 $0x1900;
	s13 =	rddreg [dreg:$0x7];
	[sflag:s1] =	ssyncadd.s32 $0xFFFFE700  }
0x18: {  	[tilespmem:s14], [sflag:$0x5] =	stream.linear.gather [hbm4b:s13+s4], $0x1000, $0x38;
	[tilespmem:$0x1E400] =	vst v63  }
0x19: {  	_ =	swait.ge [sflag:s1], $0x1000  }
0x1a: {  	[sflag:s1] =	ssyncset.done $0x0  }
0x1b: {  	s19 =	simm.s32 $0x2900;
	s17 =	rddreg [dreg:$0x8];
	[sflag:s1] =	ssyncadd.s32 $0xFFFFF000  }
0x1c: {  	[tilespmem:s19], [sflag:$0x5] =	stream.linear.gather [hbm4b:s17+s4], $0x1000, $0x38;
	[tilespmem:$0x1E400] =	vst v63  }
0x1d: {  	_ =	swait.ge [sflag:s1], $0x1000  }
0x1e: {  	[sflag:s1] =	ssyncset.done $0x0  }
0x1f: {  	s20 =	rddreg [dreg:$0x5];
	[sflag:s1] =	ssyncadd.s32 $0xFFFFF000  }
0x20: {  	[tilespmem:s15], [sflag:$0x5] =	stream.linear.gather [hbm4b:s20+s4], $0x18700, $0x38;
	[tilespmem:$0x1E400] =	vst v63  }
0x21: {  	_ =	swait.ge [sflag:s1], $0x18700  }
0x22: {  	[sflag:s1] =	ssyncset.done $0x0  }
0x23: {  	s0 =	simm.s32 $0x0;
	[sflag:s1] =	ssyncadd.s32 $0xFFFE7900  }
0x24: {  	v0 =	vld [tilespmem:s0+$0x0];
	_ =	sdelay $0x7  }
0x25: {  	s5 =	simm.s32 $0x80;
	s1 =	simm.s32 $0x10;
	v0 =	vld.idx.msk [tilespmem:v0+s15+$0x0], $0xffff  }
.LBB2_2:
0x26: {  	p0 =	sne.s32 s5, $0x63C0;
	v1 =	vld [tilespmem:s1+$0x0];
	_ =	sdelay $0x3  }
.Ltmp0:
0x27: {  	(pc) =	sbr.rel @p0 .LBB2_2-.Ltmp0, $2  }
0x28: {  	[tilespmem:s0+$0x3900] =	vst v0;
	s0 =	smov.u32 s1;
	_ =	sdelay $0x2  }
0x29: {  	s1 =	sshra.s32 s5, $0x2;
	s5 =	sadd.s32 $0x40, s5;
	v0 =	vld.idx.msk [tilespmem:v1+s15+$0x0], $0xffff  }
0x2a: {  	v1 =	vld [tilespmem:s1+$0x0];
	_ =	sdelay $0x6  }
0x2b: {  	[tilespmem:s0+$0x3900] =	vst v0  }
0x2c: {  	v0 =	vld.idx.msk [tilespmem:v1+s15+$0x0], $0xffff;
	_ =	sdelay $0x4  }
0x2d: {  	s14 =	simm.s32 $0x0;
	[tilespmem:s1+$0x3900] =	vst v0  }
0x2e: {  	[tilespmem:s15], [sflag:$0x1] =	stream.indirect.gather [hbm4b:s2+s16], $0x80, s14, s16, $0xb8;
	[tilespmem:$0x1E400] =	vst v63  }
0x2f: {  	s17 =	simm.s32 $0xB800  }
0x30: {  	[tilespmem:s17], [sflag:$0x1] =	stream.indirect.gather [hbm4b:s3+s16], $0x80, s14, s16, $0xb8;
	[tilespmem:$0x1E400] =	vst v63  }
0x31: {  	s19 =	simm.s32 $0x9400  }
0x32: {  	[tilespmem:s19], [sflag:$0x1] =	stream.indirect.gather [hbm4b:s2+s18], $0x80, s16, s18, $0xb8;
	[tilespmem:$0x1E400] =	vst v63  }
0x33: {  	s20 =	simm.s32 $0xF800;
	s5 =	simm.s32 $0x2980  }
0x34: {  	[tilespmem:s20], [sflag:$0x1] =	stream.indirect.gather [hbm4b:s3+s18], $0x80, s16, s18, $0xb8;
	[tilespmem:$0x1E400] =	vst v63  }
0x35: {  	s17 =	simm.s32 $0x1900;
	s19 =	simm.s32 $0x2900;
	s20 =	simm.s32 $0x1980  }
.LBB2_4:
0x36: {  	s0 =	sshllo.u32 s14, $0x1  }
0x37: {  	s7 =	smul.u32 $0xC8, s0;
	_ =	sdelay $0x1  }
0x38: {  	[tilespmem:s21], [sflag:$0x2] =	stream.indirect.gather [hbm4b:s2+s16], $0x80, s7, s16, $0xb8;
	[tilespmem:$0x1E400] =	vst v63  }
0x39: {  	_ = 	snop  }
0x3a: {  	[tilespmem:s22], [sflag:$0x2] =	stream.indirect.gather [hbm4b:s3+s16], $0x80, s7, s16, $0xb8;
	[tilespmem:$0x1E400] =	vst v63  }
0x3b: {  	s0 =	sadd.s32 $0x80, s7  }
0x3c: {  	[tilespmem:s23], [sflag:$0x2] =	stream.indirect.gather [hbm4b:s2+s18], $0x80, s0, s18, $0xb8;
	[tilespmem:$0x1E400] =	vst v63  }
0x3d: {  	_ = 	snop  }
0x3e: {  	[tilespmem:s24], [sflag:$0x2] =	stream.indirect.gather [hbm4b:s3+s18], $0x80, s0, s18, $0xb8;
	[tilespmem:$0x1E400] =	vst v63  }
0x3f: {  	_ =	swait.ge [sflag:s25], $0x4000  }
0x40: {  	[sflag:s25] =	ssyncset.done $0x0  }
0x41: {  	[sflag:s25] =	ssyncadd.s32 $0xFFFFC000  }
0x42: {  	_ =	swait.ge [sflag:s25], $0x4000  }
0x43: {  	[sflag:s25] =	ssyncset.done $0x0  }
0x44: {  	[sflag:s25] =	ssyncadd.s32 $0xFFFFC000  }
0x45: {  	_ =	swait.ge [sflag:s25], $0x2400  }
0x46: {  	[sflag:s25] =	ssyncset.done $0x0  }
0x47: {  	[sflag:s25] =	ssyncadd.s32 $0xFFFFDC00  }
0x48: {  	_ =	swait.ge [sflag:s25], $0x2400  }
0x49: {  	p0 =	seq.s32 s14, $0x0;
	s11 =	smul.u32 $0x640, s14;
	[sflag:s25] =	ssyncset.done $0x0  }
0x4a: {  	s0 =	simm.s32 @!p0 $0x3;
	[sflag:s25] =	ssyncadd.s32 $0xFFFFDC00  }
0x4b: {  	s8 =	sshra.s32 s11, $0x2;
	_ =	swait.ge @!p0 [sflag:s0], $0x100  }
0x4c: {  	s9 =	simm.s32 $0x5800;
	v1 =	vmov s19;
	s1 =	sadd.s32 $0x3900, s8;
	[sflag:s0] =	ssyncset.done @!p0 $0x0  }
0x4d: {  	v0 =	vmov s17;
	v2 =	vmov s1;
	s1 =	simm.s32 $0x0;
	[sflag:s0] =	ssyncadd.s32 @!p0 $0xFFFFFF00;
	s0 =	simm.s32 $0xBC00  }
.LBB2_5:
0x4e: {  	_ = 	snop  }
0x4f: {  	v4 =	vmov s0;
	_ =	sdelay $0x1  }
0x50: {  	s12 =	simm.s32 $0x0  }
0x51: {  	v3 =	vld.idx.msk [tilespmem:v1+s12+$0x0 ss:$0x1], $0xffff  }
0x52: {  	v6 =	vld.idx.msk [tilespmem:v0+s12+$0x0 ss:$0x1], $0xffff  }
0x53: {  	v7 =	vld.idx.msk [tilespmem:v4+s12+$0xFFFFFC00 ss:$0x1], $0xffff  }
0x54: {  	v8 =	vld.idx.msk [tilespmem:v4+s12+$0xFFFFFC80 ss:$0x1], $0xffff  }
0x55: {  	v9 =	vld.idx.msk [tilespmem:v4+s12+$0xFFFFFD00 ss:$0x1], $0xffff  }
0x56: {  	v10 =	vld.idx.msk [tilespmem:v4+s12+$0xFFFFFD80 ss:$0x1], $0xffff  }
0x57: {  	v11 =	vld.idx.msk [tilespmem:v4+s12+$0xFFFFFE00 ss:$0x1], $0xffff  }
0x58: {  	v12 =	vld.idx.msk [tilespmem:v4+s12+$0xFFFFFE80 ss:$0x1], $0xffff  }
0x59: {  	v13 =	vld.idx.msk [tilespmem:v4+s12+$0xFFFFFF00 ss:$0x1], $0xffff  }
0x5a: {  	v14 =	vld.idx.msk [tilespmem:v4+s12+$0xFFFFFF80 ss:$0x1], $0xffff  }
0x5b: {  	v5 =	vmov s9;
	v15 =	vld.idx.msk [tilespmem:v4+s12+$0x0 ss:$0x1], $0xffff  }
0x5c: {  	v16 =	vld.idx.msk [tilespmem:v4+s12+$0x80 ss:$0x1], $0xffff  }
0x5d: {  	v17 =	vld.idx.msk [tilespmem:v4+s12+$0x100 ss:$0x1], $0xffff  }
0x5e: {  	v19 =	vld.idx.msk [tilespmem:v4+s12+$0x200 ss:$0x1], $0xffff  }
0x5f: {  	v20 =	vld.idx.msk [tilespmem:v4+s12+$0x280 ss:$0x1], $0xffff  }
0x60: {  	v21 =	vld.idx.msk [tilespmem:v5+s12+$0xFFFFFC00 ss:$0x1], $0xffff  }
0x61: {  	v26 =	vld.idx.msk [tilespmem:v5+s12+$0xFFFFFC80 ss:$0x1], $0xffff;
	v23 =	vmul.f32 v8, v3  }
0x62: {  	v32 =	vld.idx.msk [tilespmem:v5+s12+$0xFFFFFD00 ss:$0x1], $0xffff;
	v31 =	vmul.f32 v9, v3;
	v30 =	vmul.f32 v11, v3  }
0x63: {  	v18 =	vld.idx.msk [tilespmem:v4+s12+$0x180 ss:$0x1], $0xffff;
	v29 =	vmul.f32 v12, v3;
	v27 =	vmul.f32 v13, v3  }
0x64: {  	v11 =	vld.idx.msk [tilespmem:v5+s12+$0xFFFFFD80 ss:$0x1], $0xffff;
	v28 =	vmul.f32 v14, v3;
	v24 =	vmul.f32 v15, v3  }
0x65: {  	v12 =	vld.idx.msk [tilespmem:v5+s12+$0xFFFFFE00 ss:$0x1], $0xffff;
	v22 =	vmul.f32 v17, v3;
	v9 =	vmul.f32 v19, v3  }
0x66: {  	v14 =	vld.idx.msk [tilespmem:v5+s12+$0xFFFFFE80 ss:$0x1], $0xffff;
	v8 =	vmul.f32 v20, v3;
	v17 =	vmul.f32 v21, v6  }
0x67: {  	v15 =	vld.idx.msk [tilespmem:v5+s12+$0xFFFFFF00 ss:$0x1], $0xffff;
	v19 =	vmul.f32 v26, v6;
	v13 =	vimm.f32 $0.0e+00;
	v20 =	vmul.f32 v32, v6  }
0x68: {  	v7 =	vmul.f32 v7, v3;
	v25 =	vmul.f32 v16, v3;
	v16 =	vld.idx.msk [tilespmem:v5+s12+$0xFFFFFF80 ss:$0x1], $0xffff;
	v17 =	vadd.f32 v17, v13  }
0x69: {  	v26 =	vld.idx.msk [tilespmem:v5+s12+$0x0 ss:$0x1], $0xffff;
	v21 =	vadd.f32 v19, v13;
	v32 =	vadd.f32 v20, v13  }
0x6a: {  	v10 =	vmul.f32 v10, v3;
	v18 =	vmul.f32 v18, v3;
	v19 =	vadd.f32 v7, v17  }
0x6b: {  	v20 =	vadd.f32 v23, v21;
	v23 =	vadd.f32 v31, v32;
	v11 =	vmul.f32 v11, v6  }
0x6c: {  	v34 =	vld.idx.msk [tilespmem:v5+s12+$0x80 ss:$0x1], $0xffff;
	v17 =	vimm.f32 $0.0e+00;
	v12 =	vmul.f32 v12, v6;
	v14 =	vmul.f32 v14, v6  }
0x6d: {  	v36 =	vld.idx.msk [tilespmem:v5+s12+$0x100 ss:$0x1], $0xffff;
	v7 =	vimm.f32 $0.0e+00;
	v38 =	vmul.f32 v15, v6;
	v39 =	vmul.f32 v16, v6  }
0x6e: {  	v35 =	vld.idx.msk [tilespmem:v5+s12+$0x180 ss:$0x1], $0xffff;
	v37 =	vmul.f32 v26, v6;
	v26 =	vimm.f32 $0.0e+00;
	v16 =	vimm.f32 $0.0e+00  }
0x6f: {  	v33 =	vld.idx.msk [tilespmem:v5+s12+$0x280 ss:$0x1], $0xffff;
	v15 =	vimm.f32 $0.0e+00;
	v11 =	vadd.f32 v11, v13;
	v41 =	vadd.f32 v12, v13  }
0x70: {  	v32 =	vld.idx.msk [tilespmem:v5+s12+$0x200 ss:$0x1], $0xffff;
	v40 =	vadd.f32 v14, v13;
	v14 =	vimm.f32 $0.0e+00;
	v12 =	vimm.f32 $0.0e+00  }
0x71: {  	s13 =	simm.s32 $0x40;
	v31 =	vld.idx.msk [tilespmem:v5+s12+$0x300 ss:$0x1], $0xffff;
	v21 =	vadd.f32 v10, v11;
	v11 =	vimm.f32 $0.0e+00;
	v10 =	vimm.f32 $0.0e+00  }
.LBB2_6:
0x72: {  	p1 =	sne.s32 s13, $0x1C0;
	v13 =	vadd.f32 v38, v13;
	v26 =	vadd.f32 v39, v26;
	v34 =	vmul.f32 v34, v6;
	v38 =	vld.idx.msk [tilespmem:v5+s12+$0x380 ss:$0x1], $0xffff  }
0x73: {  	v41 =	vadd.f32 v30, v41;
	v40 =	vadd.f32 v29, v40;
	v29 =	vmul.f32 v36, v6;
	v30 =	vld.idx.msk [tilespmem:v4+s12+$0x300 ss:$0x1], $0xffff  }
0x74: {  	v13 =	vadd.f32 v27, v13;
	v26 =	vadd.f32 v28, v26;
	v27 =	vmul.f32 v35, v6;
	v28 =	vld.idx.msk [tilespmem:v4+s12+$0x380 ss:$0x1], $0xffff;
	s12 =	sshra.s32 s13, $0x2  }
0x75: {  	v16 =	vadd.f32 v37, v16;
	v17 =	vadd.f32 v34, v17;
	v32 =	vmul.f32 v32, v6;
	v35 =	vld.idx.msk [tilespmem:v1+s12+$0x0 ss:$0x1], $0xffff  }
0x76: {  	v14 =	vadd.f32 v29, v14;
	v34 =	vld.idx.msk [tilespmem:v4+s12+$0xFFFFFC00 ss:$0x1], $0xffff;
	v15 =	vadd.f32 v27, v15;
	v27 =	vmul.f32 v33, v6  }
0x77: {  	v16 =	vadd.f32 v24, v16;
	v17 =	vadd.f32 v25, v17;
	v24 =	vmul.f32 v31, v6;
	v29 =	vld.idx.msk [tilespmem:v4+s12+$0xFFFFFC80 ss:$0x1], $0xffff  }
0x78: {  	v14 =	vadd.f32 v22, v14;
	v6 =	vmul.f32 v38, v6;
	v25 =	vld.idx.msk [tilespmem:v4+s12+$0xFFFFFD00 ss:$0x1], $0xffff;
	v15 =	vadd.f32 v18, v15  }
0x79: {  	v12 =	vadd.f32 v32, v12;
	v11 =	vadd.f32 v27, v11;
	v22 =	vmul.f32 v30, v3;
	v18 =	vld.idx.msk [tilespmem:v4+s12+$0xFFFFFD80 ss:$0x1], $0xffff  }
0x7a: {  	v10 =	vadd.f32 v24, v10;
	v6 =	vadd.f32 v6, v7;
	v7 =	vmul.f32 v28, v3;
	v27 =	vld.idx.msk [tilespmem:v4+s12+$0xFFFFFE00 ss:$0x1], $0xffff  }
0x7b: {  	v12 =	vadd.f32 v9, v12;
	v11 =	vadd.f32 v8, v11;
	v3 =	vmov v35;
	v24 =	vld.idx.msk [tilespmem:v4+s12+$0xFFFFFE80 ss:$0x1], $0xffff  }
0x7c: {  	v10 =	vadd.f32 v22, v10;
	v7 =	vadd.f32 v7, v6;
	v8 =	vld.idx.msk [tilespmem:v4+s12+$0xFFFFFF00 ss:$0x1], $0xffff  }
0x7d: {  	v9 =	vld.idx.msk [tilespmem:v4+s12+$0xFFFFFF80 ss:$0x1], $0xffff  }
0x7e: {  	v22 =	vld.idx.msk [tilespmem:v4+s12+$0x0 ss:$0x1], $0xffff  }
0x7f: {  	v31 =	vld.idx.msk [tilespmem:v4+s12+$0x80 ss:$0x1], $0xffff  }
0x80: {  	v32 =	vld.idx.msk [tilespmem:v4+s12+$0x100 ss:$0x1], $0xffff  }
0x81: {  	v33 =	vld.idx.msk [tilespmem:v4+s12+$0x180 ss:$0x1], $0xffff  }
0x82: {  	v35 =	vld.idx.msk [tilespmem:v4+s12+$0x200 ss:$0x1], $0xffff  }
0x83: {  	v36 =	vld.idx.msk [tilespmem:v4+s12+$0x280 ss:$0x1], $0xffff  }
0x84: {  	v6 =	vld.idx.msk [tilespmem:v0+s12+$0x0 ss:$0x1], $0xffff  }
0x85: {  	v37 =	vld.idx.msk [tilespmem:v5+s12+$0xFFFFFC00 ss:$0x1], $0xffff  }
0x86: {  	v38 =	vmul.f32 v34, v3;
	v39 =	vmul.f32 v29, v3;
	v34 =	vld.idx.msk [tilespmem:v5+s12+$0xFFFFFC80 ss:$0x1], $0xffff  }
0x87: {  	v43 =	vmul.f32 v25, v3;
	v44 =	vmul.f32 v18, v3;
	v42 =	vld.idx.msk [tilespmem:v5+s12+$0xFFFFFD00 ss:$0x1], $0xffff  }
0x88: {  	v30 =	vmul.f32 v27, v3;
	v29 =	vmul.f32 v24, v3;
	v45 =	vld.idx.msk [tilespmem:v5+s12+$0xFFFFFD80 ss:$0x1], $0xffff  }
0x89: {  	v27 =	vmul.f32 v8, v3;
	v28 =	vmul.f32 v9, v3;
	v46 =	vld.idx.msk [tilespmem:v5+s12+$0xFFFFFE00 ss:$0x1], $0xffff  }
0x8a: {  	v24 =	vmul.f32 v22, v3;
	v25 =	vmul.f32 v31, v3;
	v47 =	vld.idx.msk [tilespmem:v5+s12+$0xFFFFFE80 ss:$0x1], $0xffff  }
0x8b: {  	v22 =	vmul.f32 v32, v3;
	v18 =	vmul.f32 v33, v3;
	v31 =	vld.idx.msk [tilespmem:v5+s12+$0xFFFFFF00 ss:$0x1], $0xffff  }
0x8c: {  	v9 =	vmul.f32 v35, v3;
	v8 =	vmul.f32 v36, v3;
	v33 =	vld.idx.msk [tilespmem:v5+s12+$0xFFFFFF80 ss:$0x1], $0xffff  }
0x8d: {  	v32 =	vmul.f32 v37, v6;
	v35 =	vmul.f32 v34, v6;
	v37 =	vld.idx.msk [tilespmem:v5+s12+$0x0 ss:$0x1], $0xffff  }
0x8e: {  	v42 =	vmul.f32 v42, v6;
	v45 =	vmul.f32 v45, v6;
	v34 =	vld.idx.msk [tilespmem:v5+s12+$0x80 ss:$0x1], $0xffff  }
.Ltmp1:
0x8f: {  	v19 =	vadd.f32 v32, v19;
	v20 =	vadd.f32 v35, v20;
	v46 =	vmul.f32 v46, v6;
	v36 =	vld.idx.msk [tilespmem:v5+s12+$0x100 ss:$0x1], $0xffff;
	(pc) =	sbr.rel @p1 .LBB2_6-.Ltmp1, $4  }
0x90: {  	v23 =	vadd.f32 v42, v23;
	v21 =	vadd.f32 v45, v21;
	v42 =	vmul.f32 v47, v6;
	v35 =	vld.idx.msk [tilespmem:v5+s12+$0x180 ss:$0x1], $0xffff  }
0x91: {  	v19 =	vadd.f32 v38, v19;
	v20 =	vadd.f32 v39, v20;
	v38 =	vmul.f32 v31, v6;
	v32 =	vld.idx.msk [tilespmem:v5+s12+$0x200 ss:$0x1], $0xffff  }
0x92: {  	v23 =	vadd.f32 v43, v23;
	v21 =	vadd.f32 v44, v21;
	v39 =	vmul.f32 v33, v6;
	v33 =	vld.idx.msk [tilespmem:v5+s12+$0x280 ss:$0x1], $0xffff  }
0x93: {  	s13 =	sadd.s32 $0x40, s13;
	v41 =	vadd.f32 v46, v41;
	v40 =	vadd.f32 v42, v40;
	v37 =	vmul.f32 v37, v6;
	v31 =	vld.idx.msk [tilespmem:v5+s12+$0x300 ss:$0x1], $0xffff  }
0x94: {  	(xrf2) =	vadd.scan.msk.f32 $0xffff, v19  }
0x95: {  	(xrf2) =	vadd.scan.msk.f32 $0xffff, v20;
	_ =	sdelay $0x1  }
0x96: {  	(xrf2) =	vadd.scan.msk.f32 $0xffff, v23  }
0x97: {  	v13 =	vadd.f32 v38, v13;
	v5 =	vld.idx.msk [tilespmem:v5+s12+$0x380 ss:$0x1], $0xffff;
	v53 =	vadd.f32 v30, v41;
	(xrf2) =	vadd.scan.msk.f32 $0xffff, v21  }
0x98: {  	v54 =	vadd.f32 v39, v26;
	v58 =	vld.idx.msk [tilespmem:v4+s12+$0x300 ss:$0x1], $0xffff;
	v55 =	vadd.f32 v29, v40  }
0x99: {  	v56 =	vmul.f32 v34, v6;
	v57 =	vmul.f32 v36, v6;
	v36 =	vld.idx.msk [tilespmem:v4+s12+$0x380 ss:$0x1], $0xffff;
	(xrf2) =	vadd.scan.msk.f32 $0xffff, v53  }
0x9a: {  	s13 =	sshll.u32 s1, $0x4;
	v60 =	vmul.f32 v35, v6;
	v16 =	vadd.f32 v37, v16;
	v13 =	vadd.f32 v27, v13;
	(xrf2) =	vadd.scan.msk.f32 $0xffff, v55  }
0x9b: {  	v61 =	vld.idx.msk [tilespmem:v2+s13+$0x0 ss:$0x1], $0xffff;
	v59 =	vadd.f32 v28, v54;
	v17 =	vadd.f32 v56, v17;
	v62 =	vmul.f32 v32, v6  }
0x9c: {  	v14 =	vadd.f32 v57, v14;
	v15 =	vadd.f32 v60, v15;
	v63 =	vmul.f32 v33, v6;
	(xrf2) =	vadd.scan.msk.f32 $0xffff, v13  }
0x9d: {  	v16 =	vadd.f32 v24, v16;
	v17 =	vadd.f32 v25, v17;
	v26 =	vmul.f32 v31, v6;
	v25, _, _ =	vpop (xrf2);
	(xrf2) =	vadd.scan.msk.f32 $0xffff, v59  }
0x9e: {  	v14 =	vadd.f32 v22, v14;
	v12 =	vadd.f32 v62, v12;
	v20 =	vbroadcast v25, $0xF;
	v27, _, _ =	vpop (xrf2)  }
0x9f: {  	v15 =	vadd.f32 v18, v15;
	v5 =	vmul.f32 v5, v6;
	(xrf2) =	vadd.scan.msk.f32 $0xffff, v16;
	v28 =	vbroadcast v27, $0xF  }
0xa0: {  	v30 =	vadd.f32 v63, v11;
	v33 =	vmul.f32 v58, v3;
	v32, _, _ =	vpop (xrf2);
	(xrf2) =	vadd.scan.msk.f32 $0xffff, v17;
	v31 =	vadd.f32 v61, v20  }
0xa1: {  	v3 =	vmul.f32 v36, v3;
	v13 =	vbroadcast v32, $0xF;
	v35, _, _ =	vpop (xrf2);
	v34 =	vadd.f32 v61, v28  }
0xa2: {  	v10 =	vadd.f32 v26, v10;
	(xrf2) =	vadd.scan.msk.f32 $0xffff, v14;
	v18 =	vbroadcast v35, $0xF;
	v11 =	vsel vm0, v31, v61  }
0xa3: {  	v9 =	vadd.f32 v9, v12;
	v38, _, _ =	vpop (xrf2);
	(xrf2) =	vadd.scan.msk.f32 $0xffff, v15;
	v37 =	vsel vm1, v11, v34;
	v11 =	vadd.f32 v11, v13  }
0xa4: {  	v6 =	vadd.f32 v8, v30;
	v40, _, _ =	vpop (xrf2);
	v13 =	vbroadcast v38, $0xF;
	v39 =	vadd.f32 v37, v18  }
0xa5: {  	v5 =	vadd.f32 v5, v7;
	(xrf2) =	vadd.scan.msk.f32 $0xffff, v9;
	v42 =	vbroadcast v40, $0xF;
	v41 =	vsel vm2, v37, v11  }
0xa6: {  	v43 =	vadd.f32 v33, v10;
	v45, _, _ =	vpop (xrf2);
	(xrf2) =	vadd.scan.msk.f32 $0xffff, v6;
	v44 =	vadd.f32 v37, v13;
	v7 =	vsel vm3, v41, v39  }
0xa7: {  	v47 =	vbroadcast v45, $0xF;
	v46 =	vadd.f32 v7, v42;
	v48, _, _ =	vpop (xrf2)  }
0xa8: {  	v3 =	vadd.f32 v3, v5;
	v7 =	vsel vm4, v7, v44;
	(xrf2) =	vadd.scan.msk.f32 $0xffff, v43;
	v49 =	vbroadcast v48, $0xF  }
0xa9: {  	v50, _, _ =	vpop (xrf2);
	v51 =	vadd.f32 v7, v47;
	v4 =	vsel vm5, v7, v46  }
0xaa: {  	v53 =	vbroadcast v50, $0xF;
	v54, _, _ =	vpop (xrf2);
	v52 =	vadd.f32 v4, v49  }
0xab: {  	(xrf2) =	vadd.scan.msk.f32 $0xffff, v3;
	v5 =	vsel vm6, v4, v51;
	v8 =	vbroadcast v54, $0xF  }
0xac: {  	v3, _, _ =	vpop (xrf2);
	v4 =	vadd.f32 v4, v53;
	v5 =	vsel vm7, v5, v52  }
0xad: {  	v55, _, _ =	vpop (xrf2);
	v3 =	vbroadcast v3, $0xF;
	v56 =	vadd.f32 v5, v8  }
0xae: {  	v57 =	vbroadcast v55, $0xF;
	v4 =	vsel vm8, v5, v4  }
0xaf: {  	v58, _, _ =	vpop (xrf2);
	v3 =	vadd.f32 v4, v3;
	v7 =	vsel vm9, v4, v56  }
0xb0: {  	v59, _, _ =	vpop (xrf2);
	v6 =	vbroadcast v58, $0xF;
	v5 =	vadd.f32 v7, v57  }
0xb1: {  	v4 =	vbroadcast v59, $0xF;
	v3 =	vsel vm10, v7, v3  }
0xb2: {  	v61 =	vadd.f32 v7, v6;
	v60, _, _ =	vpop (xrf2);
	v3 =	vsel vm11, v3, v5  }
0xb3: {  	s12 =	sshll.u32 s1, $0x5;
	s1 =	sadd.s32 $0x1, s1;
	v62 =	vbroadcast v60, $0xF;
	v4 =	vadd.f32 v3, v4  }
0xb4: {  	p1 =	sne.s32 s1, $0xC;
	v3 =	vsel vm12, v3, v61  }
.Ltmp2:
0xb5: {  	v63, _, _ =	vpop (xrf2);
	v4 =	vsel vm13, v3, v4;
	v3 =	vadd.f32 v3, v62;
	(pc) =	sbr.rel @p1 .LBB2_5-.Ltmp2, $4  }
0xb6: {  	v5 =	vadd.f32 v4, v63  }
0xb7: {  	s13 =	sand.u32 $0x70, s13;
	s12 =	sand.u32 $0x100, s12;
	v3 =	vsel vm14, v4, v3  }
0xb8: {  	s12 =	sor.u32 s13, s12;
	v3 =	vsel vm15, v3, v5  }
0xb9: {  	s9 =	sadd.s32 $0x800, s9;
	s0 =	sadd.s32 $0x800, s0;
	[tilespmem:s12+$0x5200] =	vst v3  }
0xba: {  	s0 =	simm.s32 $0x0  }
0xbb: {  	v3 =	vld [tilespmem:s0+$0x11400]  }
0xbc: {  	v4 =	vld [tilespmem:s0+$0x11480]  }
0xbd: {  	v5 =	vld [tilespmem:s0+$0x11500]  }
0xbe: {  	v6 =	vld [tilespmem:s0+$0x11580]  }
0xbf: {  	v7 =	vld [tilespmem:s0+$0x11600]  }
0xc0: {  	v8 =	vld [tilespmem:s0+$0x11680]  }
0xc1: {  	v9 =	vld [tilespmem:s0+$0x11700]  }
0xc2: {  	v10 =	vld [tilespmem:s0+$0x11780]  }
0xc3: {  	v11 =	vld [tilespmem:s0+$0x11800]  }
0xc4: {  	v12 =	vld [tilespmem:s0+$0x11880]  }
0xc5: {  	v2 =	vld.idx.msk [tilespmem:v1+s0+$0x0 ss:$0x1], $0xffff  }
0xc6: {  	v13 =	vld [tilespmem:s0+$0x11900]  }
0xc7: {  	v14 =	vld [tilespmem:s0+$0x11980]  }
0xc8: {  	v16 =	vld [tilespmem:s0+$0x11A00]  }
0xc9: {  	v17 =	vld [tilespmem:s0+$0x11A80]  }
0xca: {  	v18 =	vld [tilespmem:s0+$0xB000]  }
0xcb: {  	v20 =	vld [tilespmem:s0+$0xB080]  }
0xcc: {  	v29 =	vld [tilespmem:s0+$0xB100];
	v3 =	vmul.f32 v3, v2  }
0xcd: {  	v23 =	vmul.f32 v4, v2;
	v4 =	vld.idx.msk [tilespmem:v0+s0+$0x0 ss:$0x1], $0xffff;
	v28 =	vmul.f32 v5, v2  }
0xce: {  	v6 =	vmul.f32 v6, v2;
	v26 =	vmul.f32 v8, v2;
	v8 =	vld [tilespmem:s0+$0xB180]  }
0xcf: {  	v27 =	vmul.f32 v7, v2;
	v24 =	vmul.f32 v9, v2;
	v9 =	vld [tilespmem:s0+$0xB200]  }
0xd0: {  	v25 =	vmul.f32 v10, v2;
	v21 =	vmul.f32 v11, v2;
	v11 =	vld [tilespmem:s0+$0xB280]  }
0xd1: {  	v22 =	vmul.f32 v12, v2;
	v19 =	vmul.f32 v13, v2;
	v12 =	vld [tilespmem:s0+$0xB300]  }
0xd2: {  	v31 =	vld [tilespmem:s0+$0xB380];
	v15 =	vmul.f32 v14, v2;
	v7 =	vmul.f32 v16, v2  }
0xd3: {  	v5 =	vmul.f32 v17, v2;
	v13 =	vmul.f32 v18, v4  }
0xd4: {  	v14 =	vmul.f32 v20, v4;
	v16 =	vmul.f32 v29, v4  }
0xd5: {  	v8 =	vmul.f32 v8, v4;
	v9 =	vmul.f32 v9, v4  }
0xd6: {  	v10 =	vimm.f32 $0.0e+00;
	v11 =	vmul.f32 v11, v4;
	v34 =	vmul.f32 v12, v4  }
0xd7: {  	v29 =	vld [tilespmem:s0+$0xB400];
	v35 =	vmul.f32 v31, v4;
	v13 =	vadd.f32 v13, v10;
	v14 =	vadd.f32 v14, v10  }
0xd8: {  	v12 =	vimm.f32 $0.0e+00;
	v18 =	vadd.f32 v16, v10;
	v8 =	vadd.f32 v8, v10  }
0xd9: {  	v30 =	vld [tilespmem:s0+$0xB480];
	v37 =	vadd.f32 v9, v10;
	v36 =	vadd.f32 v11, v10;
	v11 =	vimm.f32 $0.0e+00  }
0xda: {  	v32 =	vld [tilespmem:s0+$0xB500];
	v9 =	vimm.f32 $0.0e+00;
	v16 =	vadd.f32 v3, v13;
	v17 =	vadd.f32 v23, v14  }
0xdb: {  	v31 =	vld [tilespmem:s0+$0xB580];
	v20 =	vadd.f32 v28, v18;
	v18 =	vadd.f32 v6, v8;
	v23 =	vimm.f32 $0.0e+00  }
0xdc: {  	v13 =	vimm.f32 $0.0e+00;
	v14 =	vimm.f32 $0.0e+00;
	v33 =	vmul.f32 v29, v4;
	v29 =	vld [tilespmem:s0+$0xB600]  }
0xdd: {  	s1 =	simm.s32 $0x40;
	v28 =	vld [tilespmem:s0+$0xB680];
	v8 =	vimm.f32 $0.0e+00;
	v6 =	vimm.f32 $0.0e+00;
	v3 =	vimm.f32 $0.0e+00  }
.LBB2_9:
0xde: {  	p1 =	sne.s32 s1, $0x1C0;
	v10 =	vadd.f32 v34, v10;
	v23 =	vadd.f32 v35, v23;
	v30 =	vmul.f32 v30, v4;
	v34 =	vld [tilespmem:s0+$0xB700]  }
0xdf: {  	v37 =	vadd.f32 v27, v37;
	v36 =	vadd.f32 v26, v36;
	v26 =	vmul.f32 v32, v4;
	v27 =	vld [tilespmem:s0+$0xB780]  }
0xe0: {  	v10 =	vadd.f32 v24, v10;
	v23 =	vadd.f32 v25, v23;
	v24 =	vmul.f32 v31, v4;
	v25 =	vld [tilespmem:s0+$0x11B00]  }
0xe1: {  	v13 =	vadd.f32 v33, v13;
	v14 =	vadd.f32 v30, v14;
	v29 =	vmul.f32 v29, v4;
	v30 =	vld [tilespmem:s0+$0x11B80];
	s0 =	sshra.s32 s1, $0x2  }
0xe2: {  	v11 =	vadd.f32 v26, v11;
	v31 =	vld [tilespmem:s0+$0x11400];
	v12 =	vadd.f32 v24, v12;
	v24 =	vmul.f32 v28, v4  }
0xe3: {  	v13 =	vadd.f32 v21, v13;
	v14 =	vadd.f32 v22, v14;
	v26 =	vld [tilespmem:s0+$0x11480];
	v21 =	vmul.f32 v34, v4  }
0xe4: {  	v11 =	vadd.f32 v19, v11;
	v22 =	vld [tilespmem:s0+$0x11500];
	v12 =	vadd.f32 v15, v12;
	v4 =	vmul.f32 v27, v4  }
0xe5: {  	v9 =	vadd.f32 v29, v9;
	v8 =	vadd.f32 v24, v8;
	v15 =	vld [tilespmem:s0+$0x11580];
	v19 =	vmul.f32 v25, v2  }
0xe6: {  	v6 =	vadd.f32 v21, v6;
	v24 =	vld [tilespmem:s0+$0x11600];
	v3 =	vadd.f32 v4, v3;
	v2 =	vmul.f32 v30, v2  }
0xe7: {  	v9 =	vadd.f32 v7, v9;
	v8 =	vadd.f32 v5, v8;
	v21 =	vld [tilespmem:s0+$0x11680]  }
0xe8: {  	v6 =	vadd.f32 v19, v6;
	v5 =	vld [tilespmem:s0+$0x11700];
	v3 =	vadd.f32 v2, v3  }
0xe9: {  	v7 =	vld [tilespmem:s0+$0x11780]  }
0xea: {  	v19 =	vld [tilespmem:s0+$0x11800]  }
0xeb: {  	v28 =	vld [tilespmem:s0+$0x11880]  }
0xec: {  	v2 =	vld.idx.msk [tilespmem:v1+s0+$0x0 ss:$0x1], $0xffff  }
0xed: {  	v29 =	vld [tilespmem:s0+$0x11900]  }
0xee: {  	v30 =	vld [tilespmem:s0+$0x11980]  }
0xef: {  	v32 =	vld [tilespmem:s0+$0x11A00]  }
0xf0: {  	v33 =	vld [tilespmem:s0+$0x11A80]  }
0xf1: {  	v34 =	vld [tilespmem:s0+$0xB000]  }
0xf2: {  	v31 =	vmul.f32 v31, v2;
	v38 =	vmul.f32 v26, v2;
	v35 =	vld [tilespmem:s0+$0xB080]  }
0xf3: {  	v39 =	vmul.f32 v22, v2;
	v40 =	vmul.f32 v15, v2;
	v4 =	vld.idx.msk [tilespmem:v0+s0+$0x0 ss:$0x1], $0xffff  }
0xf4: {  	v27 =	vmul.f32 v24, v2;
	v26 =	vmul.f32 v21, v2;
	v41 =	vld [tilespmem:s0+$0xB100]  }
0xf5: {  	v24 =	vmul.f32 v5, v2;
	v25 =	vmul.f32 v7, v2;
	v42 =	vld [tilespmem:s0+$0xB180]  }
0xf6: {  	v21 =	vmul.f32 v19, v2;
	v22 =	vmul.f32 v28, v2;
	v43 =	vld [tilespmem:s0+$0xB200]  }
0xf7: {  	v19 =	vmul.f32 v29, v2;
	v15 =	vmul.f32 v30, v2;
	v28 =	vld [tilespmem:s0+$0xB280]  }
0xf8: {  	v7 =	vmul.f32 v32, v2;
	v5 =	vmul.f32 v33, v2;
	v29 =	vld [tilespmem:s0+$0xB300]  }
0xf9: {  	v30 =	vmul.f32 v34, v4;
	v32 =	vmul.f32 v35, v4;
	v33 =	vld [tilespmem:s0+$0xB380]  }
0xfa: {  	v34 =	vmul.f32 v41, v4;
	v35 =	vmul.f32 v42, v4;
	v41 =	vld [tilespmem:s0+$0xB400]  }
.Ltmp3:
0xfb: {  	v16 =	vadd.f32 v30, v16;
	v17 =	vadd.f32 v32, v17;
	v42 =	vmul.f32 v43, v4;
	v30 =	vld [tilespmem:s0+$0xB480];
	(pc) =	sbr.rel @p1 .LBB2_9-.Ltmp3, $4  }
0xfc: {  	v20 =	vadd.f32 v34, v20;
	v18 =	vadd.f32 v35, v18;
	v28 =	vmul.f32 v28, v4;
	v32 =	vld [tilespmem:s0+$0xB500]  }
0xfd: {  	v16 =	vadd.f32 v31, v16;
	v17 =	vadd.f32 v38, v17;
	v34 =	vmul.f32 v29, v4;
	v31 =	vld [tilespmem:s0+$0xB580]  }
0xfe: {  	v20 =	vadd.f32 v39, v20;
	v18 =	vadd.f32 v40, v18;
	v35 =	vmul.f32 v33, v4;
	v29 =	vld [tilespmem:s0+$0xB600]  }
0xff: {  	s1 =	sadd.s32 $0x40, s1;
	v37 =	vadd.f32 v42, v37;
	v36 =	vadd.f32 v28, v36;
	v33 =	vmul.f32 v41, v4;
	v28 =	vld [tilespmem:s0+$0xB680]  }
0x100: {  	(xrf2) =	vadd.scan.msk.f32 $0xffff, v16  }
0x101: {  	(xrf2) =	vadd.scan.msk.f32 $0xffff, v17;
	_ =	sdelay $0x1  }
0x102: {  	(xrf2) =	vadd.scan.msk.f32 $0xffff, v20  }
0x103: {  	v1 =	vadd.f32 v27, v37;
	(xrf2) =	vadd.scan.msk.f32 $0xffff, v18  }
0x104: {  	v0 =	vadd.f32 v34, v10;
	v63 =	vld [tilespmem:s0+$0xB700];
	v61 =	vadd.f32 v26, v36  }
0x105: {  	v60 =	vadd.f32 v35, v23;
	v62 =	vmul.f32 v30, v4;
	(xrf2) =	vadd.scan.msk.f32 $0xffff, v1  }
0x106: {  	v34 =	vld [tilespmem:s8+$0x39B8];
	v30 =	vmul.f32 v32, v4;
	v13 =	vadd.f32 v33, v13;
	v0 =	vadd.f32 v24, v0;
	(xrf2) =	vadd.scan.msk.f32 $0xffff, v61  }
0x107: {  	v35 =	vld [tilespmem:s0+$0x11B00];
	v10 =	vadd.f32 v25, v60;
	v32 =	vmul.f32 v31, v4;
	v14 =	vadd.f32 v62, v14  }
0x108: {  	v36 =	vmul.f32 v29, v4;
	v11 =	vadd.f32 v30, v11;
	v13 =	vadd.f32 v21, v13;
	(xrf2) =	vadd.scan.msk.f32 $0xffff, v0  }
0x109: {  	v1 =	vld [tilespmem:s0+$0xB780];
	v12 =	vadd.f32 v32, v12;
	v14 =	vadd.f32 v22, v14;
	v38 =	vmul.f32 v63, v4;
	v37, _, _ =	vpop (xrf2);
	(xrf2) =	vadd.scan.msk.f32 $0xffff, v10  }
0x10a: {  	v11 =	vadd.f32 v19, v11;
	v9 =	vadd.f32 v36, v9;
	v39 =	vbroadcast v37, $0xF;
	v40, _, _ =	vpop (xrf2)  }
0x10b: {  	v0 =	vmul.f32 v28, v4;
	v12 =	vadd.f32 v15, v12;
	v41 =	vbroadcast v40, $0xF  }
0x10c: {  	v44 =	vmul.f32 v35, v2;
	v6 =	vadd.f32 v38, v6;
	(xrf2) =	vadd.scan.msk.f32 $0xffff, v13;
	v43, _, _ =	vpop (xrf2);
	v42 =	vadd.f32 v34, v39  }
0x10d: {  	v0 =	vadd.f32 v0, v8;
	(xrf2) =	vadd.scan.msk.f32 $0xffff, v14;
	v8 =	vbroadcast v43, $0xF;
	v46, _, _ =	vpop (xrf2);
	v45 =	vadd.f32 v34, v41  }
0x10e: {  	v47 =	vld [tilespmem:s0+$0x11B80];
	v1 =	vmul.f32 v1, v4;
	v48 =	vbroadcast v46, $0xF;
	v4 =	vsel vm0, v42, v34  }
0x10f: {  	v7 =	vadd.f32 v7, v9;
	(xrf2) =	vadd.scan.msk.f32 $0xffff, v11;
	v50, _, _ =	vpop (xrf2);
	v49 =	vsel vm1, v4, v45;
	v4 =	vadd.f32 v4, v8  }
0x110: {  	v0 =	vadd.f32 v5, v0;
	(xrf2) =	vadd.scan.msk.f32 $0xffff, v12;
	v52, _, _ =	vpop (xrf2);
	v8 =	vbroadcast v50, $0xF;
	v51 =	vadd.f32 v49, v48  }
0x111: {  	v1 =	vadd.f32 v1, v3;
	v53 =	vbroadcast v52, $0xF;
	v3 =	vsel vm2, v49, v4  }
0x112: {  	(xrf2) =	vadd.scan.msk.f32 $0xffff, v7;
	v55, _, _ =	vpop (xrf2);
	v54 =	vadd.f32 v49, v8;
	v3 =	vsel vm3, v3, v51  }
0x113: {  	v6 =	vadd.f32 v44, v6;
	(xrf2) =	vadd.scan.msk.f32 $0xffff, v0;
	v0 =	vmul.f32 v47, v2;
	v2 =	vadd.f32 v3, v53;
	v57, _, _ =	vpop (xrf2)  }
0x114: {  	v56 =	vbroadcast v55, $0xF;
	v3 =	vsel vm4, v3, v54;
	v58 =	vbroadcast v57, $0xF  }
0x115: {  	v0 =	vadd.f32 v0, v1;
	v1 =	vsel vm5, v3, v2  }
0x116: {  	(xrf2) =	vadd.scan.msk.f32 $0xffff, v6;
	v59, _, _ =	vpop (xrf2);
	v2 =	vadd.f32 v3, v56;
	v3 =	vadd.f32 v1, v58  }
0x117: {  	v60 =	vbroadcast v59, $0xF;
	v61, _, _ =	vpop (xrf2)  }
0x118: {  	v5 =	vbroadcast v61, $0xF;
	v2 =	vsel vm6, v1, v2  }
0x119: {  	(xrf2) =	vadd.scan.msk.f32 $0xffff, v0;
	v0, _, _ =	vpop (xrf2);
	v1 =	vadd.f32 v1, v60;
	v2 =	vsel vm7, v2, v3  }
0x11a: {  	v0 =	vbroadcast v0, $0xF;
	v62 =	vadd.f32 v2, v5;
	v3, _, _ =	vpop (xrf2)  }
0x11b: {  	v1 =	vsel vm8, v2, v1;
	v2 =	vbroadcast v3, $0xF  }
0x11c: {  	v0 =	vadd.f32 v1, v0;
	v3, _, _ =	vpop (xrf2);
	v4 =	vsel vm9, v1, v62  }
0x11d: {  	v3 =	vbroadcast v3, $0xF;
	v2 =	vadd.f32 v4, v2  }
0x11e: {  	v1, _, _ =	vpop (xrf2);
	v0 =	vsel vm10, v4, v0  }
0x11f: {  	v1 =	vbroadcast v1, $0xF;
	v0 =	vsel vm11, v0, v2;
	v2 =	vadd.f32 v4, v3  }
0x120: {  	v63, _, _ =	vpop (xrf2)  }
0x121: {  	v3 =	vbroadcast v63, $0xF;
	v1 =	vadd.f32 v0, v1  }
0x122: {  	v0 =	vsel vm12, v0, v2  }
0x123: {  	v1 =	vsel vm13, v0, v1;
	v0 =	vadd.f32 v0, v3;
	v2, _, _ =	vpop (xrf2)  }
0x124: {  	s9 =	sshll.u32 s14, $0x6;
	s1 =	sshll.u32 s14, $0x5;
	v2 =	vadd.f32 v1, v2  }
0x125: {  	s0 =	sand.u32 $0x300, s9;
	s9 =	sand.u32 $0x60, s1;
	v0 =	vsel vm14, v1, v0  }
0x126: {  	s8 =	sor.u32 s10, s0;
	s12 =	sadd.s32 s6, s9;
	v0 =	vsel vm15, v0, v2  }
0x127: {  	s0 =	sadd.s32 s8, s12;
	[tilespmem:$0x5338] =	vst v0  }
0x128: {  	[hbm4b:s0+s4] =	stream.linear.scatter [tilespmem:s26], [sflag:$0x3], $0x80, $0x38;
	[tilespmem:$0x1E400] =	vst v63  }
0x129: {  	p1 =	seq.s32 s14, $0xF;
	s0 =	sadd.s32 $0x80, s0  }
0x12a: {  	[hbm4b:s0+s4] =	stream.linear.scatter [tilespmem:s28], [sflag:$0x3], $0x80, $0x38;
	[tilespmem:$0x1E400] =	vst v63  }
0x12b: {  	s0 =	sshra.s32 @!p1 s11, $0x2  }
0x12c: {  	s12 =	simm.s32 @!p1 $0x5400;
	s11 =	simm.s32 @!p1 $0x80;
	s1 =	sadd.s32 @!p1 $0x190, s0  }
0x12d: {  	[tilespmem:s12], [sflag:$0x1] =	stream.indirect.gather @!p1 [hbm4b:s2+s11], $0x80, s1, s11, $0xb8;
	[tilespmem:$0x1E400] =	vst v63  }
0x12e: {  	s12 =	simm.s32 @!p1 $0xB800  }
0x12f: {  	[tilespmem:s12], [sflag:$0x1] =	stream.indirect.gather @!p1 [hbm4b:s3+s11], $0x80, s1, s11, $0xb8;
	[tilespmem:$0x1E400] =	vst v63  }
0x130: {  	s0 =	sadd.s32 @!p1 $0x210, s0;
	s1 =	simm.s32 @!p1 $0x48;
	s11 =	simm.s32 @!p1 $0x9400  }
0x131: {  	[tilespmem:s11], [sflag:$0x1] =	stream.indirect.gather @!p1 [hbm4b:s2+s1], $0x80, s0, s1, $0xb8;
	[tilespmem:$0x1E400] =	vst v63  }
0x132: {  	s11 =	simm.s32 @!p1 $0xF800  }
0x133: {  	[tilespmem:s11], [sflag:$0x1] =	stream.indirect.gather @!p1 [hbm4b:s3+s1], $0x80, s0, s1, $0xb8;
	[tilespmem:$0x1E400] =	vst v63  }
0x134: {  	_ =	swait.ge [sflag:s29], $0x4000  }
0x135: {  	[sflag:s29] =	ssyncset.done $0x0  }
0x136: {  	[sflag:s29] =	ssyncadd.s32 $0xFFFFC000  }
0x137: {  	_ =	swait.ge [sflag:s29], $0x4000  }
0x138: {  	[sflag:s29] =	ssyncset.done $0x0  }
0x139: {  	[sflag:s29] =	ssyncadd.s32 $0xFFFFC000  }
0x13a: {  	_ =	swait.ge [sflag:s29], $0x2400  }
0x13b: {  	[sflag:s29] =	ssyncset.done $0x0  }
0x13c: {  	[sflag:s29] =	ssyncadd.s32 $0xFFFFDC00  }
0x13d: {  	_ =	swait.ge [sflag:s29], $0x2400  }
0x13e: {  	[sflag:s29] =	ssyncset.done $0x0  }
0x13f: {  	s0 =	simm.s32 @!p0 $0x4;
	[sflag:s29] =	ssyncadd.s32 $0xFFFFDC00  }
0x140: {  	_ =	swait.ge @!p0 [sflag:s0], $0x100  }
0x141: {  	s13 =	sadd.s32 $0x3900, s7;
	v1 =	vmov s5;
	s11 =	simm.s32 $0x0;
	[sflag:s0] =	ssyncset.done @!p0 $0x0  }
0x142: {  	v2 =	vmov s13;
	v0 =	vmov s20;
	s1 =	simm.s32 $0x18400;
	[sflag:s0] =	ssyncadd.s32 @!p0 $0xFFFFFF00;
	s0 =	simm.s32 $0x12000  }
.LBB2_11:
0x143: {  	_ = 	snop  }
0x144: {  	v4 =	vmov s1;
	_ =	sdelay $0x1  }
0x145: {  	s12 =	simm.s32 $0x0  }
0x146: {  	v3 =	vld.idx.msk [tilespmem:v1+s12+$0x0 ss:$0x1], $0xffff  }
0x147: {  	v6 =	vld.idx.msk [tilespmem:v0+s12+$0x0 ss:$0x1], $0xffff  }
0x148: {  	v7 =	vld.idx.msk [tilespmem:v4+s12+$0xFFFFFC00 ss:$0x1], $0xffff  }
0x149: {  	v8 =	vld.idx.msk [tilespmem:v4+s12+$0xFFFFFC80 ss:$0x1], $0xffff  }
0x14a: {  	v9 =	vld.idx.msk [tilespmem:v4+s12+$0xFFFFFD00 ss:$0x1], $0xffff  }
0x14b: {  	v10 =	vld.idx.msk [tilespmem:v4+s12+$0xFFFFFD80 ss:$0x1], $0xffff  }
0x14c: {  	v11 =	vld.idx.msk [tilespmem:v4+s12+$0xFFFFFE00 ss:$0x1], $0xffff  }
0x14d: {  	v12 =	vld.idx.msk [tilespmem:v4+s12+$0xFFFFFE80 ss:$0x1], $0xffff  }
0x14e: {  	v13 =	vld.idx.msk [tilespmem:v4+s12+$0xFFFFFF00 ss:$0x1], $0xffff  }
0x14f: {  	v14 =	vld.idx.msk [tilespmem:v4+s12+$0xFFFFFF80 ss:$0x1], $0xffff  }
0x150: {  	v5 =	vmov s0;
	v15 =	vld.idx.msk [tilespmem:v4+s12+$0x0 ss:$0x1], $0xffff  }
0x151: {  	v16 =	vld.idx.msk [tilespmem:v4+s12+$0x80 ss:$0x1], $0xffff  }
0x152: {  	v17 =	vld.idx.msk [tilespmem:v4+s12+$0x100 ss:$0x1], $0xffff  }
0x153: {  	v19 =	vld.idx.msk [tilespmem:v4+s12+$0x200 ss:$0x1], $0xffff  }
0x154: {  	v20 =	vld.idx.msk [tilespmem:v4+s12+$0x280 ss:$0x1], $0xffff  }
0x155: {  	v21 =	vld.idx.msk [tilespmem:v5+s12+$0xFFFFFC00 ss:$0x1], $0xffff  }
0x156: {  	v26 =	vld.idx.msk [tilespmem:v5+s12+$0xFFFFFC80 ss:$0x1], $0xffff;
	v23 =	vmul.f32 v8, v3  }
0x157: {  	v32 =	vld.idx.msk [tilespmem:v5+s12+$0xFFFFFD00 ss:$0x1], $0xffff;
	v31 =	vmul.f32 v9, v3;
	v30 =	vmul.f32 v11, v3  }
0x158: {  	v18 =	vld.idx.msk [tilespmem:v4+s12+$0x180 ss:$0x1], $0xffff;
	v29 =	vmul.f32 v12, v3;
	v27 =	vmul.f32 v13, v3  }
0x159: {  	v11 =	vld.idx.msk [tilespmem:v5+s12+$0xFFFFFD80 ss:$0x1], $0xffff;
	v28 =	vmul.f32 v14, v3;
	v24 =	vmul.f32 v15, v3  }
0x15a: {  	v12 =	vld.idx.msk [tilespmem:v5+s12+$0xFFFFFE00 ss:$0x1], $0xffff;
	v22 =	vmul.f32 v17, v3;
	v9 =	vmul.f32 v19, v3  }
0x15b: {  	v14 =	vld.idx.msk [tilespmem:v5+s12+$0xFFFFFE80 ss:$0x1], $0xffff;
	v8 =	vmul.f32 v20, v3;
	v17 =	vmul.f32 v21, v6  }
0x15c: {  	v15 =	vld.idx.msk [tilespmem:v5+s12+$0xFFFFFF00 ss:$0x1], $0xffff;
	v19 =	vmul.f32 v26, v6;
	v13 =	vimm.f32 $0.0e+00;
	v20 =	vmul.f32 v32, v6  }
0x15d: {  	v7 =	vmul.f32 v7, v3;
	v25 =	vmul.f32 v16, v3;
	v16 =	vld.idx.msk [tilespmem:v5+s12+$0xFFFFFF80 ss:$0x1], $0xffff;
	v17 =	vadd.f32 v17, v13  }
0x15e: {  	v26 =	vld.idx.msk [tilespmem:v5+s12+$0x0 ss:$0x1], $0xffff;
	v21 =	vadd.f32 v19, v13;
	v32 =	vadd.f32 v20, v13  }
0x15f: {  	v10 =	vmul.f32 v10, v3;
	v18 =	vmul.f32 v18, v3;
	v19 =	vadd.f32 v7, v17  }
0x160: {  	v20 =	vadd.f32 v23, v21;
	v23 =	vadd.f32 v31, v32;
	v11 =	vmul.f32 v11, v6  }
0x161: {  	v34 =	vld.idx.msk [tilespmem:v5+s12+$0x80 ss:$0x1], $0xffff;
	v17 =	vimm.f32 $0.0e+00;
	v12 =	vmul.f32 v12, v6;
	v14 =	vmul.f32 v14, v6  }
0x162: {  	v36 =	vld.idx.msk [tilespmem:v5+s12+$0x100 ss:$0x1], $0xffff;
	v7 =	vimm.f32 $0.0e+00;
	v38 =	vmul.f32 v15, v6;
	v39 =	vmul.f32 v16, v6  }
0x163: {  	v35 =	vld.idx.msk [tilespmem:v5+s12+$0x180 ss:$0x1], $0xffff;
	v37 =	vmul.f32 v26, v6;
	v26 =	vimm.f32 $0.0e+00;
	v16 =	vimm.f32 $0.0e+00  }
0x164: {  	v33 =	vld.idx.msk [tilespmem:v5+s12+$0x280 ss:$0x1], $0xffff;
	v15 =	vimm.f32 $0.0e+00;
	v11 =	vadd.f32 v11, v13;
	v41 =	vadd.f32 v12, v13  }
0x165: {  	v32 =	vld.idx.msk [tilespmem:v5+s12+$0x200 ss:$0x1], $0xffff;
	v40 =	vadd.f32 v14, v13;
	v14 =	vimm.f32 $0.0e+00;
	v12 =	vimm.f32 $0.0e+00  }
0x166: {  	s13 =	simm.s32 $0x40;
	v31 =	vld.idx.msk [tilespmem:v5+s12+$0x300 ss:$0x1], $0xffff;
	v21 =	vadd.f32 v10, v11;
	v11 =	vimm.f32 $0.0e+00;
	v10 =	vimm.f32 $0.0e+00  }
.LBB2_12:
0x167: {  	p0 =	sne.s32 s13, $0x1C0;
	v13 =	vadd.f32 v38, v13;
	v26 =	vadd.f32 v39, v26;
	v34 =	vmul.f32 v34, v6;
	v38 =	vld.idx.msk [tilespmem:v5+s12+$0x380 ss:$0x1], $0xffff  }
0x168: {  	v41 =	vadd.f32 v30, v41;
	v40 =	vadd.f32 v29, v40;
	v29 =	vmul.f32 v36, v6;
	v30 =	vld.idx.msk [tilespmem:v4+s12+$0x300 ss:$0x1], $0xffff  }
0x169: {  	v13 =	vadd.f32 v27, v13;
	v26 =	vadd.f32 v28, v26;
	v27 =	vmul.f32 v35, v6;
	v28 =	vld.idx.msk [tilespmem:v4+s12+$0x380 ss:$0x1], $0xffff;
	s12 =	sshra.s32 s13, $0x2  }
0x16a: {  	v16 =	vadd.f32 v37, v16;
	v17 =	vadd.f32 v34, v17;
	v32 =	vmul.f32 v32, v6;
	v35 =	vld.idx.msk [tilespmem:v1+s12+$0x0 ss:$0x1], $0xffff  }
0x16b: {  	v14 =	vadd.f32 v29, v14;
	v34 =	vld.idx.msk [tilespmem:v4+s12+$0xFFFFFC00 ss:$0x1], $0xffff;
	v15 =	vadd.f32 v27, v15;
	v27 =	vmul.f32 v33, v6  }
0x16c: {  	v16 =	vadd.f32 v24, v16;
	v17 =	vadd.f32 v25, v17;
	v24 =	vmul.f32 v31, v6;
	v29 =	vld.idx.msk [tilespmem:v4+s12+$0xFFFFFC80 ss:$0x1], $0xffff  }
0x16d: {  	v14 =	vadd.f32 v22, v14;
	v6 =	vmul.f32 v38, v6;
	v25 =	vld.idx.msk [tilespmem:v4+s12+$0xFFFFFD00 ss:$0x1], $0xffff;
	v15 =	vadd.f32 v18, v15  }
0x16e: {  	v12 =	vadd.f32 v32, v12;
	v11 =	vadd.f32 v27, v11;
	v22 =	vmul.f32 v30, v3;
	v18 =	vld.idx.msk [tilespmem:v4+s12+$0xFFFFFD80 ss:$0x1], $0xffff  }
0x16f: {  	v10 =	vadd.f32 v24, v10;
	v6 =	vadd.f32 v6, v7;
	v7 =	vmul.f32 v28, v3;
	v27 =	vld.idx.msk [tilespmem:v4+s12+$0xFFFFFE00 ss:$0x1], $0xffff  }
0x170: {  	v12 =	vadd.f32 v9, v12;
	v11 =	vadd.f32 v8, v11;
	v3 =	vmov v35;
	v24 =	vld.idx.msk [tilespmem:v4+s12+$0xFFFFFE80 ss:$0x1], $0xffff  }
0x171: {  	v10 =	vadd.f32 v22, v10;
	v7 =	vadd.f32 v7, v6;
	v8 =	vld.idx.msk [tilespmem:v4+s12+$0xFFFFFF00 ss:$0x1], $0xffff  }
0x172: {  	v9 =	vld.idx.msk [tilespmem:v4+s12+$0xFFFFFF80 ss:$0x1], $0xffff  }
0x173: {  	v22 =	vld.idx.msk [tilespmem:v4+s12+$0x0 ss:$0x1], $0xffff  }
0x174: {  	v31 =	vld.idx.msk [tilespmem:v4+s12+$0x80 ss:$0x1], $0xffff  }
0x175: {  	v32 =	vld.idx.msk [tilespmem:v4+s12+$0x100 ss:$0x1], $0xffff  }
0x176: {  	v33 =	vld.idx.msk [tilespmem:v4+s12+$0x180 ss:$0x1], $0xffff  }
0x177: {  	v35 =	vld.idx.msk [tilespmem:v4+s12+$0x200 ss:$0x1], $0xffff  }
0x178: {  	v36 =	vld.idx.msk [tilespmem:v4+s12+$0x280 ss:$0x1], $0xffff  }
0x179: {  	v6 =	vld.idx.msk [tilespmem:v0+s12+$0x0 ss:$0x1], $0xffff  }
0x17a: {  	v37 =	vld.idx.msk [tilespmem:v5+s12+$0xFFFFFC00 ss:$0x1], $0xffff  }
0x17b: {  	v38 =	vmul.f32 v34, v3;
	v39 =	vmul.f32 v29, v3;
	v34 =	vld.idx.msk [tilespmem:v5+s12+$0xFFFFFC80 ss:$0x1], $0xffff  }
0x17c: {  	v43 =	vmul.f32 v25, v3;
	v44 =	vmul.f32 v18, v3;
	v42 =	vld.idx.msk [tilespmem:v5+s12+$0xFFFFFD00 ss:$0x1], $0xffff  }
0x17d: {  	v30 =	vmul.f32 v27, v3;
	v29 =	vmul.f32 v24, v3;
	v45 =	vld.idx.msk [tilespmem:v5+s12+$0xFFFFFD80 ss:$0x1], $0xffff  }
0x17e: {  	v27 =	vmul.f32 v8, v3;
	v28 =	vmul.f32 v9, v3;
	v46 =	vld.idx.msk [tilespmem:v5+s12+$0xFFFFFE00 ss:$0x1], $0xffff  }
0x17f: {  	v24 =	vmul.f32 v22, v3;
	v25 =	vmul.f32 v31, v3;
	v47 =	vld.idx.msk [tilespmem:v5+s12+$0xFFFFFE80 ss:$0x1], $0xffff  }
0x180: {  	v22 =	vmul.f32 v32, v3;
	v18 =	vmul.f32 v33, v3;
	v31 =	vld.idx.msk [tilespmem:v5+s12+$0xFFFFFF00 ss:$0x1], $0xffff  }
0x181: {  	v9 =	vmul.f32 v35, v3;
	v8 =	vmul.f32 v36, v3;
	v33 =	vld.idx.msk [tilespmem:v5+s12+$0xFFFFFF80 ss:$0x1], $0xffff  }
0x182: {  	v32 =	vmul.f32 v37, v6;
	v35 =	vmul.f32 v34, v6;
	v37 =	vld.idx.msk [tilespmem:v5+s12+$0x0 ss:$0x1], $0xffff  }
0x183: {  	v42 =	vmul.f32 v42, v6;
	v45 =	vmul.f32 v45, v6;
	v34 =	vld.idx.msk [tilespmem:v5+s12+$0x80 ss:$0x1], $0xffff  }
.Ltmp4:
0x184: {  	v19 =	vadd.f32 v32, v19;
	v20 =	vadd.f32 v35, v20;
	v46 =	vmul.f32 v46, v6;
	v36 =	vld.idx.msk [tilespmem:v5+s12+$0x100 ss:$0x1], $0xffff;
	(pc) =	sbr.rel @p0 .LBB2_12-.Ltmp4, $4  }
0x185: {  	v23 =	vadd.f32 v42, v23;
	v21 =	vadd.f32 v45, v21;
	v42 =	vmul.f32 v47, v6;
	v35 =	vld.idx.msk [tilespmem:v5+s12+$0x180 ss:$0x1], $0xffff  }
0x186: {  	v19 =	vadd.f32 v38, v19;
	v20 =	vadd.f32 v39, v20;
	v38 =	vmul.f32 v31, v6;
	v32 =	vld.idx.msk [tilespmem:v5+s12+$0x200 ss:$0x1], $0xffff  }
0x187: {  	v23 =	vadd.f32 v43, v23;
	v21 =	vadd.f32 v44, v21;
	v39 =	vmul.f32 v33, v6;
	v33 =	vld.idx.msk [tilespmem:v5+s12+$0x280 ss:$0x1], $0xffff  }
0x188: {  	s13 =	sadd.s32 $0x40, s13;
	v41 =	vadd.f32 v46, v41;
	v40 =	vadd.f32 v42, v40;
	v37 =	vmul.f32 v37, v6;
	v31 =	vld.idx.msk [tilespmem:v5+s12+$0x300 ss:$0x1], $0xffff  }
0x189: {  	(xrf2) =	vadd.scan.msk.f32 $0xffff, v19  }
0x18a: {  	(xrf2) =	vadd.scan.msk.f32 $0xffff, v20;
	_ =	sdelay $0x1  }
0x18b: {  	(xrf2) =	vadd.scan.msk.f32 $0xffff, v23  }
0x18c: {  	v13 =	vadd.f32 v38, v13;
	v5 =	vld.idx.msk [tilespmem:v5+s12+$0x380 ss:$0x1], $0xffff;
	v53 =	vadd.f32 v30, v41;
	(xrf2) =	vadd.scan.msk.f32 $0xffff, v21  }
0x18d: {  	v54 =	vadd.f32 v39, v26;
	v58 =	vld.idx.msk [tilespmem:v4+s12+$0x300 ss:$0x1], $0xffff;
	v55 =	vadd.f32 v29, v40  }
0x18e: {  	v56 =	vmul.f32 v34, v6;
	v57 =	vmul.f32 v36, v6;
	v36 =	vld.idx.msk [tilespmem:v4+s12+$0x380 ss:$0x1], $0xffff;
	(xrf2) =	vadd.scan.msk.f32 $0xffff, v53  }
0x18f: {  	s13 =	sshll.u32 s11, $0x4;
	v60 =	vmul.f32 v35, v6;
	v16 =	vadd.f32 v37, v16;
	v13 =	vadd.f32 v27, v13;
	(xrf2) =	vadd.scan.msk.f32 $0xffff, v55  }
0x190: {  	v61 =	vld.idx.msk [tilespmem:v2+s13+$0x0 ss:$0x1], $0xffff;
	v59 =	vadd.f32 v28, v54;
	v17 =	vadd.f32 v56, v17;
	v62 =	vmul.f32 v32, v6  }
0x191: {  	v14 =	vadd.f32 v57, v14;
	v15 =	vadd.f32 v60, v15;
	v63 =	vmul.f32 v33, v6;
	(xrf2) =	vadd.scan.msk.f32 $0xffff, v13  }
0x192: {  	v16 =	vadd.f32 v24, v16;
	v17 =	vadd.f32 v25, v17;
	v26 =	vmul.f32 v31, v6;
	v25, _, _ =	vpop (xrf2);
	(xrf2) =	vadd.scan.msk.f32 $0xffff, v59  }
0x193: {  	v14 =	vadd.f32 v22, v14;
	v12 =	vadd.f32 v62, v12;
	v20 =	vbroadcast v25, $0xF;
	v27, _, _ =	vpop (xrf2)  }
0x194: {  	v15 =	vadd.f32 v18, v15;
	v5 =	vmul.f32 v5, v6;
	(xrf2) =	vadd.scan.msk.f32 $0xffff, v16;
	v28 =	vbroadcast v27, $0xF  }
0x195: {  	v30 =	vadd.f32 v63, v11;
	v33 =	vmul.f32 v58, v3;
	v32, _, _ =	vpop (xrf2);
	(xrf2) =	vadd.scan.msk.f32 $0xffff, v17;
	v31 =	vadd.f32 v61, v20  }
0x196: {  	v3 =	vmul.f32 v36, v3;
	v13 =	vbroadcast v32, $0xF;
	v35, _, _ =	vpop (xrf2);
	v34 =	vadd.f32 v61, v28  }
0x197: {  	v10 =	vadd.f32 v26, v10;
	(xrf2) =	vadd.scan.msk.f32 $0xffff, v14;
	v18 =	vbroadcast v35, $0xF;
	v11 =	vsel vm0, v31, v61  }
0x198: {  	v9 =	vadd.f32 v9, v12;
	v38, _, _ =	vpop (xrf2);
	(xrf2) =	vadd.scan.msk.f32 $0xffff, v15;
	v37 =	vsel vm1, v11, v34;
	v11 =	vadd.f32 v11, v13  }
0x199: {  	v6 =	vadd.f32 v8, v30;
	v40, _, _ =	vpop (xrf2);
	v13 =	vbroadcast v38, $0xF;
	v39 =	vadd.f32 v37, v18  }
0x19a: {  	v5 =	vadd.f32 v5, v7;
	(xrf2) =	vadd.scan.msk.f32 $0xffff, v9;
	v42 =	vbroadcast v40, $0xF;
	v41 =	vsel vm2, v37, v11  }
0x19b: {  	v43 =	vadd.f32 v33, v10;
	v45, _, _ =	vpop (xrf2);
	(xrf2) =	vadd.scan.msk.f32 $0xffff, v6;
	v44 =	vadd.f32 v37, v13;
	v7 =	vsel vm3, v41, v39  }
0x19c: {  	v47 =	vbroadcast v45, $0xF;
	v46 =	vadd.f32 v7, v42;
	v48, _, _ =	vpop (xrf2)  }
0x19d: {  	v3 =	vadd.f32 v3, v5;
	v7 =	vsel vm4, v7, v44;
	(xrf2) =	vadd.scan.msk.f32 $0xffff, v43;
	v49 =	vbroadcast v48, $0xF  }
0x19e: {  	v50, _, _ =	vpop (xrf2);
	v51 =	vadd.f32 v7, v47;
	v4 =	vsel vm5, v7, v46  }
0x19f: {  	v53 =	vbroadcast v50, $0xF;
	v54, _, _ =	vpop (xrf2);
	v52 =	vadd.f32 v4, v49  }
0x1a0: {  	(xrf2) =	vadd.scan.msk.f32 $0xffff, v3;
	v5 =	vsel vm6, v4, v51;
	v8 =	vbroadcast v54, $0xF  }
0x1a1: {  	v3, _, _ =	vpop (xrf2);
	v4 =	vadd.f32 v4, v53;
	v5 =	vsel vm7, v5, v52  }
0x1a2: {  	v55, _, _ =	vpop (xrf2);
	v3 =	vbroadcast v3, $0xF;
	v56 =	vadd.f32 v5, v8  }
0x1a3: {  	v57 =	vbroadcast v55, $0xF;
	v4 =	vsel vm8, v5, v4  }
0x1a4: {  	v58, _, _ =	vpop (xrf2);
	v3 =	vadd.f32 v4, v3;
	v7 =	vsel vm9, v4, v56  }
0x1a5: {  	v59, _, _ =	vpop (xrf2);
	v6 =	vbroadcast v58, $0xF;
	v5 =	vadd.f32 v7, v57  }
0x1a6: {  	v4 =	vbroadcast v59, $0xF;
	v3 =	vsel vm10, v7, v3  }
0x1a7: {  	v61 =	vadd.f32 v7, v6;
	v60, _, _ =	vpop (xrf2);
	v3 =	vsel vm11, v3, v5  }
0x1a8: {  	s12 =	sshll.u32 s11, $0x5;
	s11 =	sadd.s32 $0x1, s11;
	v62 =	vbroadcast v60, $0xF;
	v4 =	vadd.f32 v3, v4  }
0x1a9: {  	p0 =	sne.s32 s11, $0xC;
	v3 =	vsel vm12, v3, v61  }
.Ltmp5:
0x1aa: {  	v63, _, _ =	vpop (xrf2);
	v4 =	vsel vm13, v3, v4;
	v3 =	vadd.f32 v3, v62;
	(pc) =	sbr.rel @p0 .LBB2_11-.Ltmp5, $4  }
0x1ab: {  	v5 =	vadd.f32 v4, v63  }
0x1ac: {  	s13 =	sand.u32 $0x70, s13;
	s12 =	sand.u32 $0x100, s12;
	v3 =	vsel vm14, v4, v3  }
0x1ad: {  	s12 =	sor.u32 s13, s12;
	v3 =	vsel vm15, v3, v5  }
0x1ae: {  	s0 =	sadd.s32 $0x800, s0;
	s1 =	sadd.s32 $0x800, s1;
	[tilespmem:s12+$0x5280] =	vst v3  }
0x1af: {  	s0 =	simm.s32 $0x0  }
0x1b0: {  	v3 =	vld [tilespmem:s0+$0x1DC00]  }
0x1b1: {  	v4 =	vld [tilespmem:s0+$0x1DC80]  }
0x1b2: {  	v5 =	vld [tilespmem:s0+$0x1DD00]  }
0x1b3: {  	v6 =	vld [tilespmem:s0+$0x1DD80]  }
0x1b4: {  	v7 =	vld [tilespmem:s0+$0x1DE00]  }
0x1b5: {  	v8 =	vld [tilespmem:s0+$0x1DE80]  }
0x1b6: {  	v9 =	vld [tilespmem:s0+$0x1DF00]  }
0x1b7: {  	v10 =	vld [tilespmem:s0+$0x1DF80]  }
0x1b8: {  	v11 =	vld [tilespmem:s0+$0x1E000]  }
0x1b9: {  	v12 =	vld [tilespmem:s0+$0x1E080]  }
0x1ba: {  	v2 =	vld.idx.msk [tilespmem:v1+s0+$0x0 ss:$0x1], $0xffff  }
0x1bb: {  	v13 =	vld [tilespmem:s0+$0x1E100]  }
0x1bc: {  	v14 =	vld [tilespmem:s0+$0x1E180]  }
0x1bd: {  	v16 =	vld [tilespmem:s0+$0x1E200]  }
0x1be: {  	v17 =	vld [tilespmem:s0+$0x1E280]  }
0x1bf: {  	v18 =	vld [tilespmem:s0+$0x17800]  }
0x1c0: {  	v20 =	vld [tilespmem:s0+$0x17880]  }
0x1c1: {  	v29 =	vld [tilespmem:s0+$0x17900];
	v3 =	vmul.f32 v3, v2  }
0x1c2: {  	v23 =	vmul.f32 v4, v2;
	v4 =	vld.idx.msk [tilespmem:v0+s0+$0x0 ss:$0x1], $0xffff;
	v28 =	vmul.f32 v5, v2  }
0x1c3: {  	v6 =	vmul.f32 v6, v2;
	v26 =	vmul.f32 v8, v2;
	v8 =	vld [tilespmem:s0+$0x17980]  }
0x1c4: {  	v27 =	vmul.f32 v7, v2;
	v24 =	vmul.f32 v9, v2;
	v9 =	vld [tilespmem:s0+$0x17A00]  }
0x1c5: {  	v25 =	vmul.f32 v10, v2;
	v21 =	vmul.f32 v11, v2;
	v11 =	vld [tilespmem:s0+$0x17A80]  }
0x1c6: {  	v22 =	vmul.f32 v12, v2;
	v19 =	vmul.f32 v13, v2;
	v12 =	vld [tilespmem:s0+$0x17B00]  }
0x1c7: {  	v31 =	vld [tilespmem:s0+$0x17B80];
	v15 =	vmul.f32 v14, v2;
	v7 =	vmul.f32 v16, v2  }
0x1c8: {  	v5 =	vmul.f32 v17, v2;
	v13 =	vmul.f32 v18, v4  }
0x1c9: {  	v14 =	vmul.f32 v20, v4;
	v16 =	vmul.f32 v29, v4  }
0x1ca: {  	v8 =	vmul.f32 v8, v4;
	v9 =	vmul.f32 v9, v4  }
0x1cb: {  	v10 =	vimm.f32 $0.0e+00;
	v11 =	vmul.f32 v11, v4;
	v34 =	vmul.f32 v12, v4  }
0x1cc: {  	v29 =	vld [tilespmem:s0+$0x17C00];
	v35 =	vmul.f32 v31, v4;
	v13 =	vadd.f32 v13, v10;
	v14 =	vadd.f32 v14, v10  }
0x1cd: {  	v12 =	vimm.f32 $0.0e+00;
	v18 =	vadd.f32 v16, v10;
	v8 =	vadd.f32 v8, v10  }
0x1ce: {  	v30 =	vld [tilespmem:s0+$0x17C80];
	v37 =	vadd.f32 v9, v10;
	v36 =	vadd.f32 v11, v10;
	v11 =	vimm.f32 $0.0e+00  }
0x1cf: {  	v32 =	vld [tilespmem:s0+$0x17D00];
	v9 =	vimm.f32 $0.0e+00;
	v16 =	vadd.f32 v3, v13;
	v17 =	vadd.f32 v23, v14  }
0x1d0: {  	v31 =	vld [tilespmem:s0+$0x17D80];
	v20 =	vadd.f32 v28, v18;
	v18 =	vadd.f32 v6, v8;
	v23 =	vimm.f32 $0.0e+00  }
0x1d1: {  	v13 =	vimm.f32 $0.0e+00;
	v14 =	vimm.f32 $0.0e+00;
	v33 =	vmul.f32 v29, v4;
	v29 =	vld [tilespmem:s0+$0x17E00]  }
0x1d2: {  	s1 =	simm.s32 $0x40;
	v28 =	vld [tilespmem:s0+$0x17E80];
	v8 =	vimm.f32 $0.0e+00;
	v6 =	vimm.f32 $0.0e+00;
	v3 =	vimm.f32 $0.0e+00  }
.LBB2_15:
0x1d3: {  	p0 =	sne.s32 s1, $0x1C0;
	v10 =	vadd.f32 v34, v10;
	v23 =	vadd.f32 v35, v23;
	v30 =	vmul.f32 v30, v4;
	v34 =	vld [tilespmem:s0+$0x17F00]  }
0x1d4: {  	v37 =	vadd.f32 v27, v37;
	v36 =	vadd.f32 v26, v36;
	v26 =	vmul.f32 v32, v4;
	v27 =	vld [tilespmem:s0+$0x17F80]  }
0x1d5: {  	v10 =	vadd.f32 v24, v10;
	v23 =	vadd.f32 v25, v23;
	v24 =	vmul.f32 v31, v4;
	v25 =	vld [tilespmem:s0+$0x1E300]  }
0x1d6: {  	v13 =	vadd.f32 v33, v13;
	v14 =	vadd.f32 v30, v14;
	v29 =	vmul.f32 v29, v4;
	v30 =	vld [tilespmem:s0+$0x1E380];
	s0 =	sshra.s32 s1, $0x2  }
0x1d7: {  	v11 =	vadd.f32 v26, v11;
	v31 =	vld [tilespmem:s0+$0x1DC00];
	v12 =	vadd.f32 v24, v12;
	v24 =	vmul.f32 v28, v4  }
0x1d8: {  	v13 =	vadd.f32 v21, v13;
	v14 =	vadd.f32 v22, v14;
	v26 =	vld [tilespmem:s0+$0x1DC80];
	v21 =	vmul.f32 v34, v4  }
0x1d9: {  	v11 =	vadd.f32 v19, v11;
	v22 =	vld [tilespmem:s0+$0x1DD00];
	v12 =	vadd.f32 v15, v12;
	v4 =	vmul.f32 v27, v4  }
0x1da: {  	v9 =	vadd.f32 v29, v9;
	v8 =	vadd.f32 v24, v8;
	v15 =	vld [tilespmem:s0+$0x1DD80];
	v19 =	vmul.f32 v25, v2  }
0x1db: {  	v6 =	vadd.f32 v21, v6;
	v24 =	vld [tilespmem:s0+$0x1DE00];
	v3 =	vadd.f32 v4, v3;
	v2 =	vmul.f32 v30, v2  }
0x1dc: {  	v9 =	vadd.f32 v7, v9;
	v8 =	vadd.f32 v5, v8;
	v21 =	vld [tilespmem:s0+$0x1DE80]  }
0x1dd: {  	v6 =	vadd.f32 v19, v6;
	v5 =	vld [tilespmem:s0+$0x1DF00];
	v3 =	vadd.f32 v2, v3  }
0x1de: {  	v7 =	vld [tilespmem:s0+$0x1DF80]  }
0x1df: {  	v19 =	vld [tilespmem:s0+$0x1E000]  }
0x1e0: {  	v28 =	vld [tilespmem:s0+$0x1E080]  }
0x1e1: {  	v2 =	vld.idx.msk [tilespmem:v1+s0+$0x0 ss:$0x1], $0xffff  }
0x1e2: {  	v29 =	vld [tilespmem:s0+$0x1E100]  }
0x1e3: {  	v30 =	vld [tilespmem:s0+$0x1E180]  }
0x1e4: {  	v32 =	vld [tilespmem:s0+$0x1E200]  }
0x1e5: {  	v33 =	vld [tilespmem:s0+$0x1E280]  }
0x1e6: {  	v34 =	vld [tilespmem:s0+$0x17800]  }
0x1e7: {  	v31 =	vmul.f32 v31, v2;
	v38 =	vmul.f32 v26, v2;
	v35 =	vld [tilespmem:s0+$0x17880]  }
0x1e8: {  	v39 =	vmul.f32 v22, v2;
	v40 =	vmul.f32 v15, v2;
	v4 =	vld.idx.msk [tilespmem:v0+s0+$0x0 ss:$0x1], $0xffff  }
0x1e9: {  	v27 =	vmul.f32 v24, v2;
	v26 =	vmul.f32 v21, v2;
	v41 =	vld [tilespmem:s0+$0x17900]  }
0x1ea: {  	v24 =	vmul.f32 v5, v2;
	v25 =	vmul.f32 v7, v2;
	v42 =	vld [tilespmem:s0+$0x17980]  }
0x1eb: {  	v21 =	vmul.f32 v19, v2;
	v22 =	vmul.f32 v28, v2;
	v43 =	vld [tilespmem:s0+$0x17A00]  }
0x1ec: {  	v19 =	vmul.f32 v29, v2;
	v15 =	vmul.f32 v30, v2;
	v28 =	vld [tilespmem:s0+$0x17A80]  }
0x1ed: {  	v7 =	vmul.f32 v32, v2;
	v5 =	vmul.f32 v33, v2;
	v29 =	vld [tilespmem:s0+$0x17B00]  }
0x1ee: {  	v30 =	vmul.f32 v34, v4;
	v32 =	vmul.f32 v35, v4;
	v33 =	vld [tilespmem:s0+$0x17B80]  }
0x1ef: {  	v34 =	vmul.f32 v41, v4;
	v35 =	vmul.f32 v42, v4;
	v41 =	vld [tilespmem:s0+$0x17C00]  }
.Ltmp6:
0x1f0: {  	v16 =	vadd.f32 v30, v16;
	v17 =	vadd.f32 v32, v17;
	v42 =	vmul.f32 v43, v4;
	v30 =	vld [tilespmem:s0+$0x17C80];
	(pc) =	sbr.rel @p0 .LBB2_15-.Ltmp6, $4  }
0x1f1: {  	v20 =	vadd.f32 v34, v20;
	v18 =	vadd.f32 v35, v18;
	v28 =	vmul.f32 v28, v4;
	v32 =	vld [tilespmem:s0+$0x17D00]  }
0x1f2: {  	v16 =	vadd.f32 v31, v16;
	v17 =	vadd.f32 v38, v17;
	v34 =	vmul.f32 v29, v4;
	v31 =	vld [tilespmem:s0+$0x17D80]  }
0x1f3: {  	v20 =	vadd.f32 v39, v20;
	v18 =	vadd.f32 v40, v18;
	v35 =	vmul.f32 v33, v4;
	v29 =	vld [tilespmem:s0+$0x17E00]  }
0x1f4: {  	s1 =	sadd.s32 $0x40, s1;
	v37 =	vadd.f32 v42, v37;
	v36 =	vadd.f32 v28, v36;
	v33 =	vmul.f32 v41, v4;
	v28 =	vld [tilespmem:s0+$0x17E80]  }
0x1f5: {  	(xrf2) =	vadd.scan.msk.f32 $0xffff, v16  }
0x1f6: {  	(xrf2) =	vadd.scan.msk.f32 $0xffff, v17;
	_ =	sdelay $0x1  }
0x1f7: {  	(xrf2) =	vadd.scan.msk.f32 $0xffff, v20  }
0x1f8: {  	v1 =	vadd.f32 v27, v37;
	(xrf2) =	vadd.scan.msk.f32 $0xffff, v18  }
0x1f9: {  	v0 =	vadd.f32 v34, v10;
	v55 =	vld [tilespmem:s0+$0x17F00];
	v53 =	vadd.f32 v26, v36  }
0x1fa: {  	v52 =	vadd.f32 v35, v23;
	v54 =	vmul.f32 v30, v4;
	v57 =	vld [tilespmem:s0+$0x17F80];
	(xrf2) =	vadd.scan.msk.f32 $0xffff, v1  }
0x1fb: {  	v59 =	vld [tilespmem:s7+$0x39B8];
	v56 =	vmul.f32 v32, v4;
	v13 =	vadd.f32 v33, v13;
	v0 =	vadd.f32 v24, v0;
	(xrf2) =	vadd.scan.msk.f32 $0xffff, v53  }
0x1fc: {  	v60 =	vld [tilespmem:s0+$0x1E300];
	v10 =	vadd.f32 v25, v52;
	v58 =	vmul.f32 v31, v4;
	v14 =	vadd.f32 v54, v14  }
0x1fd: {  	v61 =	vmul.f32 v29, v4;
	v11 =	vadd.f32 v56, v11;
	v13 =	vadd.f32 v21, v13;
	(xrf2) =	vadd.scan.msk.f32 $0xffff, v0  }
0x1fe: {  	v12 =	vadd.f32 v58, v12;
	v62 =	vmul.f32 v28, v4;
	v14 =	vadd.f32 v22, v14;
	v63, _, _ =	vpop (xrf2);
	(xrf2) =	vadd.scan.msk.f32 $0xffff, v10  }
0x1ff: {  	v23 =	vmul.f32 v55, v4;
	v11 =	vadd.f32 v19, v11;
	v25 =	vbroadcast v63, $0xF;
	v26, _, _ =	vpop (xrf2)  }
0x200: {  	v9 =	vadd.f32 v61, v9;
	v1 =	vmul.f32 v57, v4;
	(xrf2) =	vadd.scan.msk.f32 $0xffff, v13;
	v27 =	vbroadcast v26, $0xF  }
0x201: {  	v30 =	vmul.f32 v60, v2;
	v12 =	vadd.f32 v15, v12;
	v29, _, _ =	vpop (xrf2);
	(xrf2) =	vadd.scan.msk.f32 $0xffff, v14;
	v28 =	vadd.f32 v59, v25  }
0x202: {  	v0 =	vadd.f32 v62, v8;
	v8 =	vbroadcast v29, $0xF;
	v32, _, _ =	vpop (xrf2);
	v31 =	vadd.f32 v59, v27  }
0x203: {  	v33 =	vld [tilespmem:s0+$0x1E380];
	v6 =	vadd.f32 v23, v6;
	(xrf2) =	vadd.scan.msk.f32 $0xffff, v11;
	v34 =	vbroadcast v32, $0xF;
	v4 =	vsel vm0, v28, v59  }
0x204: {  	v7 =	vadd.f32 v7, v9;
	v36, _, _ =	vpop (xrf2);
	(xrf2) =	vadd.scan.msk.f32 $0xffff, v12;
	v35 =	vsel vm1, v4, v31;
	v4 =	vadd.f32 v4, v8  }
0x205: {  	v0 =	vadd.f32 v5, v0;
	v38, _, _ =	vpop (xrf2);
	v8 =	vbroadcast v36, $0xF;
	v37 =	vadd.f32 v35, v34  }
0x206: {  	v1 =	vadd.f32 v1, v3;
	(xrf2) =	vadd.scan.msk.f32 $0xffff, v7;
	v40 =	vbroadcast v38, $0xF;
	v39 =	vsel vm2, v35, v4  }
0x207: {  	v6 =	vadd.f32 v30, v6;
	v42, _, _ =	vpop (xrf2);
	(xrf2) =	vadd.scan.msk.f32 $0xffff, v0;
	v41 =	vadd.f32 v35, v8;
	v3 =	vsel vm3, v39, v37  }
0x208: {  	v43 =	vmul.f32 v33, v2;
	v45 =	vbroadcast v42, $0xF;
	v44 =	vadd.f32 v3, v40;
	v46, _, _ =	vpop (xrf2)  }
0x209: {  	v3 =	vsel vm4, v3, v41;
	(xrf2) =	vadd.scan.msk.f32 $0xffff, v6;
	v47 =	vbroadcast v46, $0xF  }
0x20a: {  	v0 =	vadd.f32 v43, v1;
	v48, _, _ =	vpop (xrf2);
	v50 =	vadd.f32 v3, v45;
	v49 =	vsel vm5, v3, v44  }
0x20b: {  	v52 =	vbroadcast v48, $0xF;
	v53, _, _ =	vpop (xrf2);
	v51 =	vadd.f32 v49, v47  }
0x20c: {  	(xrf2) =	vadd.scan.msk.f32 $0xffff, v0;
	v2 =	vsel vm6, v49, v50;
	v5 =	vbroadcast v53, $0xF  }
0x20d: {  	v54, _, _ =	vpop (xrf2);
	v1 =	vadd.f32 v49, v52;
	v2 =	vsel vm7, v2, v51  }
0x20e: {  	v55, _, _ =	vpop (xrf2);
	v0 =	vbroadcast v54, $0xF;
	v56 =	vadd.f32 v2, v5  }
0x20f: {  	v57 =	vbroadcast v55, $0xF;
	v1 =	vsel vm8, v2, v1  }
0x210: {  	v58, _, _ =	vpop (xrf2);
	v0 =	vadd.f32 v1, v0;
	v4 =	vsel vm9, v1, v56  }
0x211: {  	v59, _, _ =	vpop (xrf2);
	v3 =	vbroadcast v58, $0xF;
	v2 =	vadd.f32 v4, v57  }
0x212: {  	v1 =	vbroadcast v59, $0xF;
	v0 =	vsel vm10, v4, v0  }
0x213: {  	v61 =	vadd.f32 v4, v3;
	v60, _, _ =	vpop (xrf2);
	v0 =	vsel vm11, v0, v2  }
0x214: {  	v62 =	vbroadcast v60, $0xF;
	v1 =	vadd.f32 v0, v1  }
0x215: {  	v0 =	vsel vm12, v0, v61  }
0x216: {  	v63, _, _ =	vpop (xrf2);
	v1 =	vsel vm13, v0, v1;
	v0 =	vadd.f32 v0, v62  }
0x217: {  	s14 =	sadd.s32 $0x1, s14;
	v2 =	vadd.f32 v1, v63  }
0x218: {  	s13 =	sadd.s32 s9, s6;
	p0 =	sne.s32 s14, $0x10;
	v0 =	vsel vm14, v1, v0  }
.Ltmp7:
0x219: {  	s0 =	sadd.s32 s8, s13;
	v0 =	vsel vm15, v0, v2;
	(pc) =	sbr.rel @p0 .LBB2_4-.Ltmp7, $4  }
0x21a: {  	s17 =	sadd.s32 $0x100, s17;
	s19 =	sadd.s32 $0x100, s19;
	s1 =	sadd.s32 $0x10, s0;
	[tilespmem:$0x53B8] =	vst v0  }
0x21b: {  	[hbm4b:s1+s4] =	stream.linear.scatter [tilespmem:s30], [sflag:$0x4], $0x80, $0x38;
	[tilespmem:$0x1E400] =	vst v63  }
0x21c: {  	s20 =	sadd.s32 $0x100, s20;
	s5 =	sadd.s32 $0x100, s5;
	s0 =	sadd.s32 $0x90, s0  }
0x21d: {  	[hbm4b:s0+s4] =	stream.linear.scatter [tilespmem:s31], [sflag:$0x4], $0x80, $0x38;
	[tilespmem:$0x1E400] =	vst v63  }
0x21e: {  	s0 =	simm.s32 $0x3  }
0x21f: {  	_ =	swait.ge [sflag:s0], $0x100  }
0x220: {  	[sflag:s0] =	ssyncset.done $0x0  }
0x221: {  	s1 =	simm.s32 $0x4;
	[sflag:s0] =	ssyncadd.s32 $0xFFFFFF00  }
0x222: {  	_ =	swait.ge [sflag:s1], $0x100  }
0x223: {  	s5 =	rddreg [dreg:$0xa]  }
0x224: {  	s20 =	rddreg [dreg:$0x9];
	s5 =	sadd.s32 $0x1, s5  }
0x225: {  	p0 =	sne.s32 s5, s20  }
.Ltmp8:
0x226: {  	_ = 	snop;
	(pc) =	sbr.rel @p0 .LBB2_1-.Ltmp8, $3  }
0x227: {  	_ =	sdelay $0x1  }
0x228: {  	[sflag:s1] =	ssyncset.done $0x0  }
0x229: {  	[sflag:s1] =	ssyncadd.s32 $0xFFFFFF00  }
0x22a: {  	_ =	sfence.sel $0x180000  }
0x22b: {  	[bflag:$0x0] =	sbarrier.arrive $0xFFFF  }
0x22c: {  	_ =	strace $0x90000047  }
0x22d: {  	s0 =	stileid.u32;
	[bflag:$0x2] =	sbarrier.arrive $0xFFFF  }
0x22e: {  	p0 =	sne.s32 s0, $0x0;
	s0 =	rddreg [dreg:$0x4]  }
0x22f: {  	s0 =	sadd.s32 @!p0 $0x100000, s0  }
0x230: {  	[sflag:s0] =	ssyncadd.tile.s32 @!p0 $0x1;
	_ =	shalt  }
.Lfunc_end2:
_tile_overlayer_lowered:
.L_overlay_start_2:
0x231: {  	(tag) =	ssettag $0x2  }
0x232: {  	s0 =	rddreg [dreg:$0x0];
	s2 =	stileid.u32  }
0x233: {  	s1 =	rddreg [dreg:$0x1];
	p0 =	sne.s32 s2, $0x0  }
0x234: {  	s3 =	rddreg [dreg:$0x2];
	[bflag:$0x3] =	sbarrier.arrive $0xFFFF;
	s2 =	simm.s32 @!p0 $0x1C05  }
0x235: {  	[timem:s3], [sflag:s2] =	dma.local @!p0 [hbm:s0], s1  }
0x236: {  	s0 =	simm.s32 @!p0 $0x5  }
0x237: {  	_ =	swait.ge @!p0 [sflag:s0], s1  }
0x238: {  	s1 =	ssub.s32 @!p0 $0x0, s1;
	[sflag:s0] =	ssyncset.done @!p0 $0x0  }
0x239: {  	[sflag:s0] =	ssyncadd.s32 @!p0 s1  }
0x23a: {  	[bflag:$0x3] =	sbarrier.arrive $0xFFFF  }
0x23b: {  	_ =	shalt  }

</sc_bundles>
